<compile_context>
chip_gen: v7x
topology: tpu7x:2x2x1
jax: 0.10.2.dev20260603
libtpu: 0.0.44.dev20260713+nightly
codegen_flags: <defaults>
</compile_context>

<pallas_src>
import jax
import jax.numpy as jnp
from jax import lax
from jax.experimental import pallas as pl
from jax.experimental.pallas import tpu as pltpu
from jax.experimental.pallas import tpu_sc as plsc

_N = 10000
_E = 320000
_G = 64
_INC = 128
_H = 64
_EPS = 1e-5

_NC = 2
_NS = 16
_NW = _NC * _NS
_EW = _E // _NW
_CH = 128
_NCH = -(-_EW // _CH) + (-(-_EW // _CH)) % 2
_EWP = _NCH * _CH
_RPT = 632
_NPAD = _RPT * _NS

_HI = lax.Precision.DEFAULT
_C10 = (((1,), (0,)), ((), ()))
_C00 = (((0,), (0,)), ((), ()))

_mesh = plsc.VectorSubcoreMesh(core_axis_name="c", subcore_axis_name="s")
_TCP = pltpu.CompilerParams(vmem_limit_bytes=100 * 2**20)

_NSP = 2
_WS = _H // _NSP


def _msg_body(*refs):
    hws = refs[0:_NSP]
    srcp, dstp, zblk = refs[_NSP:_NSP + 3]
    outs = refs[_NSP + 3:2 * _NSP + 3]
    k = 2 * _NSP + 3
    src_v, dst_v = refs[k:k + 2]
    bufa = refs[k + 2:k + 2 + _NSP]
    bufb = refs[k + 2 + _NSP:k + 2 + 2 * _NSP]
    accs = refs[k + 2 + 2 * _NSP:k + 2 + 3 * _NSP]
    sema, semb, semsc = refs[k + 2 + 3 * _NSP:]

    c = lax.axis_index("c")
    s = lax.axis_index("s")
    w = c * _NS + s
    pltpu.sync_copy(srcp.at[w], src_v)
    pltpu.sync_copy(dstp.at[w], dst_v)
    rows = pl.ds(s * _RPT, _RPT)
    for a in accs:
        pltpu.sync_copy(zblk, a.at[rows])
    plsc.subcore_barrier()

    def gather(j, bufs, sem):
        idx = src_v.at[pl.ds(j * _CH, _CH)]
        for hwp, b in zip(hws, bufs):
            pltpu.async_copy(hwp.at[idx], b, sem)

    def gwait(bufs, sem):
        idx = src_v.at[pl.ds(0, _CH)]
        for hwp, b in zip(hws, bufs):
            pltpu.make_async_copy(hwp.at[idx], b, sem).wait()

    def scat(j, bufs):
        idx = dst_v.at[j]
        pltpu.async_copy(bufs[0], accs[0].at[idx], semsc, add=True)
        pltpu.sync_copy(bufs[1], accs[1].at[idx], add=True)
        pltpu.make_async_copy(bufs[0], accs[0].at[idx], semsc).wait()

    gather(0, bufa, sema)
    gather(1, bufb, semb)

    def body(i, _):
        j = i * 2
        gwait(bufa, sema)
        scat(j, bufa)

        @pl.when(j + 2 < _NCH)
        def _():
            gather(j + 2, bufa, sema)
        gwait(bufb, semb)
        scat(j + 1, bufb)

        @pl.when(j + 3 < _NCH)
        def _():
            gather(j + 3, bufb, semb)
        return 0
    lax.fori_loop(0, _NCH // 2, body, 0)
    plsc.subcore_barrier()
    for a, o in zip(accs, outs):
        pltpu.sync_copy(a.at[rows], o.at[c, rows])


_msg = pl.kernel(
    _msg_body,
    out_type=[jax.ShapeDtypeStruct((_NC, _NPAD, _WS), jnp.float32)] * _NSP,
    mesh=_mesh,
    scratch_types=(
        [pltpu.VMEM((_EWP,), jnp.int32),
         pltpu.VMEM((_NCH, _CH), jnp.int32)]
        + [pltpu.VMEM((_CH, _WS), jnp.float32)] * (2 * _NSP)
        + [pltpu.VMEM_SHARED((_NPAD, _WS), jnp.float32)] * _NSP
        + [pltpu.SemaphoreType.DMA] * 3
    ),
    compiler_params=pltpu.CompilerParams(use_tc_tiling_on_sc=False),
)


def _degk_body(ones_hbm, dstp, zblk, out, dst_v, buf, acc):
    c = lax.axis_index("c")
    s = lax.axis_index("s")
    w = c * _NS + s
    pltpu.sync_copy(dstp.at[w], dst_v)
    pltpu.sync_copy(ones_hbm, buf)
    pltpu.sync_copy(zblk, acc.at[pl.ds(s * _RPT, _RPT)])
    plsc.subcore_barrier()

    def body(j, _):
        pltpu.sync_copy(buf, acc.at[dst_v.at[j]], add=True)
        return 0
    lax.fori_loop(0, _NCH, body, 0)
    plsc.subcore_barrier()
    pltpu.sync_copy(acc.at[pl.ds(s * _RPT, _RPT)],
                    out.at[c, pl.ds(s * _RPT, _RPT)])


_degk = pl.kernel(
    _degk_body,
    out_type=jax.ShapeDtypeStruct((_NC, _NPAD, 16), jnp.float32),
    mesh=_mesh,
    scratch_types=[
        pltpu.VMEM((_NCH, _CH), jnp.int32),
        pltpu.VMEM((_CH, 16), jnp.float32),
        pltpu.VMEM_SHARED((_NPAD, 16), jnp.float32),
    ],
    compiler_params=pltpu.CompilerParams(use_tc_tiling_on_sc=False),
)


def _bn_relu(accl, acch, hwl, hwh, dis, b, g, t):
    accs = jnp.concatenate(
        [accl[0, 0:_N, :] + accl[1, 0:_N, :],
         acch[0, 0:_N, :] + acch[1, 0:_N, :]], axis=1)
    hw = jnp.concatenate([hwl[...], hwh[...]], axis=1)
    sx = dis[...] * (accs + hw) + b[...]
    mu = jnp.mean(sx, axis=0, keepdims=True)
    xc = sx - mu
    var = jnp.mean(xc * xc, axis=0, keepdims=True)
    return jnp.maximum(g[...] * xc * lax.rsqrt(var + _EPS) + t[...], 0.0)


def _split_hw(hwl_o, hwh_o, dis, h, wn):
    hw = dis[...] * lax.dot_general(h, wn[...], _C10, precision=_HI,
                                    preferred_element_type=jnp.float32)
    hwl_o[...] = hw[:, 0:_WS]
    hwh_o[...] = hw[:, _WS:_H]


def _prep_body(x, w0, degp, dis_o, hwl_o, hwh_o):
    deg = degp[0, 0:_N, 0:1] + degp[1, 0:_N, 0:1] + 1.0
    dis = lax.rsqrt(deg)
    dis_o[...] = dis
    _split_hw(hwl_o, hwh_o, dis_o, x[...], w0)


_prep = pl.pallas_call(
    _prep_body,
    out_shape=[jax.ShapeDtypeStruct((_N, 1), jnp.float32),
               jax.ShapeDtypeStruct((_N, _WS), jnp.float32),
               jax.ShapeDtypeStruct((_N, _WS), jnp.float32)],
    compiler_params=_TCP,
)


def _post0_body(accl, acch, hwl, hwh, dis, b, g, t, wn, h_o, hwl_o, hwh_o):
    h = _bn_relu(accl, acch, hwl, hwh, dis, b, g, t)
    h_o[...] = h
    _split_hw(hwl_o, hwh_o, dis, h, wn)


_post0 = pl.pallas_call(
    _post0_body,
    out_shape=[jax.ShapeDtypeStruct((_N, _H), jnp.float32),
               jax.ShapeDtypeStruct((_N, _WS), jnp.float32),
               jax.ShapeDtypeStruct((_N, _WS), jnp.float32)],
    compiler_params=_TCP,
)


def _mid_body(accl, acch, hwl, hwh, dis, b, g, t, res, wn, h_o, hwl_o, hwh_o):
    h = res[...] + _bn_relu(accl, acch, hwl, hwh, dis, b, g, t)
    h_o[...] = h
    _split_hw(hwl_o, hwh_o, dis, h, wn)


_mid = pl.pallas_call(
    _mid_body,
    out_shape=[jax.ShapeDtypeStruct((_N, _H), jnp.float32),
               jax.ShapeDtypeStruct((_N, _WS), jnp.float32),
               jax.ShapeDtypeStruct((_N, _WS), jnp.float32)],
    compiler_params=_TCP,
)


def _fin_body(accl, acch, hwl, hwh, dis, b, g, t, res, bcol,
              wh, bh, wo, bo, out_o):
    y = res[...] + _bn_relu(accl, acch, hwl, hwh, dis, b, g, t)
    onehot = (bcol[...] == lax.broadcasted_iota(jnp.int32, (_N, _G), 1)
              ).astype(jnp.float32)
    sums = lax.dot_general(onehot, y, _C00, precision=lax.Precision.HIGHEST,
                           preferred_element_type=jnp.float32)
    cnt = lax.dot_general(onehot, jnp.ones((_N, 1), jnp.float32), _C00,
                          precision=lax.Precision.HIGHEST,
                          preferred_element_type=jnp.float32)
    pooled = sums / jnp.maximum(cnt, 1.0)
    hm = jnp.maximum(lax.dot_general(pooled, wh[...], _C10, precision=_HI,
                                     preferred_element_type=jnp.float32)
                     + bh[...], 0.0)
    out_o[...] = lax.dot_general(hm, wo[...], _C10, precision=_HI,
                                 preferred_element_type=jnp.float32) + bo[...]


_fin = pl.pallas_call(
    _fin_body,
    out_shape=jax.ShapeDtypeStruct((_G, 1), jnp.float32),
    compiler_params=_TCP,
)


def kernel(x, edge_index, batch, params):
    p = params
    src = edge_index[0].reshape(_NW, _EW)
    dst = edge_index[1].reshape(_NW, _EW)
    pad = _EWP - _EW
    srcp = jnp.concatenate(
        [src, jnp.zeros((_NW, pad), edge_index.dtype)], axis=1)
    dstp = jnp.concatenate(
        [dst, jnp.full((_NW, pad), _N, edge_index.dtype)], axis=1)
    dstp3 = dstp.reshape(_NW, _NCH, _CH)
    zblk = jnp.zeros((_RPT, _WS), jnp.float32)
    zblk16 = jnp.zeros((_RPT, 16), jnp.float32)
    ones16 = jnp.ones((_CH, 16), jnp.float32)
    bcol = batch.reshape(_N, 1)

    def v(k):
        return p[k].reshape(1, -1)

    degp = _degk(ones16, dstp3, zblk16)
    dis, hwl, hwh = _prep(x, p['W0'], degp)

    accl, acch = _msg(hwl, hwh, srcp, dstp3, zblk)
    h, hwl, hwh = _post0(accl, acch, hwl, hwh, dis,
                         v('b0'), v('g0'), v('t0'), p['W1'])
    for i in (1, 2):
        accl, acch = _msg(hwl, hwh, srcp, dstp3, zblk)
        h, hwl, hwh = _mid(accl, acch, hwl, hwh, dis,
                           v('b%d' % i), v('g%d' % i), v('t%d' % i),
                           h, p['W%d' % (i + 1)])
    accl, acch = _msg(hwl, hwh, srcp, dstp3, zblk)
    return _fin(accl, acch, hwl, hwh, dis, v('b3'), v('g3'), v('t3'), h, bcol,
                p['Wh'], v('bh'), p['Wo'], v('bo'))

# --- scband reference (transcript-rebuilt; emitter-appended) ---
"""Pipeline reference for scband-graph-convolutional-network-51797305590026 (READ-ONLY COPY).

The authoritative reference and input builder live on the scoring server;
editing this copy changes nothing except your own understanding.
"""

import jax, jax.numpy as jnp
import numpy as np

N = 10000
E = 320000
G = 64
IN_C = 128
H = 64
EPS = 1e-5


def _init_params(key):
    ks = jax.random.split(key, 10)
    def lin(k, i, o):
        return (jax.random.normal(k, (i, o), jnp.float32) / np.sqrt(i)).astype(jnp.float32)
    params = {}
    params['W0'] = lin(ks[0], IN_C, H)
    params['b0'] = jnp.zeros((H,), jnp.float32)
    params['g0'] = jnp.ones((H,), jnp.float32)
    params['t0'] = jnp.zeros((H,), jnp.float32)
    for i in range(1, 4):
        params['W%d' % i] = lin(ks[i], H, H)
        params['b%d' % i] = jnp.zeros((H,), jnp.float32)
        params['g%d' % i] = jnp.ones((H,), jnp.float32)
        params['t%d' % i] = jnp.zeros((H,), jnp.float32)
    params['Wh'] = lin(ks[8], H, H // 2)
    params['bh'] = jnp.zeros((H // 2,), jnp.float32)
    params['Wo'] = lin(ks[9], H // 2, 1)
    params['bo'] = jnp.zeros((1,), jnp.float32)
    return params


def setup_inputs(seed: int = 0):
    key = jax.random.key(seed)
    k1, k2, k3, k4 = jax.random.split(key, 4)
    x = jax.random.normal(k1, (N, IN_C), jnp.float32)
    edge_index = jax.random.randint(k2, (2, E), 0, N, dtype=jnp.int32)
    batch = jnp.sort(jax.random.randint(k3, (N,), 0, G, dtype=jnp.int32))
    params = _init_params(k4)
    return {'x': x, 'edge_index': edge_index, 'batch': batch, 'params': params}


def _gcn(x, src, dst, W, b):
    # GCNConv with self-loops already appended to (src, dst); symmetric normalization
    n = x.shape[0]
    deg = jnp.zeros((n,), x.dtype).at[dst].add(1.0)  # >= 1 due to self-loops
    dis = jax.lax.rsqrt(deg)
    norm = dis[src] * dis[dst]
    h = x @ W
    msg = h[src] * norm[:, None]
    out = jnp.zeros((n, W.shape[1]), x.dtype).at[dst].add(msg)
    return out + b


def _bn(x, g, t):
    # BatchNorm in training mode: batch statistics over nodes
    mu = jnp.mean(x, axis=0)
    var = jnp.var(x, axis=0)
    return g * (x - mu) * jax.lax.rsqrt(var + EPS) + t


def reference(x, edge_index, batch, params):
    loops = jnp.arange(N, dtype=edge_index.dtype)
    src = jnp.concatenate([edge_index[0], loops])
    dst = jnp.concatenate([edge_index[1], loops])
    # input head (dropout is identity at inference)
    h = jax.nn.relu(_bn(_gcn(x, src, dst, params['W0'], params['b0']), params['g0'], params['t0']))
    # residual GCN blocks
    for i in range(1, 4):
        h = h + jax.nn.relu(_bn(_gcn(h, src, dst, params['W%d' % i], params['b%d' % i]), params['g%d' % i], params['t%d' % i]))
    # global mean pool
    sums = jax.ops.segment_sum(h, batch, num_segments=G)
    cnt = jax.ops.segment_sum(jnp.ones((N,), h.dtype), batch, num_segments=G)
    pooled = sums / jnp.maximum(cnt, 1.0)[:, None]
    # output head
    out = jax.nn.relu(pooled @ params['Wh'] + params['bh']) @ params['Wo'] + params['bo']
    return out

if __name__ == "__main__":
    import jax
    _d = setup_inputs()
    print(jax.jit(kernel)(*tuple(_d.values())))

</pallas_src>

<mosaic_0001>
#map = affine_map<(d0, d1) -> (0, 0)>
#map1 = affine_map<(d0, d1) -> (0, 0, 0)>
module attributes {stable_mosaic.version = 14 : i64} {
  func.func @_msg_body(%arg0: i32, %arg1: i32, %arg2: memref<10000x32xf32, #tpu.memory_space<hbm>>, %arg3: memref<10000x32xf32, #tpu.memory_space<hbm>>, %arg4: memref<32x10240xi32, #tpu.memory_space<hbm>>, %arg5: memref<32x80x128xi32, #tpu.memory_space<hbm>>, %arg6: memref<632x32xf32, #tpu.memory_space<hbm>>, %arg7: memref<2x10112x32xf32, #tpu.memory_space<hbm>>, %arg8: memref<2x10112x32xf32, #tpu.memory_space<hbm>>, %arg9: memref<10240xi32, #tpu.memory_space<vmem>>, %arg10: memref<80x128xi32, #tpu.memory_space<vmem>>, %arg11: memref<128x32xf32, #tpu.memory_space<vmem>>, %arg12: memref<128x32xf32, #tpu.memory_space<vmem>>, %arg13: memref<128x32xf32, #tpu.memory_space<vmem>>, %arg14: memref<128x32xf32, #tpu.memory_space<vmem>>, %arg15: memref<10112x32xf32, #tpu.memory_space<vmem_shared>>, %arg16: memref<10112x32xf32, #tpu.memory_space<vmem_shared>>, %arg17: memref<!tpu.dma_semaphore, #tpu.memory_space<semaphore_mem>>, %arg18: memref<!tpu.dma_semaphore, #tpu.memory_space<semaphore_mem>>, %arg19: memref<!tpu.dma_semaphore, #tpu.memory_space<semaphore_mem>>) attributes {dimension_semantics = [#tpu.dimension_semantics<core_parallel>, #tpu.dimension_semantics<subcore_parallel>], iteration_bounds = array<i64: 2, 16>, scalar_prefetch = 0 : i64, scratch_operands = 11 : i64, tpu.core_type = #tpu.core_type<sc_vector_subcore>, window_params = [{transform_indices = #map}, {transform_indices = #map}, {transform_indices = #map}, {transform_indices = #map1}, {transform_indices = #map}, {transform_indices = #map1}, {transform_indices = #map1}]} {
    %mul3A = arith.constant 16 : i32
    %mul3A_0 = arith.muli %arg0, %mul3A : i32
    %add3A = arith.addi %mul3A_0, %arg1 : i32
    "tpu.region"() ({
      %run_scoped3A = tpu.sem_alloc : memref<!tpu.dma_semaphore, #tpu.memory_space<semaphore_mem>>
      %dma_start3A_29 = arith.constant 0 : i32
      %dma_start3A_30 = tpu.memref_slice %arg4[%add3A, %dma_start3A_29] : memref<32x10240xi32, #tpu.memory_space<hbm>> -> memref<1x10240xi32, #tpu.memory_space<hbm>>
      %dma_start3A_31 = tpu.memref_squeeze %dma_start3A_30 : memref<1x10240xi32, #tpu.memory_space<hbm>> -> memref<10240xi32, #tpu.memory_space<hbm>>
      %dma_start3A_32 = arith.constant 0 : i32
      %dma_start3A_33 = tpu.memref_slice %arg4[%add3A, %dma_start3A_32] : memref<32x10240xi32, #tpu.memory_space<hbm>> -> memref<1x10240xi32, #tpu.memory_space<hbm>>
      %dma_start3A_34 = tpu.memref_squeeze %dma_start3A_33 : memref<1x10240xi32, #tpu.memory_space<hbm>> -> memref<10240xi32, #tpu.memory_space<hbm>>
      tpu.enqueue_dma source(%dma_start3A_34 : memref<10240xi32, #tpu.memory_space<hbm>>) target(%arg9 : memref<10240xi32, #tpu.memory_space<vmem>>) target_semaphore(%run_scoped3A : memref<!tpu.dma_semaphore, #tpu.memory_space<semaphore_mem>>)
      %dma_wait3A = arith.constant 0 : i32
      %dma_wait3A_35 = tpu.memref_slice %arg4[%add3A, %dma_wait3A] : memref<32x10240xi32, #tpu.memory_space<hbm>> -> memref<1x10240xi32, #tpu.memory_space<hbm>>
      %dma_wait3A_36 = tpu.memref_squeeze %dma_wait3A_35 : memref<1x10240xi32, #tpu.memory_space<hbm>> -> memref<10240xi32, #tpu.memory_space<hbm>>
      %dma_wait3A_37 = arith.constant 0 : i32
      %dma_wait3A_38 = tpu.memref_slice %arg4[%add3A, %dma_wait3A_37] : memref<32x10240xi32, #tpu.memory_space<hbm>> -> memref<1x10240xi32, #tpu.memory_space<hbm>>
      %dma_wait3A_39 = tpu.memref_squeeze %dma_wait3A_38 : memref<1x10240xi32, #tpu.memory_space<hbm>> -> memref<10240xi32, #tpu.memory_space<hbm>>
      tpu.wait_dma2 semaphore(%run_scoped3A : memref<!tpu.dma_semaphore, #tpu.memory_space<semaphore_mem>>) src(%dma_wait3A_39 : memref<10240xi32, #tpu.memory_space<hbm>>) dst(%arg9 : memref<10240xi32, #tpu.memory_space<vmem>>)
      tpu.yield
    }) : () -> ()
    "tpu.region"() ({
      %run_scoped3A = tpu.sem_alloc : memref<!tpu.dma_semaphore, #tpu.memory_space<semaphore_mem>>
      %dma_start3A_29 = arith.constant 0 : i32
      %dma_start3A_30 = arith.constant 0 : i32
      %dma_start3A_31 = tpu.memref_slice %arg5[%add3A, %dma_start3A_29, %dma_start3A_30] : memref<32x80x128xi32, #tpu.memory_space<hbm>> -> memref<1x80x128xi32, #tpu.memory_space<hbm>>
      %dma_start3A_32 = tpu.memref_squeeze %dma_start3A_31 : memref<1x80x128xi32, #tpu.memory_space<hbm>> -> memref<80x128xi32, #tpu.memory_space<hbm>>
      %dma_start3A_33 = arith.constant 0 : i32
      %dma_start3A_34 = arith.constant 0 : i32
      %dma_start3A_35 = tpu.memref_slice %arg5[%add3A, %dma_start3A_33, %dma_start3A_34] : memref<32x80x128xi32, #tpu.memory_space<hbm>> -> memref<1x80x128xi32, #tpu.memory_space<hbm>>
      %dma_start3A_36 = tpu.memref_squeeze %dma_start3A_35 : memref<1x80x128xi32, #tpu.memory_space<hbm>> -> memref<80x128xi32, #tpu.memory_space<hbm>>
      tpu.enqueue_dma source(%dma_start3A_36 : memref<80x128xi32, #tpu.memory_space<hbm>>) target(%arg10 : memref<80x128xi32, #tpu.memory_space<vmem>>) target_semaphore(%run_scoped3A : memref<!tpu.dma_semaphore, #tpu.memory_space<semaphore_mem>>)
      %dma_wait3A = arith.constant 0 : i32
      %dma_wait3A_37 = arith.constant 0 : i32
      %dma_wait3A_38 = tpu.memref_slice %arg5[%add3A, %dma_wait3A, %dma_wait3A_37] : memref<32x80x128xi32, #tpu.memory_space<hbm>> -> memref<1x80x128xi32, #tpu.memory_space<hbm>>
      %dma_wait3A_39 = tpu.memref_squeeze %dma_wait3A_38 : memref<1x80x128xi32, #tpu.memory_space<hbm>> -> memref<80x128xi32, #tpu.memory_space<hbm>>
      %dma_wait3A_40 = arith.constant 0 : i32
      %dma_wait3A_41 = arith.constant 0 : i32
      %dma_wait3A_42 = tpu.memref_slice %arg5[%add3A, %dma_wait3A_40, %dma_wait3A_41] : memref<32x80x128xi32, #tpu.memory_space<hbm>> -> memref<1x80x128xi32, #tpu.memory_space<hbm>>
      %dma_wait3A_43 = tpu.memref_squeeze %dma_wait3A_42 : memref<1x80x128xi32, #tpu.memory_space<hbm>> -> memref<80x128xi32, #tpu.memory_space<hbm>>
      tpu.wait_dma2 semaphore(%run_scoped3A : memref<!tpu.dma_semaphore, #tpu.memory_space<semaphore_mem>>) src(%dma_wait3A_43 : memref<80x128xi32, #tpu.memory_space<hbm>>) dst(%arg10 : memref<80x128xi32, #tpu.memory_space<vmem>>)
      tpu.yield
    }) : () -> ()
    %mul3A_1 = arith.constant 632 : i32
    %mul3A_2 = arith.muli %arg1, %mul3A_1 : i32
    "tpu.region"() ({
      %run_scoped3A = tpu.sem_alloc : memref<!tpu.dma_semaphore, #tpu.memory_space<semaphore_mem>>
      %dma_start3A_29 = arith.constant 0 : i32
      %dma_start3A_30 = tpu.memref_slice %arg15[%mul3A_2, %dma_start3A_29] : memref<10112x32xf32, #tpu.memory_space<vmem_shared>> -> memref<632x32xf32, #tpu.memory_space<vmem_shared>>
      tpu.enqueue_dma source(%arg6 : memref<632x32xf32, #tpu.memory_space<hbm>>) target(%dma_start3A_30 : memref<632x32xf32, #tpu.memory_space<vmem_shared>>) target_semaphore(%run_scoped3A : memref<!tpu.dma_semaphore, #tpu.memory_space<semaphore_mem>>)
      %dma_wait3A = arith.constant 0 : i32
      %dma_wait3A_31 = tpu.memref_slice %arg15[%mul3A_2, %dma_wait3A] : memref<10112x32xf32, #tpu.memory_space<vmem_shared>> -> memref<632x32xf32, #tpu.memory_space<vmem_shared>>
      tpu.wait_dma2 semaphore(%run_scoped3A : memref<!tpu.dma_semaphore, #tpu.memory_space<semaphore_mem>>) src(%arg6 : memref<632x32xf32, #tpu.memory_space<hbm>>) dst(%dma_wait3A_31 : memref<632x32xf32, #tpu.memory_space<vmem_shared>>)
      tpu.yield
    }) : () -> ()
    "tpu.region"() ({
      %run_scoped3A = tpu.sem_alloc : memref<!tpu.dma_semaphore, #tpu.memory_space<semaphore_mem>>
      %dma_start3A_29 = arith.constant 0 : i32
      %dma_start3A_30 = tpu.memref_slice %arg16[%mul3A_2, %dma_start3A_29] : memref<10112x32xf32, #tpu.memory_space<vmem_shared>> -> memref<632x32xf32, #tpu.memory_space<vmem_shared>>
      tpu.enqueue_dma source(%arg6 : memref<632x32xf32, #tpu.memory_space<hbm>>) target(%dma_start3A_30 : memref<632x32xf32, #tpu.memory_space<vmem_shared>>) target_semaphore(%run_scoped3A : memref<!tpu.dma_semaphore, #tpu.memory_space<semaphore_mem>>)
      %dma_wait3A = arith.constant 0 : i32
      %dma_wait3A_31 = tpu.memref_slice %arg16[%mul3A_2, %dma_wait3A] : memref<10112x32xf32, #tpu.memory_space<vmem_shared>> -> memref<632x32xf32, #tpu.memory_space<vmem_shared>>
      tpu.wait_dma2 semaphore(%run_scoped3A : memref<!tpu.dma_semaphore, #tpu.memory_space<semaphore_mem>>) src(%arg6 : memref<632x32xf32, #tpu.memory_space<hbm>>) dst(%dma_wait3A_31 : memref<632x32xf32, #tpu.memory_space<vmem_shared>>)
      tpu.yield
    }) : () -> ()
    %barrier3A = arith.constant 0 : index
    tpu.barrier barrier_id(%barrier3A)
    %dma_start3A = arith.constant 0 : i32
    %dma_start3A_3 = tpu.memref_slice %arg9[%dma_start3A] : memref<10240xi32, #tpu.memory_space<vmem>> -> memref<128xi32, #tpu.memory_space<vmem>>
    %dma_start3A_4 = arith.constant 0 : i32
    %dma_start3A_5 = arith.constant 0 : i32
    %dma_start3A_6 = tpu.memref_slice %arg2[%dma_start3A_4, %dma_start3A_5] : memref<10000x32xf32, #tpu.memory_space<hbm>> -> memref<10000x32xf32, #tpu.memory_space<hbm>>
    tpu.enqueue_indirect_dma source(%dma_start3A_6 : memref<10000x32xf32, #tpu.memory_space<hbm>>) target(%arg11 : memref<128x32xf32, #tpu.memory_space<vmem>>) offsets(%dma_start3A_3 : memref<128xi32, #tpu.memory_space<vmem>>) semaphore(%arg17 : memref<!tpu.dma_semaphore, #tpu.memory_space<semaphore_mem>>)
    %dma_start3A_7 = arith.constant 0 : i32
    %dma_start3A_8 = tpu.memref_slice %arg9[%dma_start3A_7] : memref<10240xi32, #tpu.memory_space<vmem>> -> memref<128xi32, #tpu.memory_space<vmem>>
    %dma_start3A_9 = arith.constant 0 : i32
    %dma_start3A_10 = arith.constant 0 : i32
    %dma_start3A_11 = tpu.memref_slice %arg3[%dma_start3A_9, %dma_start3A_10] : memref<10000x32xf32, #tpu.memory_space<hbm>> -> memref<10000x32xf32, #tpu.memory_space<hbm>>
    tpu.enqueue_indirect_dma source(%dma_start3A_11 : memref<10000x32xf32, #tpu.memory_space<hbm>>) target(%arg12 : memref<128x32xf32, #tpu.memory_space<vmem>>) offsets(%dma_start3A_8 : memref<128xi32, #tpu.memory_space<vmem>>) semaphore(%arg17 : memref<!tpu.dma_semaphore, #tpu.memory_space<semaphore_mem>>)
    %dma_start3A_12 = arith.constant 128 : i32
    %dma_start3A_13 = tpu.memref_slice %arg9[%dma_start3A_12] : memref<10240xi32, #tpu.memory_space<vmem>> -> memref<128xi32, #tpu.memory_space<vmem>>
    %dma_start3A_14 = arith.constant 0 : i32
    %dma_start3A_15 = arith.constant 0 : i32
    %dma_start3A_16 = tpu.memref_slice %arg2[%dma_start3A_14, %dma_start3A_15] : memref<10000x32xf32, #tpu.memory_space<hbm>> -> memref<10000x32xf32, #tpu.memory_space<hbm>>
    tpu.enqueue_indirect_dma source(%dma_start3A_16 : memref<10000x32xf32, #tpu.memory_space<hbm>>) target(%arg13 : memref<128x32xf32, #tpu.memory_space<vmem>>) offsets(%dma_start3A_13 : memref<128xi32, #tpu.memory_space<vmem>>) semaphore(%arg18 : memref<!tpu.dma_semaphore, #tpu.memory_space<semaphore_mem>>)
    %dma_start3A_17 = arith.constant 128 : i32
    %dma_start3A_18 = tpu.memref_slice %arg9[%dma_start3A_17] : memref<10240xi32, #tpu.memory_space<vmem>> -> memref<128xi32, #tpu.memory_space<vmem>>
    %dma_start3A_19 = arith.constant 0 : i32
    %dma_start3A_20 = arith.constant 0 : i32
    %dma_start3A_21 = tpu.memref_slice %arg3[%dma_start3A_19, %dma_start3A_20] : memref<10000x32xf32, #tpu.memory_space<hbm>> -> memref<10000x32xf32, #tpu.memory_space<hbm>>
    tpu.enqueue_indirect_dma source(%dma_start3A_21 : memref<10000x32xf32, #tpu.memory_space<hbm>>) target(%arg14 : memref<128x32xf32, #tpu.memory_space<vmem>>) offsets(%dma_start3A_18 : memref<128xi32, #tpu.memory_space<vmem>>) semaphore(%arg18 : memref<!tpu.dma_semaphore, #tpu.memory_space<semaphore_mem>>)
    %scan3A = arith.constant 0 : i32
    %scan3A_22 = arith.constant 0 : i32
    %scan3A_23 = arith.constant 40 : i32
    %scan3A_24 = arith.addi %scan3A_22, %scan3A_23 : i32
    %scan3A_25 = arith.constant 1 : i32
    %scan3A_26 = scf.for %scan3A_29 = %scan3A_22 to %scan3A_24 step %scan3A_25 iter_args(%scan3A_30 = %scan3A) -> (i32)  : i32 {
      %mul3A_31 = arith.constant 2 : i32
      %mul3A_32 = arith.muli %scan3A_29, %mul3A_31 : i32
      %dma_wait3A = arith.constant 0 : i32
      %dma_wait3A_33 = tpu.memref_slice %arg9[%dma_wait3A] : memref<10240xi32, #tpu.memory_space<vmem>> -> memref<128xi32, #tpu.memory_space<vmem>>
      %dma_wait3A_34 = arith.constant 0 : i32
      %dma_wait3A_35 = arith.constant 0 : i32
      %dma_wait3A_36 = tpu.memref_slice %arg2[%dma_wait3A_34, %dma_wait3A_35] : memref<10000x32xf32, #tpu.memory_space<hbm>> -> memref<10000x32xf32, #tpu.memory_space<hbm>>
      tpu.wait_indirect_dma semaphore(%arg17 : memref<!tpu.dma_semaphore, #tpu.memory_space<semaphore_mem>>) src(%dma_wait3A_36 : memref<10000x32xf32, #tpu.memory_space<hbm>>) dst(%arg11 : memref<128x32xf32, #tpu.memory_space<vmem>>)
      %dma_wait3A_37 = arith.constant 0 : i32
      %dma_wait3A_38 = tpu.memref_slice %arg9[%dma_wait3A_37] : memref<10240xi32, #tpu.memory_space<vmem>> -> memref<128xi32, #tpu.memory_space<vmem>>
      %dma_wait3A_39 = arith.constant 0 : i32
      %dma_wait3A_40 = arith.constant 0 : i32
      %dma_wait3A_41 = tpu.memref_slice %arg3[%dma_wait3A_39, %dma_wait3A_40] : memref<10000x32xf32, #tpu.memory_space<hbm>> -> memref<10000x32xf32, #tpu.memory_space<hbm>>
      tpu.wait_indirect_dma semaphore(%arg17 : memref<!tpu.dma_semaphore, #tpu.memory_space<semaphore_mem>>) src(%dma_wait3A_41 : memref<10000x32xf32, #tpu.memory_space<hbm>>) dst(%arg12 : memref<128x32xf32, #tpu.memory_space<vmem>>)
      %dma_start3A_42 = arith.constant 0 : i32
      %dma_start3A_43 = tpu.memref_slice %arg10[%mul3A_32, %dma_start3A_42] : memref<80x128xi32, #tpu.memory_space<vmem>> -> memref<1x128xi32, #tpu.memory_space<vmem>>
      %dma_start3A_44 = tpu.memref_squeeze %dma_start3A_43 : memref<1x128xi32, #tpu.memory_space<vmem>> -> memref<128xi32, #tpu.memory_space<vmem>>
      %dma_start3A_45 = arith.constant 0 : i32
      %dma_start3A_46 = arith.constant 0 : i32
      %dma_start3A_47 = tpu.memref_slice %arg15[%dma_start3A_45, %dma_start3A_46] : memref<10112x32xf32, #tpu.memory_space<vmem_shared>> -> memref<10112x32xf32, #tpu.memory_space<vmem_shared>>
      tpu.enqueue_indirect_dma source(%arg11 : memref<128x32xf32, #tpu.memory_space<vmem>>) target(%dma_start3A_47 : memref<10112x32xf32, #tpu.memory_space<vmem_shared>>) offsets(%dma_start3A_44 : memref<128xi32, #tpu.memory_space<vmem>>) semaphore(%arg19 : memref<!tpu.dma_semaphore, #tpu.memory_space<semaphore_mem>>) {add = true}
      "tpu.region"() ({
        %run_scoped3A = tpu.sem_alloc : memref<!tpu.dma_semaphore, #tpu.memory_space<semaphore_mem>>
        %dma_start3A_90 = arith.constant 0 : i32
        %dma_start3A_91 = tpu.memref_slice %arg10[%mul3A_32, %dma_start3A_90] : memref<80x128xi32, #tpu.memory_space<vmem>> -> memref<1x128xi32, #tpu.memory_space<vmem>>
        %dma_start3A_92 = tpu.memref_squeeze %dma_start3A_91 : memref<1x128xi32, #tpu.memory_space<vmem>> -> memref<128xi32, #tpu.memory_space<vmem>>
        %dma_start3A_93 = arith.constant 0 : i32
        %dma_start3A_94 = arith.constant 0 : i32
        %dma_start3A_95 = tpu.memref_slice %arg16[%dma_start3A_93, %dma_start3A_94] : memref<10112x32xf32, #tpu.memory_space<vmem_shared>> -> memref<10112x32xf32, #tpu.memory_space<vmem_shared>>
        tpu.enqueue_indirect_dma source(%arg12 : memref<128x32xf32, #tpu.memory_space<vmem>>) target(%dma_start3A_95 : memref<10112x32xf32, #tpu.memory_space<vmem_shared>>) offsets(%dma_start3A_92 : memref<128xi32, #tpu.memory_space<vmem>>) semaphore(%run_scoped3A : memref<!tpu.dma_semaphore, #tpu.memory_space<semaphore_mem>>) {add = true}
        %dma_wait3A_96 = arith.constant 0 : i32
        %dma_wait3A_97 = tpu.memref_slice %arg10[%mul3A_32, %dma_wait3A_96] : memref<80x128xi32, #tpu.memory_space<vmem>> -> memref<1x128xi32, #tpu.memory_space<vmem>>
        %dma_wait3A_98 = tpu.memref_squeeze %dma_wait3A_97 : memref<1x128xi32, #tpu.memory_space<vmem>> -> memref<128xi32, #tpu.memory_space<vmem>>
        %dma_wait3A_99 = arith.constant 0 : i32
        %dma_wait3A_100 = arith.constant 0 : i32
        %dma_wait3A_101 = tpu.memref_slice %arg16[%dma_wait3A_99, %dma_wait3A_100] : memref<10112x32xf32, #tpu.memory_space<vmem_shared>> -> memref<10112x32xf32, #tpu.memory_space<vmem_shared>>
        tpu.wait_indirect_dma semaphore(%run_scoped3A : memref<!tpu.dma_semaphore, #tpu.memory_space<semaphore_mem>>) src(%arg12 : memref<128x32xf32, #tpu.memory_space<vmem>>) dst(%dma_wait3A_101 : memref<10112x32xf32, #tpu.memory_space<vmem_shared>>)
        tpu.yield
      }) : () -> ()
      %dma_wait3A_48 = arith.constant 0 : i32
      %dma_wait3A_49 = tpu.memref_slice %arg10[%mul3A_32, %dma_wait3A_48] : memref<80x128xi32, #tpu.memory_space<vmem>> -> memref<1x128xi32, #tpu.memory_space<vmem>>
      %dma_wait3A_50 = tpu.memref_squeeze %dma_wait3A_49 : memref<1x128xi32, #tpu.memory_space<vmem>> -> memref<128xi32, #tpu.memory_space<vmem>>
      %dma_wait3A_51 = arith.constant 0 : i32
      %dma_wait3A_52 = arith.constant 0 : i32
      %dma_wait3A_53 = tpu.memref_slice %arg15[%dma_wait3A_51, %dma_wait3A_52] : memref<10112x32xf32, #tpu.memory_space<vmem_shared>> -> memref<10112x32xf32, #tpu.memory_space<vmem_shared>>
      tpu.wait_indirect_dma semaphore(%arg19 : memref<!tpu.dma_semaphore, #tpu.memory_space<semaphore_mem>>) src(%arg11 : memref<128x32xf32, #tpu.memory_space<vmem>>) dst(%dma_wait3A_53 : memref<10112x32xf32, #tpu.memory_space<vmem_shared>>)
      %add3A_54 = arith.constant 2 : i32
      %add3A_55 = arith.addi %mul3A_32, %add3A_54 : i32
      %lt3A = arith.constant 80 : i32
      %lt3A_56 = arith.cmpi slt, %add3A_55, %lt3A : i32
      %convert_element_type3A = arith.extui %lt3A_56 : i1 to i32
      %cond3A = arith.constant 0 : i32
      %cond3A_57 = arith.cmpi ne, %convert_element_type3A, %cond3A : i32
      scf.if %cond3A_57 {
        %add3A_90 = arith.constant 2 : i32
        %add3A_91 = arith.addi %mul3A_32, %add3A_90 : i32
        %mul3A_92 = arith.constant 128 : i32
        %mul3A_93 = arith.muli %add3A_91, %mul3A_92 : i32
        %dma_start3A_94 = tpu.memref_slice %arg9[%mul3A_93] : memref<10240xi32, #tpu.memory_space<vmem>> -> memref<128xi32, #tpu.memory_space<vmem>>
        %dma_start3A_95 = arith.constant 0 : i32
        %dma_start3A_96 = arith.constant 0 : i32
        %dma_start3A_97 = tpu.memref_slice %arg2[%dma_start3A_95, %dma_start3A_96] : memref<10000x32xf32, #tpu.memory_space<hbm>> -> memref<10000x32xf32, #tpu.memory_space<hbm>>
        tpu.enqueue_indirect_dma source(%dma_start3A_97 : memref<10000x32xf32, #tpu.memory_space<hbm>>) target(%arg11 : memref<128x32xf32, #tpu.memory_space<vmem>>) offsets(%dma_start3A_94 : memref<128xi32, #tpu.memory_space<vmem>>) semaphore(%arg17 : memref<!tpu.dma_semaphore, #tpu.memory_space<semaphore_mem>>)
        %dma_start3A_98 = tpu.memref_slice %arg9[%mul3A_93] : memref<10240xi32, #tpu.memory_space<vmem>> -> memref<128xi32, #tpu.memory_space<vmem>>
        %dma_start3A_99 = arith.constant 0 : i32
        %dma_start3A_100 = arith.constant 0 : i32
        %dma_start3A_101 = tpu.memref_slice %arg3[%dma_start3A_99, %dma_start3A_100] : memref<10000x32xf32, #tpu.memory_space<hbm>> -> memref<10000x32xf32, #tpu.memory_space<hbm>>
        tpu.enqueue_indirect_dma source(%dma_start3A_101 : memref<10000x32xf32, #tpu.memory_space<hbm>>) target(%arg12 : memref<128x32xf32, #tpu.memory_space<vmem>>) offsets(%dma_start3A_98 : memref<128xi32, #tpu.memory_space<vmem>>) semaphore(%arg17 : memref<!tpu.dma_semaphore, #tpu.memory_space<semaphore_mem>>)
      } else {
      }
      %dma_wait3A_58 = arith.constant 0 : i32
      %dma_wait3A_59 = tpu.memref_slice %arg9[%dma_wait3A_58] : memref<10240xi32, #tpu.memory_space<vmem>> -> memref<128xi32, #tpu.memory_space<vmem>>
      %dma_wait3A_60 = arith.constant 0 : i32
      %dma_wait3A_61 = arith.constant 0 : i32
      %dma_wait3A_62 = tpu.memref_slice %arg2[%dma_wait3A_60, %dma_wait3A_61] : memref<10000x32xf32, #tpu.memory_space<hbm>> -> memref<10000x32xf32, #tpu.memory_space<hbm>>
      tpu.wait_indirect_dma semaphore(%arg18 : memref<!tpu.dma_semaphore, #tpu.memory_space<semaphore_mem>>) src(%dma_wait3A_62 : memref<10000x32xf32, #tpu.memory_space<hbm>>) dst(%arg13 : memref<128x32xf32, #tpu.memory_space<vmem>>)
      %dma_wait3A_63 = arith.constant 0 : i32
      %dma_wait3A_64 = tpu.memref_slice %arg9[%dma_wait3A_63] : memref<10240xi32, #tpu.memory_space<vmem>> -> memref<128xi32, #tpu.memory_space<vmem>>
      %dma_wait3A_65 = arith.constant 0 : i32
      %dma_wait3A_66 = arith.constant 0 : i32
      %dma_wait3A_67 = tpu.memref_slice %arg3[%dma_wait3A_65, %dma_wait3A_66] : memref<10000x32xf32, #tpu.memory_space<hbm>> -> memref<10000x32xf32, #tpu.memory_space<hbm>>
      tpu.wait_indirect_dma semaphore(%arg18 : memref<!tpu.dma_semaphore, #tpu.memory_space<semaphore_mem>>) src(%dma_wait3A_67 : memref<10000x32xf32, #tpu.memory_space<hbm>>) dst(%arg14 : memref<128x32xf32, #tpu.memory_space<vmem>>)
      %add3A_68 = arith.constant 1 : i32
      %add3A_69 = arith.addi %mul3A_32, %add3A_68 : i32
      %dma_start3A_70 = arith.constant 0 : i32
      %dma_start3A_71 = tpu.memref_slice %arg10[%add3A_69, %dma_start3A_70] : memref<80x128xi32, #tpu.memory_space<vmem>> -> memref<1x128xi32, #tpu.memory_space<vmem>>
      %dma_start3A_72 = tpu.memref_squeeze %dma_start3A_71 : memref<1x128xi32, #tpu.memory_space<vmem>> -> memref<128xi32, #tpu.memory_space<vmem>>
      %dma_start3A_73 = arith.constant 0 : i32
      %dma_start3A_74 = arith.constant 0 : i32
      %dma_start3A_75 = tpu.memref_slice %arg15[%dma_start3A_73, %dma_start3A_74] : memref<10112x32xf32, #tpu.memory_space<vmem_shared>> -> memref<10112x32xf32, #tpu.memory_space<vmem_shared>>
      tpu.enqueue_indirect_dma source(%arg13 : memref<128x32xf32, #tpu.memory_space<vmem>>) target(%dma_start3A_75 : memref<10112x32xf32, #tpu.memory_space<vmem_shared>>) offsets(%dma_start3A_72 : memref<128xi32, #tpu.memory_space<vmem>>) semaphore(%arg19 : memref<!tpu.dma_semaphore, #tpu.memory_space<semaphore_mem>>) {add = true}
      "tpu.region"() ({
        %run_scoped3A = tpu.sem_alloc : memref<!tpu.dma_semaphore, #tpu.memory_space<semaphore_mem>>
        %dma_start3A_90 = arith.constant 0 : i32
        %dma_start3A_91 = tpu.memref_slice %arg10[%add3A_69, %dma_start3A_90] : memref<80x128xi32, #tpu.memory_space<vmem>> -> memref<1x128xi32, #tpu.memory_space<vmem>>
        %dma_start3A_92 = tpu.memref_squeeze %dma_start3A_91 : memref<1x128xi32, #tpu.memory_space<vmem>> -> memref<128xi32, #tpu.memory_space<vmem>>
        %dma_start3A_93 = arith.constant 0 : i32
        %dma_start3A_94 = arith.constant 0 : i32
        %dma_start3A_95 = tpu.memref_slice %arg16[%dma_start3A_93, %dma_start3A_94] : memref<10112x32xf32, #tpu.memory_space<vmem_shared>> -> memref<10112x32xf32, #tpu.memory_space<vmem_shared>>
        tpu.enqueue_indirect_dma source(%arg14 : memref<128x32xf32, #tpu.memory_space<vmem>>) target(%dma_start3A_95 : memref<10112x32xf32, #tpu.memory_space<vmem_shared>>) offsets(%dma_start3A_92 : memref<128xi32, #tpu.memory_space<vmem>>) semaphore(%run_scoped3A : memref<!tpu.dma_semaphore, #tpu.memory_space<semaphore_mem>>) {add = true}
        %dma_wait3A_96 = arith.constant 0 : i32
        %dma_wait3A_97 = tpu.memref_slice %arg10[%add3A_69, %dma_wait3A_96] : memref<80x128xi32, #tpu.memory_space<vmem>> -> memref<1x128xi32, #tpu.memory_space<vmem>>
        %dma_wait3A_98 = tpu.memref_squeeze %dma_wait3A_97 : memref<1x128xi32, #tpu.memory_space<vmem>> -> memref<128xi32, #tpu.memory_space<vmem>>
        %dma_wait3A_99 = arith.constant 0 : i32
        %dma_wait3A_100 = arith.constant 0 : i32
        %dma_wait3A_101 = tpu.memref_slice %arg16[%dma_wait3A_99, %dma_wait3A_100] : memref<10112x32xf32, #tpu.memory_space<vmem_shared>> -> memref<10112x32xf32, #tpu.memory_space<vmem_shared>>
        tpu.wait_indirect_dma semaphore(%run_scoped3A : memref<!tpu.dma_semaphore, #tpu.memory_space<semaphore_mem>>) src(%arg14 : memref<128x32xf32, #tpu.memory_space<vmem>>) dst(%dma_wait3A_101 : memref<10112x32xf32, #tpu.memory_space<vmem_shared>>)
        tpu.yield
      }) : () -> ()
      %dma_wait3A_76 = arith.constant 0 : i32
      %dma_wait3A_77 = tpu.memref_slice %arg10[%add3A_69, %dma_wait3A_76] : memref<80x128xi32, #tpu.memory_space<vmem>> -> memref<1x128xi32, #tpu.memory_space<vmem>>
      %dma_wait3A_78 = tpu.memref_squeeze %dma_wait3A_77 : memref<1x128xi32, #tpu.memory_space<vmem>> -> memref<128xi32, #tpu.memory_space<vmem>>
      %dma_wait3A_79 = arith.constant 0 : i32
      %dma_wait3A_80 = arith.constant 0 : i32
      %dma_wait3A_81 = tpu.memref_slice %arg15[%dma_wait3A_79, %dma_wait3A_80] : memref<10112x32xf32, #tpu.memory_space<vmem_shared>> -> memref<10112x32xf32, #tpu.memory_space<vmem_shared>>
      tpu.wait_indirect_dma semaphore(%arg19 : memref<!tpu.dma_semaphore, #tpu.memory_space<semaphore_mem>>) src(%arg13 : memref<128x32xf32, #tpu.memory_space<vmem>>) dst(%dma_wait3A_81 : memref<10112x32xf32, #tpu.memory_space<vmem_shared>>)
      %add3A_82 = arith.constant 3 : i32
      %add3A_83 = arith.addi %mul3A_32, %add3A_82 : i32
      %lt3A_84 = arith.constant 80 : i32
      %lt3A_85 = arith.cmpi slt, %add3A_83, %lt3A_84 : i32
      %convert_element_type3A_86 = arith.extui %lt3A_85 : i1 to i32
      %cond3A_87 = arith.constant 0 : i32
      %cond3A_88 = arith.cmpi ne, %convert_element_type3A_86, %cond3A_87 : i32
      scf.if %cond3A_88 {
        %add3A_90 = arith.constant 3 : i32
        %add3A_91 = arith.addi %mul3A_32, %add3A_90 : i32
        %mul3A_92 = arith.constant 128 : i32
        %mul3A_93 = arith.muli %add3A_91, %mul3A_92 : i32
        %dma_start3A_94 = tpu.memref_slice %arg9[%mul3A_93] : memref<10240xi32, #tpu.memory_space<vmem>> -> memref<128xi32, #tpu.memory_space<vmem>>
        %dma_start3A_95 = arith.constant 0 : i32
        %dma_start3A_96 = arith.constant 0 : i32
        %dma_start3A_97 = tpu.memref_slice %arg2[%dma_start3A_95, %dma_start3A_96] : memref<10000x32xf32, #tpu.memory_space<hbm>> -> memref<10000x32xf32, #tpu.memory_space<hbm>>
        tpu.enqueue_indirect_dma source(%dma_start3A_97 : memref<10000x32xf32, #tpu.memory_space<hbm>>) target(%arg13 : memref<128x32xf32, #tpu.memory_space<vmem>>) offsets(%dma_start3A_94 : memref<128xi32, #tpu.memory_space<vmem>>) semaphore(%arg18 : memref<!tpu.dma_semaphore, #tpu.memory_space<semaphore_mem>>)
        %dma_start3A_98 = tpu.memref_slice %arg9[%mul3A_93] : memref<10240xi32, #tpu.memory_space<vmem>> -> memref<128xi32, #tpu.memory_space<vmem>>
        %dma_start3A_99 = arith.constant 0 : i32
        %dma_start3A_100 = arith.constant 0 : i32
        %dma_start3A_101 = tpu.memref_slice %arg3[%dma_start3A_99, %dma_start3A_100] : memref<10000x32xf32, #tpu.memory_space<hbm>> -> memref<10000x32xf32, #tpu.memory_space<hbm>>
        tpu.enqueue_indirect_dma source(%dma_start3A_101 : memref<10000x32xf32, #tpu.memory_space<hbm>>) target(%arg14 : memref<128x32xf32, #tpu.memory_space<vmem>>) offsets(%dma_start3A_98 : memref<128xi32, #tpu.memory_space<vmem>>) semaphore(%arg18 : memref<!tpu.dma_semaphore, #tpu.memory_space<semaphore_mem>>)
      } else {
      }
      %scan3A_89 = arith.constant 0 : i32
      scf.yield %scan3A_89 : i32
    }
    %scan3A_27 = arith.constant 40 : i32
    %barrier3A_28 = arith.constant 0 : index
    tpu.barrier barrier_id(%barrier3A_28)
    "tpu.region"() ({
      %run_scoped3A = tpu.sem_alloc : memref<!tpu.dma_semaphore, #tpu.memory_space<semaphore_mem>>
      %dma_start3A_29 = arith.constant 0 : i32
      %dma_start3A_30 = tpu.memref_slice %arg7[%arg0, %mul3A_2, %dma_start3A_29] : memref<2x10112x32xf32, #tpu.memory_space<hbm>> -> memref<1x632x32xf32, #tpu.memory_space<hbm>>
      %dma_start3A_31 = tpu.memref_squeeze %dma_start3A_30 : memref<1x632x32xf32, #tpu.memory_space<hbm>> -> memref<632x32xf32, #tpu.memory_space<hbm>>
      %dma_start3A_32 = arith.constant 0 : i32
      %dma_start3A_33 = tpu.memref_slice %arg15[%mul3A_2, %dma_start3A_32] : memref<10112x32xf32, #tpu.memory_space<vmem_shared>> -> memref<632x32xf32, #tpu.memory_space<vmem_shared>>
      tpu.enqueue_dma source(%dma_start3A_33 : memref<632x32xf32, #tpu.memory_space<vmem_shared>>) target(%dma_start3A_31 : memref<632x32xf32, #tpu.memory_space<hbm>>) target_semaphore(%run_scoped3A : memref<!tpu.dma_semaphore, #tpu.memory_space<semaphore_mem>>)
      %dma_wait3A = arith.constant 0 : i32
      %dma_wait3A_34 = tpu.memref_slice %arg7[%arg0, %mul3A_2, %dma_wait3A] : memref<2x10112x32xf32, #tpu.memory_space<hbm>> -> memref<1x632x32xf32, #tpu.memory_space<hbm>>
      %dma_wait3A_35 = tpu.memref_squeeze %dma_wait3A_34 : memref<1x632x32xf32, #tpu.memory_space<hbm>> -> memref<632x32xf32, #tpu.memory_space<hbm>>
      %dma_wait3A_36 = arith.constant 0 : i32
      %dma_wait3A_37 = tpu.memref_slice %arg15[%mul3A_2, %dma_wait3A_36] : memref<10112x32xf32, #tpu.memory_space<vmem_shared>> -> memref<632x32xf32, #tpu.memory_space<vmem_shared>>
      tpu.wait_dma2 semaphore(%run_scoped3A : memref<!tpu.dma_semaphore, #tpu.memory_space<semaphore_mem>>) src(%dma_wait3A_37 : memref<632x32xf32, #tpu.memory_space<vmem_shared>>) dst(%dma_wait3A_35 : memref<632x32xf32, #tpu.memory_space<hbm>>)
      tpu.yield
    }) : () -> ()
    "tpu.region"() ({
      %run_scoped3A = tpu.sem_alloc : memref<!tpu.dma_semaphore, #tpu.memory_space<semaphore_mem>>
      %dma_start3A_29 = arith.constant 0 : i32
      %dma_start3A_30 = tpu.memref_slice %arg8[%arg0, %mul3A_2, %dma_start3A_29] : memref<2x10112x32xf32, #tpu.memory_space<hbm>> -> memref<1x632x32xf32, #tpu.memory_space<hbm>>
      %dma_start3A_31 = tpu.memref_squeeze %dma_start3A_30 : memref<1x632x32xf32, #tpu.memory_space<hbm>> -> memref<632x32xf32, #tpu.memory_space<hbm>>
      %dma_start3A_32 = arith.constant 0 : i32
      %dma_start3A_33 = tpu.memref_slice %arg16[%mul3A_2, %dma_start3A_32] : memref<10112x32xf32, #tpu.memory_space<vmem_shared>> -> memref<632x32xf32, #tpu.memory_space<vmem_shared>>
      tpu.enqueue_dma source(%dma_start3A_33 : memref<632x32xf32, #tpu.memory_space<vmem_shared>>) target(%dma_start3A_31 : memref<632x32xf32, #tpu.memory_space<hbm>>) target_semaphore(%run_scoped3A : memref<!tpu.dma_semaphore, #tpu.memory_space<semaphore_mem>>)
      %dma_wait3A = arith.constant 0 : i32
      %dma_wait3A_34 = tpu.memref_slice %arg8[%arg0, %mul3A_2, %dma_wait3A] : memref<2x10112x32xf32, #tpu.memory_space<hbm>> -> memref<1x632x32xf32, #tpu.memory_space<hbm>>
      %dma_wait3A_35 = tpu.memref_squeeze %dma_wait3A_34 : memref<1x632x32xf32, #tpu.memory_space<hbm>> -> memref<632x32xf32, #tpu.memory_space<hbm>>
      %dma_wait3A_36 = arith.constant 0 : i32
      %dma_wait3A_37 = tpu.memref_slice %arg16[%mul3A_2, %dma_wait3A_36] : memref<10112x32xf32, #tpu.memory_space<vmem_shared>> -> memref<632x32xf32, #tpu.memory_space<vmem_shared>>
      tpu.wait_dma2 semaphore(%run_scoped3A : memref<!tpu.dma_semaphore, #tpu.memory_space<semaphore_mem>>) src(%dma_wait3A_37 : memref<632x32xf32, #tpu.memory_space<vmem_shared>>) dst(%dma_wait3A_35 : memref<632x32xf32, #tpu.memory_space<hbm>>)
      tpu.yield
    }) : () -> ()
    return
  }
}

#map = affine_map<(d0, d1) -> (0, 0)>
#map1 = affine_map<(d0, d1) -> (0, 0, 0)>
module attributes {stable_mosaic.version = 14 : i64} {
  func.func @_msg_body(%arg0: i32, %arg1: i32, %arg2: memref<10000x32xf32, #tpu.memory_space<hbm>>, %arg3: memref<10000x32xf32, #tpu.memory_space<hbm>>, %arg4: memref<32x10240xi32, #tpu.memory_space<hbm>>, %arg5: memref<32x80x128xi32, #tpu.memory_space<hbm>>, %arg6: memref<632x32xf32, #tpu.memory_space<hbm>>, %arg7: memref<2x10112x32xf32, #tpu.memory_space<hbm>>, %arg8: memref<2x10112x32xf32, #tpu.memory_space<hbm>>, %arg9: memref<10240xi32, #tpu.memory_space<vmem>>, %arg10: memref<80x128xi32, #tpu.memory_space<vmem>>, %arg11: memref<128x32xf32, #tpu.memory_space<vmem>>, %arg12: memref<128x32xf32, #tpu.memory_space<vmem>>, %arg13: memref<128x32xf32, #tpu.memory_space<vmem>>, %arg14: memref<128x32xf32, #tpu.memory_space<vmem>>, %arg15: memref<10112x32xf32, #tpu.memory_space<vmem_shared>>, %arg16: memref<10112x32xf32, #tpu.memory_space<vmem_shared>>, %arg17: memref<!tpu.dma_semaphore, #tpu.memory_space<semaphore_mem>>, %arg18: memref<!tpu.dma_semaphore, #tpu.memory_space<semaphore_mem>>, %arg19: memref<!tpu.dma_semaphore, #tpu.memory_space<semaphore_mem>>) attributes {dimension_semantics = [#tpu.dimension_semantics<core_parallel>, #tpu.dimension_semantics<subcore_parallel>], iteration_bounds = array<i64: 2, 16>, scalar_prefetch = 0 : i64, scratch_operands = 11 : i64, tpu.core_type = #tpu.core_type<sc_vector_subcore>, window_params = [{transform_indices = #map}, {transform_indices = #map}, {transform_indices = #map}, {transform_indices = #map1}, {transform_indices = #map}, {transform_indices = #map1}, {transform_indices = #map1}]} {
    %mul3A = arith.constant 16 : i32
    %mul3A_0 = arith.muli %arg0, %mul3A : i32
    %add3A = arith.addi %mul3A_0, %arg1 : i32
    "tpu.region"() ({
      %run_scoped3A = tpu.sem_alloc : memref<!tpu.dma_semaphore, #tpu.memory_space<semaphore_mem>>
      %dma_start3A_29 = arith.constant 0 : i32
      %dma_start3A_30 = tpu.memref_slice %arg4[%add3A, %dma_start3A_29] : memref<32x10240xi32, #tpu.memory_space<hbm>> -> memref<1x10240xi32, #tpu.memory_space<hbm>>
      %dma_start3A_31 = tpu.memref_squeeze %dma_start3A_30 : memref<1x10240xi32, #tpu.memory_space<hbm>> -> memref<10240xi32, #tpu.memory_space<hbm>>
      %dma_start3A_32 = arith.constant 0 : i32
      %dma_start3A_33 = tpu.memref_slice %arg4[%add3A, %dma_start3A_32] : memref<32x10240xi32, #tpu.memory_space<hbm>> -> memref<1x10240xi32, #tpu.memory_space<hbm>>
      %dma_start3A_34 = tpu.memref_squeeze %dma_start3A_33 : memref<1x10240xi32, #tpu.memory_space<hbm>> -> memref<10240xi32, #tpu.memory_space<hbm>>
      tpu.enqueue_dma source(%dma_start3A_34 : memref<10240xi32, #tpu.memory_space<hbm>>) target(%arg9 : memref<10240xi32, #tpu.memory_space<vmem>>) target_semaphore(%run_scoped3A : memref<!tpu.dma_semaphore, #tpu.memory_space<semaphore_mem>>)
      %dma_wait3A = arith.constant 0 : i32
      %dma_wait3A_35 = tpu.memref_slice %arg4[%add3A, %dma_wait3A] : memref<32x10240xi32, #tpu.memory_space<hbm>> -> memref<1x10240xi32, #tpu.memory_space<hbm>>
      %dma_wait3A_36 = tpu.memref_squeeze %dma_wait3A_35 : memref<1x10240xi32, #tpu.memory_space<hbm>> -> memref<10240xi32, #tpu.memory_space<hbm>>
      %dma_wait3A_37 = arith.constant 0 : i32
      %dma_wait3A_38 = tpu.memref_slice %arg4[%add3A, %dma_wait3A_37] : memref<32x10240xi32, #tpu.memory_space<hbm>> -> memref<1x10240xi32, #tpu.memory_space<hbm>>
      %dma_wait3A_39 = tpu.memref_squeeze %dma_wait3A_38 : memref<1x10240xi32, #tpu.memory_space<hbm>> -> memref<10240xi32, #tpu.memory_space<hbm>>
      tpu.wait_dma2 semaphore(%run_scoped3A : memref<!tpu.dma_semaphore, #tpu.memory_space<semaphore_mem>>) src(%dma_wait3A_39 : memref<10240xi32, #tpu.memory_space<hbm>>) dst(%arg9 : memref<10240xi32, #tpu.memory_space<vmem>>)
      tpu.yield
    }) : () -> ()
    "tpu.region"() ({
      %run_scoped3A = tpu.sem_alloc : memref<!tpu.dma_semaphore, #tpu.memory_space<semaphore_mem>>
      %dma_start3A_29 = arith.constant 0 : i32
      %dma_start3A_30 = arith.constant 0 : i32
      %dma_start3A_31 = tpu.memref_slice %arg5[%add3A, %dma_start3A_29, %dma_start3A_30] : memref<32x80x128xi32, #tpu.memory_space<hbm>> -> memref<1x80x128xi32, #tpu.memory_space<hbm>>
      %dma_start3A_32 = tpu.memref_squeeze %dma_start3A_31 : memref<1x80x128xi32, #tpu.memory_space<hbm>> -> memref<80x128xi32, #tpu.memory_space<hbm>>
      %dma_start3A_33 = arith.constant 0 : i32
      %dma_start3A_34 = arith.constant 0 : i32
      %dma_start3A_35 = tpu.memref_slice %arg5[%add3A, %dma_start3A_33, %dma_start3A_34] : memref<32x80x128xi32, #tpu.memory_space<hbm>> -> memref<1x80x128xi32, #tpu.memory_space<hbm>>
      %dma_start3A_36 = tpu.memref_squeeze %dma_start3A_35 : memref<1x80x128xi32, #tpu.memory_space<hbm>> -> memref<80x128xi32, #tpu.memory_space<hbm>>
      tpu.enqueue_dma source(%dma_start3A_36 : memref<80x128xi32, #tpu.memory_space<hbm>>) target(%arg10 : memref<80x128xi32, #tpu.memory_space<vmem>>) target_semaphore(%run_scoped3A : memref<!tpu.dma_semaphore, #tpu.memory_space<semaphore_mem>>)
      %dma_wait3A = arith.constant 0 : i32
      %dma_wait3A_37 = arith.constant 0 : i32
      %dma_wait3A_38 = tpu.memref_slice %arg5[%add3A, %dma_wait3A, %dma_wait3A_37] : memref<32x80x128xi32, #tpu.memory_space<hbm>> -> memref<1x80x128xi32, #tpu.memory_space<hbm>>
      %dma_wait3A_39 = tpu.memref_squeeze %dma_wait3A_38 : memref<1x80x128xi32, #tpu.memory_space<hbm>> -> memref<80x128xi32, #tpu.memory_space<hbm>>
      %dma_wait3A_40 = arith.constant 0 : i32
      %dma_wait3A_41 = arith.constant 0 : i32
      %dma_wait3A_42 = tpu.memref_slice %arg5[%add3A, %dma_wait3A_40, %dma_wait3A_41] : memref<32x80x128xi32, #tpu.memory_space<hbm>> -> memref<1x80x128xi32, #tpu.memory_space<hbm>>
      %dma_wait3A_43 = tpu.memref_squeeze %dma_wait3A_42 : memref<1x80x128xi32, #tpu.memory_space<hbm>> -> memref<80x128xi32, #tpu.memory_space<hbm>>
      tpu.wait_dma2 semaphore(%run_scoped3A : memref<!tpu.dma_semaphore, #tpu.memory_space<semaphore_mem>>) src(%dma_wait3A_43 : memref<80x128xi32, #tpu.memory_space<hbm>>) dst(%arg10 : memref<80x128xi32, #tpu.memory_space<vmem>>)
      tpu.yield
    }) : () -> ()
    %mul3A_1 = arith.constant 632 : i32
    %mul3A_2 = arith.muli %arg1, %mul3A_1 : i32
    "tpu.region"() ({
      %run_scoped3A = tpu.sem_alloc : memref<!tpu.dma_semaphore, #tpu.memory_space<semaphore_mem>>
      %dma_start3A_29 = arith.constant 0 : i32
      %dma_start3A_30 = tpu.memref_slice %arg15[%mul3A_2, %dma_start3A_29] : memref<10112x32xf32, #tpu.memory_space<vmem_shared>> -> memref<632x32xf32, #tpu.memory_space<vmem_shared>>
      tpu.enqueue_dma source(%arg6 : memref<632x32xf32, #tpu.memory_space<hbm>>) target(%dma_start3A_30 : memref<632x32xf32, #tpu.memory_space<vmem_shared>>) target_semaphore(%run_scoped3A : memref<!tpu.dma_semaphore, #tpu.memory_space<semaphore_mem>>)
      %dma_wait3A = arith.constant 0 : i32
      %dma_wait3A_31 = tpu.memref_slice %arg15[%mul3A_2, %dma_wait3A] : memref<10112x32xf32, #tpu.memory_space<vmem_shared>> -> memref<632x32xf32, #tpu.memory_space<vmem_shared>>
      tpu.wait_dma2 semaphore(%run_scoped3A : memref<!tpu.dma_semaphore, #tpu.memory_space<semaphore_mem>>) src(%arg6 : memref<632x32xf32, #tpu.memory_space<hbm>>) dst(%dma_wait3A_31 : memref<632x32xf32, #tpu.memory_space<vmem_shared>>)
      tpu.yield
    }) : () -> ()
    "tpu.region"() ({
      %run_scoped3A = tpu.sem_alloc : memref<!tpu.dma_semaphore, #tpu.memory_space<semaphore_mem>>
      %dma_start3A_29 = arith.constant 0 : i32
      %dma_start3A_30 = tpu.memref_slice %arg16[%mul3A_2, %dma_start3A_29] : memref<10112x32xf32, #tpu.memory_space<vmem_shared>> -> memref<632x32xf32, #tpu.memory_space<vmem_shared>>
      tpu.enqueue_dma source(%arg6 : memref<632x32xf32, #tpu.memory_space<hbm>>) target(%dma_start3A_30 : memref<632x32xf32, #tpu.memory_space<vmem_shared>>) target_semaphore(%run_scoped3A : memref<!tpu.dma_semaphore, #tpu.memory_space<semaphore_mem>>)
      %dma_wait3A = arith.constant 0 : i32
      %dma_wait3A_31 = tpu.memref_slice %arg16[%mul3A_2, %dma_wait3A] : memref<10112x32xf32, #tpu.memory_space<vmem_shared>> -> memref<632x32xf32, #tpu.memory_space<vmem_shared>>
      tpu.wait_dma2 semaphore(%run_scoped3A : memref<!tpu.dma_semaphore, #tpu.memory_space<semaphore_mem>>) src(%arg6 : memref<632x32xf32, #tpu.memory_space<hbm>>) dst(%dma_wait3A_31 : memref<632x32xf32, #tpu.memory_space<vmem_shared>>)
      tpu.yield
    }) : () -> ()
    %barrier3A = arith.constant 0 : index
    tpu.barrier barrier_id(%barrier3A)
    %dma_start3A = arith.constant 0 : i32
    %dma_start3A_3 = tpu.memref_slice %arg9[%dma_start3A] : memref<10240xi32, #tpu.memory_space<vmem>> -> memref<128xi32, #tpu.memory_space<vmem>>
    %dma_start3A_4 = arith.constant 0 : i32
    %dma_start3A_5 = arith.constant 0 : i32
    %dma_start3A_6 = tpu.memref_slice %arg2[%dma_start3A_4, %dma_start3A_5] : memref<10000x32xf32, #tpu.memory_space<hbm>> -> memref<10000x32xf32, #tpu.memory_space<hbm>>
    tpu.enqueue_indirect_dma source(%dma_start3A_6 : memref<10000x32xf32, #tpu.memory_space<hbm>>) target(%arg11 : memref<128x32xf32, #tpu.memory_space<vmem>>) offsets(%dma_start3A_3 : memref<128xi32, #tpu.memory_space<vmem>>) semaphore(%arg17 : memref<!tpu.dma_semaphore, #tpu.memory_space<semaphore_mem>>)
    %dma_start3A_7 = arith.constant 0 : i32
    %dma_start3A_8 = tpu.memref_slice %arg9[%dma_start3A_7] : memref<10240xi32, #tpu.memory_space<vmem>> -> memref<128xi32, #tpu.memory_space<vmem>>
    %dma_start3A_9 = arith.constant 0 : i32
    %dma_start3A_10 = arith.constant 0 : i32
    %dma_start3A_11 = tpu.memref_slice %arg3[%dma_start3A_9, %dma_start3A_10] : memref<10000x32xf32, #tpu.memory_space<hbm>> -> memref<10000x32xf32, #tpu.memory_space<hbm>>
    tpu.enqueue_indirect_dma source(%dma_start3A_11 : memref<10000x32xf32, #tpu.memory_space<hbm>>) target(%arg12 : memref<128x32xf32, #tpu.memory_space<vmem>>) offsets(%dma_start3A_8 : memref<128xi32, #tpu.memory_space<vmem>>) semaphore(%arg17 : memref<!tpu.dma_semaphore, #tpu.memory_space<semaphore_mem>>)
    %dma_start3A_12 = arith.constant 128 : i32
    %dma_start3A_13 = tpu.memref_slice %arg9[%dma_start3A_12] : memref<10240xi32, #tpu.memory_space<vmem>> -> memref<128xi32, #tpu.memory_space<vmem>>
    %dma_start3A_14 = arith.constant 0 : i32
    %dma_start3A_15 = arith.constant 0 : i32
    %dma_start3A_16 = tpu.memref_slice %arg2[%dma_start3A_14, %dma_start3A_15] : memref<10000x32xf32, #tpu.memory_space<hbm>> -> memref<10000x32xf32, #tpu.memory_space<hbm>>
    tpu.enqueue_indirect_dma source(%dma_start3A_16 : memref<10000x32xf32, #tpu.memory_space<hbm>>) target(%arg13 : memref<128x32xf32, #tpu.memory_space<vmem>>) offsets(%dma_start3A_13 : memref<128xi32, #tpu.memory_space<vmem>>) semaphore(%arg18 : memref<!tpu.dma_semaphore, #tpu.memory_space<semaphore_mem>>)
    %dma_start3A_17 = arith.constant 128 : i32
    %dma_start3A_18 = tpu.memref_slice %arg9[%dma_start3A_17] : memref<10240xi32, #tpu.memory_space<vmem>> -> memref<128xi32, #tpu.memory_space<vmem>>
    %dma_start3A_19 = arith.constant 0 : i32
    %dma_start3A_20 = arith.constant 0 : i32
    %dma_start3A_21 = tpu.memref_slice %arg3[%dma_start3A_19, %dma_start3A_20] : memref<10000x32xf32, #tpu.memory_space<hbm>> -> memref<10000x32xf32, #tpu.memory_space<hbm>>
    tpu.enqueue_indirect_dma source(%dma_start3A_21 : memref<10000x32xf32, #tpu.memory_space<hbm>>) target(%arg14 : memref<128x32xf32, #tpu.memory_space<vmem>>) offsets(%dma_start3A_18 : memref<128xi32, #tpu.memory_space<vmem>>) semaphore(%arg18 : memref<!tpu.dma_semaphore, #tpu.memory_space<semaphore_mem>>)
    %scan3A = arith.constant 0 : i32
    %scan3A_22 = arith.constant 0 : i32
    %scan3A_23 = arith.constant 40 : i32
    %scan3A_24 = arith.addi %scan3A_22, %scan3A_23 : i32
    %scan3A_25 = arith.constant 1 : i32
    %scan3A_26 = scf.for %scan3A_29 = %scan3A_22 to %scan3A_24 step %scan3A_25 iter_args(%scan3A_30 = %scan3A) -> (i32)  : i32 {
      %mul3A_31 = arith.constant 2 : i32
      %mul3A_32 = arith.muli %scan3A_29, %mul3A_31 : i32
      %dma_wait3A = arith.constant 0 : i32
      %dma_wait3A_33 = tpu.memref_slice %arg9[%dma_wait3A] : memref<10240xi32, #tpu.memory_space<vmem>> -> memref<128xi32, #tpu.memory_space<vmem>>
      %dma_wait3A_34 = arith.constant 0 : i32
      %dma_wait3A_35 = arith.constant 0 : i32
      %dma_wait3A_36 = tpu.memref_slice %arg2[%dma_wait3A_34, %dma_wait3A_35] : memref<10000x32xf32, #tpu.memory_space<hbm>> -> memref<10000x32xf32, #tpu.memory_space<hbm>>
      tpu.wait_indirect_dma semaphore(%arg17 : memref<!tpu.dma_semaphore, #tpu.memory_space<semaphore_mem>>) src(%dma_wait3A_36 : memref<10000x32xf32, #tpu.memory_space<hbm>>) dst(%arg11 : memref<128x32xf32, #tpu.memory_space<vmem>>)
      %dma_wait3A_37 = arith.constant 0 : i32
      %dma_wait3A_38 = tpu.memref_slice %arg9[%dma_wait3A_37] : memref<10240xi32, #tpu.memory_space<vmem>> -> memref<128xi32, #tpu.memory_space<vmem>>
      %dma_wait3A_39 = arith.constant 0 : i32
      %dma_wait3A_40 = arith.constant 0 : i32
      %dma_wait3A_41 = tpu.memref_slice %arg3[%dma_wait3A_39, %dma_wait3A_40] : memref<10000x32xf32, #tpu.memory_space<hbm>> -> memref<10000x32xf32, #tpu.memory_space<hbm>>
      tpu.wait_indirect_dma semaphore(%arg17 : memref<!tpu.dma_semaphore, #tpu.memory_space<semaphore_mem>>) src(%dma_wait3A_41 : memref<10000x32xf32, #tpu.memory_space<hbm>>) dst(%arg12 : memref<128x32xf32, #tpu.memory_space<vmem>>)
      %dma_start3A_42 = arith.constant 0 : i32
      %dma_start3A_43 = tpu.memref_slice %arg10[%mul3A_32, %dma_start3A_42] : memref<80x128xi32, #tpu.memory_space<vmem>> -> memref<1x128xi32, #tpu.memory_space<vmem>>
      %dma_start3A_44 = tpu.memref_squeeze %dma_start3A_43 : memref<1x128xi32, #tpu.memory_space<vmem>> -> memref<128xi32, #tpu.memory_space<vmem>>
      %dma_start3A_45 = arith.constant 0 : i32
      %dma_start3A_46 = arith.constant 0 : i32
      %dma_start3A_47 = tpu.memref_slice %arg15[%dma_start3A_45, %dma_start3A_46] : memref<10112x32xf32, #tpu.memory_space<vmem_shared>> -> memref<10112x32xf32, #tpu.memory_space<vmem_shared>>
      tpu.enqueue_indirect_dma source(%arg11 : memref<128x32xf32, #tpu.memory_space<vmem>>) target(%dma_start3A_47 : memref<10112x32xf32, #tpu.memory_space<vmem_shared>>) offsets(%dma_start3A_44 : memref<128xi32, #tpu.memory_space<vmem>>) semaphore(%arg19 : memref<!tpu.dma_semaphore, #tpu.memory_space<semaphore_mem>>) {add = true}
      "tpu.region"() ({
        %run_scoped3A = tpu.sem_alloc : memref<!tpu.dma_semaphore, #tpu.memory_space<semaphore_mem>>
        %dma_start3A_90 = arith.constant 0 : i32
        %dma_start3A_91 = tpu.memref_slice %arg10[%mul3A_32, %dma_start3A_90] : memref<80x128xi32, #tpu.memory_space<vmem>> -> memref<1x128xi32, #tpu.memory_space<vmem>>
        %dma_start3A_92 = tpu.memref_squeeze %dma_start3A_91 : memref<1x128xi32, #tpu.memory_space<vmem>> -> memref<128xi32, #tpu.memory_space<vmem>>
        %dma_start3A_93 = arith.constant 0 : i32
        %dma_start3A_94 = arith.constant 0 : i32
        %dma_start3A_95 = tpu.memref_slice %arg16[%dma_start3A_93, %dma_start3A_94] : memref<10112x32xf32, #tpu.memory_space<vmem_shared>> -> memref<10112x32xf32, #tpu.memory_space<vmem_shared>>
        tpu.enqueue_indirect_dma source(%arg12 : memref<128x32xf32, #tpu.memory_space<vmem>>) target(%dma_start3A_95 : memref<10112x32xf32, #tpu.memory_space<vmem_shared>>) offsets(%dma_start3A_92 : memref<128xi32, #tpu.memory_space<vmem>>) semaphore(%run_scoped3A : memref<!tpu.dma_semaphore, #tpu.memory_space<semaphore_mem>>) {add = true}
        %dma_wait3A_96 = arith.constant 0 : i32
        %dma_wait3A_97 = tpu.memref_slice %arg10[%mul3A_32, %dma_wait3A_96] : memref<80x128xi32, #tpu.memory_space<vmem>> -> memref<1x128xi32, #tpu.memory_space<vmem>>
        %dma_wait3A_98 = tpu.memref_squeeze %dma_wait3A_97 : memref<1x128xi32, #tpu.memory_space<vmem>> -> memref<128xi32, #tpu.memory_space<vmem>>
        %dma_wait3A_99 = arith.constant 0 : i32
        %dma_wait3A_100 = arith.constant 0 : i32
        %dma_wait3A_101 = tpu.memref_slice %arg16[%dma_wait3A_99, %dma_wait3A_100] : memref<10112x32xf32, #tpu.memory_space<vmem_shared>> -> memref<10112x32xf32, #tpu.memory_space<vmem_shared>>
        tpu.wait_indirect_dma semaphore(%run_scoped3A : memref<!tpu.dma_semaphore, #tpu.memory_space<semaphore_mem>>) src(%arg12 : memref<128x32xf32, #tpu.memory_space<vmem>>) dst(%dma_wait3A_101 : memref<10112x32xf32, #tpu.memory_space<vmem_shared>>)
        tpu.yield
      }) : () -> ()
      %dma_wait3A_48 = arith.constant 0 : i32
      %dma_wait3A_49 = tpu.memref_slice %arg10[%mul3A_32, %dma_wait3A_48] : memref<80x128xi32, #tpu.memory_space<vmem>> -> memref<1x128xi32, #tpu.memory_space<vmem>>
      %dma_wait3A_50 = tpu.memref_squeeze %dma_wait3A_49 : memref<1x128xi32, #tpu.memory_space<vmem>> -> memref<128xi32, #tpu.memory_space<vmem>>
      %dma_wait3A_51 = arith.constant 0 : i32
      %dma_wait3A_52 = arith.constant 0 : i32
      %dma_wait3A_53 = tpu.memref_slice %arg15[%dma_wait3A_51, %dma_wait3A_52] : memref<10112x32xf32, #tpu.memory_space<vmem_shared>> -> memref<10112x32xf32, #tpu.memory_space<vmem_shared>>
      tpu.wait_indirect_dma semaphore(%arg19 : memref<!tpu.dma_semaphore, #tpu.memory_space<semaphore_mem>>) src(%arg11 : memref<128x32xf32, #tpu.memory_space<vmem>>) dst(%dma_wait3A_53 : memref<10112x32xf32, #tpu.memory_space<vmem_shared>>)
      %add3A_54 = arith.constant 2 : i32
      %add3A_55 = arith.addi %mul3A_32, %add3A_54 : i32
      %lt3A = arith.constant 80 : i32
      %lt3A_56 = arith.cmpi slt, %add3A_55, %lt3A : i32
      %convert_element_type3A = arith.extui %lt3A_56 : i1 to i32
      %cond3A = arith.constant 0 : i32
      %cond3A_57 = arith.cmpi ne, %convert_element_type3A, %cond3A : i32
      scf.if %cond3A_57 {
        %add3A_90 = arith.constant 2 : i32
        %add3A_91 = arith.addi %mul3A_32, %add3A_90 : i32
        %mul3A_92 = arith.constant 128 : i32
        %mul3A_93 = arith.muli %add3A_91, %mul3A_92 : i32
        %dma_start3A_94 = tpu.memref_slice %arg9[%mul3A_93] : memref<10240xi32, #tpu.memory_space<vmem>> -> memref<128xi32, #tpu.memory_space<vmem>>
        %dma_start3A_95 = arith.constant 0 : i32
        %dma_start3A_96 = arith.constant 0 : i32
        %dma_start3A_97 = tpu.memref_slice %arg2[%dma_start3A_95, %dma_start3A_96] : memref<10000x32xf32, #tpu.memory_space<hbm>> -> memref<10000x32xf32, #tpu.memory_space<hbm>>
        tpu.enqueue_indirect_dma source(%dma_start3A_97 : memref<10000x32xf32, #tpu.memory_space<hbm>>) target(%arg11 : memref<128x32xf32, #tpu.memory_space<vmem>>) offsets(%dma_start3A_94 : memref<128xi32, #tpu.memory_space<vmem>>) semaphore(%arg17 : memref<!tpu.dma_semaphore, #tpu.memory_space<semaphore_mem>>)
        %dma_start3A_98 = tpu.memref_slice %arg9[%mul3A_93] : memref<10240xi32, #tpu.memory_space<vmem>> -> memref<128xi32, #tpu.memory_space<vmem>>
        %dma_start3A_99 = arith.constant 0 : i32
        %dma_start3A_100 = arith.constant 0 : i32
        %dma_start3A_101 = tpu.memref_slice %arg3[%dma_start3A_99, %dma_start3A_100] : memref<10000x32xf32, #tpu.memory_space<hbm>> -> memref<10000x32xf32, #tpu.memory_space<hbm>>
        tpu.enqueue_indirect_dma source(%dma_start3A_101 : memref<10000x32xf32, #tpu.memory_space<hbm>>) target(%arg12 : memref<128x32xf32, #tpu.memory_space<vmem>>) offsets(%dma_start3A_98 : memref<128xi32, #tpu.memory_space<vmem>>) semaphore(%arg17 : memref<!tpu.dma_semaphore, #tpu.memory_space<semaphore_mem>>)
      } else {
      }
      %dma_wait3A_58 = arith.constant 0 : i32
      %dma_wait3A_59 = tpu.memref_slice %arg9[%dma_wait3A_58] : memref<10240xi32, #tpu.memory_space<vmem>> -> memref<128xi32, #tpu.memory_space<vmem>>
      %dma_wait3A_60 = arith.constant 0 : i32
      %dma_wait3A_61 = arith.constant 0 : i32
      %dma_wait3A_62 = tpu.memref_slice %arg2[%dma_wait3A_60, %dma_wait3A_61] : memref<10000x32xf32, #tpu.memory_space<hbm>> -> memref<10000x32xf32, #tpu.memory_space<hbm>>
      tpu.wait_indirect_dma semaphore(%arg18 : memref<!tpu.dma_semaphore, #tpu.memory_space<semaphore_mem>>) src(%dma_wait3A_62 : memref<10000x32xf32, #tpu.memory_space<hbm>>) dst(%arg13 : memref<128x32xf32, #tpu.memory_space<vmem>>)
      %dma_wait3A_63 = arith.constant 0 : i32
      %dma_wait3A_64 = tpu.memref_slice %arg9[%dma_wait3A_63] : memref<10240xi32, #tpu.memory_space<vmem>> -> memref<128xi32, #tpu.memory_space<vmem>>
      %dma_wait3A_65 = arith.constant 0 : i32
      %dma_wait3A_66 = arith.constant 0 : i32
      %dma_wait3A_67 = tpu.memref_slice %arg3[%dma_wait3A_65, %dma_wait3A_66] : memref<10000x32xf32, #tpu.memory_space<hbm>> -> memref<10000x32xf32, #tpu.memory_space<hbm>>
      tpu.wait_indirect_dma semaphore(%arg18 : memref<!tpu.dma_semaphore, #tpu.memory_space<semaphore_mem>>) src(%dma_wait3A_67 : memref<10000x32xf32, #tpu.memory_space<hbm>>) dst(%arg14 : memref<128x32xf32, #tpu.memory_space<vmem>>)
      %add3A_68 = arith.constant 1 : i32
      %add3A_69 = arith.addi %mul3A_32, %add3A_68 : i32
      %dma_start3A_70 = arith.constant 0 : i32
      %dma_start3A_71 = tpu.memref_slice %arg10[%add3A_69, %dma_start3A_70] : memref<80x128xi32, #tpu.memory_space<vmem>> -> memref<1x128xi32, #tpu.memory_space<vmem>>
      %dma_start3A_72 = tpu.memref_squeeze %dma_start3A_71 : memref<1x128xi32, #tpu.memory_space<vmem>> -> memref<128xi32, #tpu.memory_space<vmem>>
      %dma_start3A_73 = arith.constant 0 : i32
      %dma_start3A_74 = arith.constant 0 : i32
      %dma_start3A_75 = tpu.memref_slice %arg15[%dma_start3A_73, %dma_start3A_74] : memref<10112x32xf32, #tpu.memory_space<vmem_shared>> -> memref<10112x32xf32, #tpu.memory_space<vmem_shared>>
      tpu.enqueue_indirect_dma source(%arg13 : memref<128x32xf32, #tpu.memory_space<vmem>>) target(%dma_start3A_75 : memref<10112x32xf32, #tpu.memory_space<vmem_shared>>) offsets(%dma_start3A_72 : memref<128xi32, #tpu.memory_space<vmem>>) semaphore(%arg19 : memref<!tpu.dma_semaphore, #tpu.memory_space<semaphore_mem>>) {add = true}
      "tpu.region"() ({
        %run_scoped3A = tpu.sem_alloc : memref<!tpu.dma_semaphore, #tpu.memory_space<semaphore_mem>>
        %dma_start3A_90 = arith.constant 0 : i32
        %dma_start3A_91 = tpu.memref_slice %arg10[%add3A_69, %dma_start3A_90] : memref<80x128xi32, #tpu.memory_space<vmem>> -> memref<1x128xi32, #tpu.memory_space<vmem>>
        %dma_start3A_92 = tpu.memref_squeeze %dma_start3A_91 : memref<1x128xi32, #tpu.memory_space<vmem>> -> memref<128xi32, #tpu.memory_space<vmem>>
        %dma_start3A_93 = arith.constant 0 : i32
        %dma_start3A_94 = arith.constant 0 : i32
        %dma_start3A_95 = tpu.memref_slice %arg16[%dma_start3A_93, %dma_start3A_94] : memref<10112x32xf32, #tpu.memory_space<vmem_shared>> -> memref<10112x32xf32, #tpu.memory_space<vmem_shared>>
        tpu.enqueue_indirect_dma source(%arg14 : memref<128x32xf32, #tpu.memory_space<vmem>>) target(%dma_start3A_95 : memref<10112x32xf32, #tpu.memory_space<vmem_shared>>) offsets(%dma_start3A_92 : memref<128xi32, #tpu.memory_space<vmem>>) semaphore(%run_scoped3A : memref<!tpu.dma_semaphore, #tpu.memory_space<semaphore_mem>>) {add = true}
        %dma_wait3A_96 = arith.constant 0 : i32
        %dma_wait3A_97 = tpu.memref_slice %arg10[%add3A_69, %dma_wait3A_96] : memref<80x128xi32, #tpu.memory_space<vmem>> -> memref<1x128xi32, #tpu.memory_space<vmem>>
        %dma_wait3A_98 = tpu.memref_squeeze %dma_wait3A_97 : memref<1x128xi32, #tpu.memory_space<vmem>> -> memref<128xi32, #tpu.memory_space<vmem>>
        %dma_wait3A_99 = arith.constant 0 : i32
        %dma_wait3A_100 = arith.constant 0 : i32
        %dma_wait3A_101 = tpu.memref_slice %arg16[%dma_wait3A_99, %dma_wait3A_100] : memref<10112x32xf32, #tpu.memory_space<vmem_shared>> -> memref<10112x32xf32, #tpu.memory_space<vmem_shared>>
        tpu.wait_indirect_dma semaphore(%run_scoped3A : memref<!tpu.dma_semaphore, #tpu.memory_space<semaphore_mem>>) src(%arg14 : memref<128x32xf32, #tpu.memory_space<vmem>>) dst(%dma_wait3A_101 : memref<10112x32xf32, #tpu.memory_space<vmem_shared>>)
        tpu.yield
      }) : () -> ()
      %dma_wait3A_76 = arith.constant 0 : i32
      %dma_wait3A_77 = tpu.memref_slice %arg10[%add3A_69, %dma_wait3A_76] : memref<80x128xi32, #tpu.memory_space<vmem>> -> memref<1x128xi32, #tpu.memory_space<vmem>>
      %dma_wait3A_78 = tpu.memref_squeeze %dma_wait3A_77 : memref<1x128xi32, #tpu.memory_space<vmem>> -> memref<128xi32, #tpu.memory_space<vmem>>
      %dma_wait3A_79 = arith.constant 0 : i32
      %dma_wait3A_80 = arith.constant 0 : i32
      %dma_wait3A_81 = tpu.memref_slice %arg15[%dma_wait3A_79, %dma_wait3A_80] : memref<10112x32xf32, #tpu.memory_space<vmem_shared>> -> memref<10112x32xf32, #tpu.memory_space<vmem_shared>>
      tpu.wait_indirect_dma semaphore(%arg19 : memref<!tpu.dma_semaphore, #tpu.memory_space<semaphore_mem>>) src(%arg13 : memref<128x32xf32, #tpu.memory_space<vmem>>) dst(%dma_wait3A_81 : memref<10112x32xf32, #tpu.memory_space<vmem_shared>>)
      %add3A_82 = arith.constant 3 : i32
      %add3A_83 = arith.addi %mul3A_32, %add3A_82 : i32
      %lt3A_84 = arith.constant 80 : i32
      %lt3A_85 = arith.cmpi slt, %add3A_83, %lt3A_84 : i32
      %convert_element_type3A_86 = arith.extui %lt3A_85 : i1 to i32
      %cond3A_87 = arith.constant 0 : i32
      %cond3A_88 = arith.cmpi ne, %convert_element_type3A_86, %cond3A_87 : i32
      scf.if %cond3A_88 {
        %add3A_90 = arith.constant 3 : i32
        %add3A_91 = arith.addi %mul3A_32, %add3A_90 : i32
        %mul3A_92 = arith.constant 128 : i32
        %mul3A_93 = arith.muli %add3A_91, %mul3A_92 : i32
        %dma_start3A_94 = tpu.memref_slice %arg9[%mul3A_93] : memref<10240xi32, #tpu.memory_space<vmem>> -> memref<128xi32, #tpu.memory_space<vmem>>
        %dma_start3A_95 = arith.constant 0 : i32
        %dma_start3A_96 = arith.constant 0 : i32
        %dma_start3A_97 = tpu.memref_slice %arg2[%dma_start3A_95, %dma_start3A_96] : memref<10000x32xf32, #tpu.memory_space<hbm>> -> memref<10000x32xf32, #tpu.memory_space<hbm>>
        tpu.enqueue_indirect_dma source(%dma_start3A_97 : memref<10000x32xf32, #tpu.memory_space<hbm>>) target(%arg13 : memref<128x32xf32, #tpu.memory_space<vmem>>) offsets(%dma_start3A_94 : memref<128xi32, #tpu.memory_space<vmem>>) semaphore(%arg18 : memref<!tpu.dma_semaphore, #tpu.memory_space<semaphore_mem>>)
        %dma_start3A_98 = tpu.memref_slice %arg9[%mul3A_93] : memref<10240xi32, #tpu.memory_space<vmem>> -> memref<128xi32, #tpu.memory_space<vmem>>
        %dma_start3A_99 = arith.constant 0 : i32
        %dma_start3A_100 = arith.constant 0 : i32
        %dma_start3A_101 = tpu.memref_slice %arg3[%dma_start3A_99, %dma_start3A_100] : memref<10000x32xf32, #tpu.memory_space<hbm>> -> memref<10000x32xf32, #tpu.memory_space<hbm>>
        tpu.enqueue_indirect_dma source(%dma_start3A_101 : memref<10000x32xf32, #tpu.memory_space<hbm>>) target(%arg14 : memref<128x32xf32, #tpu.memory_space<vmem>>) offsets(%dma_start3A_98 : memref<128xi32, #tpu.memory_space<vmem>>) semaphore(%arg18 : memref<!tpu.dma_semaphore, #tpu.memory_space<semaphore_mem>>)
      } else {
      }
      %scan3A_89 = arith.constant 0 : i32
      scf.yield %scan3A_89 : i32
    }
    %scan3A_27 = arith.constant 40 : i32
    %barrier3A_28 = arith.constant 0 : index
    tpu.barrier barrier_id(%barrier3A_28)
    "tpu.region"() ({
      %run_scoped3A = tpu.sem_alloc : memref<!tpu.dma_semaphore, #tpu.memory_space<semaphore_mem>>
      %dma_start3A_29 = arith.constant 0 : i32
      %dma_start3A_30 = tpu.memref_slice %arg7[%arg0, %mul3A_2, %dma_start3A_29] : memref<2x10112x32xf32, #tpu.memory_space<hbm>> -> memref<1x632x32xf32, #tpu.memory_space<hbm>>
      %dma_start3A_31 = tpu.memref_squeeze %dma_start3A_30 : memref<1x632x32xf32, #tpu.memory_space<hbm>> -> memref<632x32xf32, #tpu.memory_space<hbm>>
      %dma_start3A_32 = arith.constant 0 : i32
      %dma_start3A_33 = tpu.memref_slice %arg15[%mul3A_2, %dma_start3A_32] : memref<10112x32xf32, #tpu.memory_space<vmem_shared>> -> memref<632x32xf32, #tpu.memory_space<vmem_shared>>
      tpu.enqueue_dma source(%dma_start3A_33 : memref<632x32xf32, #tpu.memory_space<vmem_shared>>) target(%dma_start3A_31 : memref<632x32xf32, #tpu.memory_space<hbm>>) target_semaphore(%run_scoped3A : memref<!tpu.dma_semaphore, #tpu.memory_space<semaphore_mem>>)
      %dma_wait3A = arith.constant 0 : i32
      %dma_wait3A_34 = tpu.memref_slice %arg7[%arg0, %mul3A_2, %dma_wait3A] : memref<2x10112x32xf32, #tpu.memory_space<hbm>> -> memref<1x632x32xf32, #tpu.memory_space<hbm>>
      %dma_wait3A_35 = tpu.memref_squeeze %dma_wait3A_34 : memref<1x632x32xf32, #tpu.memory_space<hbm>> -> memref<632x32xf32, #tpu.memory_space<hbm>>
      %dma_wait3A_36 = arith.constant 0 : i32
      %dma_wait3A_37 = tpu.memref_slice %arg15[%mul3A_2, %dma_wait3A_36] : memref<10112x32xf32, #tpu.memory_space<vmem_shared>> -> memref<632x32xf32, #tpu.memory_space<vmem_shared>>
      tpu.wait_dma2 semaphore(%run_scoped3A : memref<!tpu.dma_semaphore, #tpu.memory_space<semaphore_mem>>) src(%dma_wait3A_37 : memref<632x32xf32, #tpu.memory_space<vmem_shared>>) dst(%dma_wait3A_35 : memref<632x32xf32, #tpu.memory_space<hbm>>)
      tpu.yield
    }) : () -> ()
    "tpu.region"() ({
      %run_scoped3A = tpu.sem_alloc : memref<!tpu.dma_semaphore, #tpu.memory_space<semaphore_mem>>
      %dma_start3A_29 = arith.constant 0 : i32
      %dma_start3A_30 = tpu.memref_slice %arg8[%arg0, %mul3A_2, %dma_start3A_29] : memref<2x10112x32xf32, #tpu.memory_space<hbm>> -> memref<1x632x32xf32, #tpu.memory_space<hbm>>
      %dma_start3A_31 = tpu.memref_squeeze %dma_start3A_30 : memref<1x632x32xf32, #tpu.memory_space<hbm>> -> memref<632x32xf32, #tpu.memory_space<hbm>>
      %dma_start3A_32 = arith.constant 0 : i32
      %dma_start3A_33 = tpu.memref_slice %arg16[%mul3A_2, %dma_start3A_32] : memref<10112x32xf32, #tpu.memory_space<vmem_shared>> -> memref<632x32xf32, #tpu.memory_space<vmem_shared>>
      tpu.enqueue_dma source(%dma_start3A_33 : memref<632x32xf32, #tpu.memory_space<vmem_shared>>) target(%dma_start3A_31 : memref<632x32xf32, #tpu.memory_space<hbm>>) target_semaphore(%run_scoped3A : memref<!tpu.dma_semaphore, #tpu.memory_space<semaphore_mem>>)
      %dma_wait3A = arith.constant 0 : i32
      %dma_wait3A_34 = tpu.memref_slice %arg8[%arg0, %mul3A_2, %dma_wait3A] : memref<2x10112x32xf32, #tpu.memory_space<hbm>> -> memref<1x632x32xf32, #tpu.memory_space<hbm>>
      %dma_wait3A_35 = tpu.memref_squeeze %dma_wait3A_34 : memref<1x632x32xf32, #tpu.memory_space<hbm>> -> memref<632x32xf32, #tpu.memory_space<hbm>>
      %dma_wait3A_36 = arith.constant 0 : i32
      %dma_wait3A_37 = tpu.memref_slice %arg16[%mul3A_2, %dma_wait3A_36] : memref<10112x32xf32, #tpu.memory_space<vmem_shared>> -> memref<632x32xf32, #tpu.memory_space<vmem_shared>>
      tpu.wait_dma2 semaphore(%run_scoped3A : memref<!tpu.dma_semaphore, #tpu.memory_space<semaphore_mem>>) src(%dma_wait3A_37 : memref<632x32xf32, #tpu.memory_space<vmem_shared>>) dst(%dma_wait3A_35 : memref<632x32xf32, #tpu.memory_space<hbm>>)
      tpu.yield
    }) : () -> ()
    return
  }
}

#map = affine_map<(d0, d1) -> (0, 0)>
#map1 = affine_map<(d0, d1) -> (0, 0, 0)>
module attributes {stable_mosaic.version = 14 : i64} {
  func.func @_degk_body(%arg0: i32, %arg1: i32, %arg2: memref<128x16xf32, #tpu.memory_space<hbm>>, %arg3: memref<32x80x128xi32, #tpu.memory_space<hbm>>, %arg4: memref<632x16xf32, #tpu.memory_space<hbm>>, %arg5: memref<2x10112x16xf32, #tpu.memory_space<hbm>>, %arg6: memref<80x128xi32, #tpu.memory_space<vmem>>, %arg7: memref<128x16xf32, #tpu.memory_space<vmem>>, %arg8: memref<10112x16xf32, #tpu.memory_space<vmem_shared>>) attributes {dimension_semantics = [#tpu.dimension_semantics<core_parallel>, #tpu.dimension_semantics<subcore_parallel>], iteration_bounds = array<i64: 2, 16>, scalar_prefetch = 0 : i64, scratch_operands = 3 : i64, tpu.core_type = #tpu.core_type<sc_vector_subcore>, window_params = [{transform_indices = #map}, {transform_indices = #map1}, {transform_indices = #map}, {transform_indices = #map1}]} {
    %mul3A = arith.constant 16 : i32
    %mul3A_0 = arith.muli %arg0, %mul3A : i32
    %add3A = arith.addi %mul3A_0, %arg1 : i32
    "tpu.region"() ({
      %run_scoped3A = tpu.sem_alloc : memref<!tpu.dma_semaphore, #tpu.memory_space<semaphore_mem>>
      %dma_start3A = arith.constant 0 : i32
      %dma_start3A_14 = arith.constant 0 : i32
      %dma_start3A_15 = tpu.memref_slice %arg3[%add3A, %dma_start3A, %dma_start3A_14] : memref<32x80x128xi32, #tpu.memory_space<hbm>> -> memref<1x80x128xi32, #tpu.memory_space<hbm>>
      %dma_start3A_16 = tpu.memref_squeeze %dma_start3A_15 : memref<1x80x128xi32, #tpu.memory_space<hbm>> -> memref<80x128xi32, #tpu.memory_space<hbm>>
      %dma_start3A_17 = arith.constant 0 : i32
      %dma_start3A_18 = arith.constant 0 : i32
      %dma_start3A_19 = tpu.memref_slice %arg3[%add3A, %dma_start3A_17, %dma_start3A_18] : memref<32x80x128xi32, #tpu.memory_space<hbm>> -> memref<1x80x128xi32, #tpu.memory_space<hbm>>
      %dma_start3A_20 = tpu.memref_squeeze %dma_start3A_19 : memref<1x80x128xi32, #tpu.memory_space<hbm>> -> memref<80x128xi32, #tpu.memory_space<hbm>>
      tpu.enqueue_dma source(%dma_start3A_20 : memref<80x128xi32, #tpu.memory_space<hbm>>) target(%arg6 : memref<80x128xi32, #tpu.memory_space<vmem>>) target_semaphore(%run_scoped3A : memref<!tpu.dma_semaphore, #tpu.memory_space<semaphore_mem>>)
      %dma_wait3A = arith.constant 0 : i32
      %dma_wait3A_21 = arith.constant 0 : i32
      %dma_wait3A_22 = tpu.memref_slice %arg3[%add3A, %dma_wait3A, %dma_wait3A_21] : memref<32x80x128xi32, #tpu.memory_space<hbm>> -> memref<1x80x128xi32, #tpu.memory_space<hbm>>
      %dma_wait3A_23 = tpu.memref_squeeze %dma_wait3A_22 : memref<1x80x128xi32, #tpu.memory_space<hbm>> -> memref<80x128xi32, #tpu.memory_space<hbm>>
      %dma_wait3A_24 = arith.constant 0 : i32
      %dma_wait3A_25 = arith.constant 0 : i32
      %dma_wait3A_26 = tpu.memref_slice %arg3[%add3A, %dma_wait3A_24, %dma_wait3A_25] : memref<32x80x128xi32, #tpu.memory_space<hbm>> -> memref<1x80x128xi32, #tpu.memory_space<hbm>>
      %dma_wait3A_27 = tpu.memref_squeeze %dma_wait3A_26 : memref<1x80x128xi32, #tpu.memory_space<hbm>> -> memref<80x128xi32, #tpu.memory_space<hbm>>
      tpu.wait_dma2 semaphore(%run_scoped3A : memref<!tpu.dma_semaphore, #tpu.memory_space<semaphore_mem>>) src(%dma_wait3A_27 : memref<80x128xi32, #tpu.memory_space<hbm>>) dst(%arg6 : memref<80x128xi32, #tpu.memory_space<vmem>>)
      tpu.yield
    }) : () -> ()
    "tpu.region"() ({
      %run_scoped3A = tpu.sem_alloc : memref<!tpu.dma_semaphore, #tpu.memory_space<semaphore_mem>>
      tpu.enqueue_dma source(%arg2 : memref<128x16xf32, #tpu.memory_space<hbm>>) target(%arg7 : memref<128x16xf32, #tpu.memory_space<vmem>>) target_semaphore(%run_scoped3A : memref<!tpu.dma_semaphore, #tpu.memory_space<semaphore_mem>>)
      tpu.wait_dma2 semaphore(%run_scoped3A : memref<!tpu.dma_semaphore, #tpu.memory_space<semaphore_mem>>) src(%arg2 : memref<128x16xf32, #tpu.memory_space<hbm>>) dst(%arg7 : memref<128x16xf32, #tpu.memory_space<vmem>>)
      tpu.yield
    }) : () -> ()
    %mul3A_1 = arith.constant 632 : i32
    %mul3A_2 = arith.muli %arg1, %mul3A_1 : i32
    "tpu.region"() ({
      %run_scoped3A = tpu.sem_alloc : memref<!tpu.dma_semaphore, #tpu.memory_space<semaphore_mem>>
      %dma_start3A = arith.constant 0 : i32
      %dma_start3A_14 = tpu.memref_slice %arg8[%mul3A_2, %dma_start3A] : memref<10112x16xf32, #tpu.memory_space<vmem_shared>> -> memref<632x16xf32, #tpu.memory_space<vmem_shared>>
      tpu.enqueue_dma source(%arg4 : memref<632x16xf32, #tpu.memory_space<hbm>>) target(%dma_start3A_14 : memref<632x16xf32, #tpu.memory_space<vmem_shared>>) target_semaphore(%run_scoped3A : memref<!tpu.dma_semaphore, #tpu.memory_space<semaphore_mem>>)
      %dma_wait3A = arith.constant 0 : i32
      %dma_wait3A_15 = tpu.memref_slice %arg8[%mul3A_2, %dma_wait3A] : memref<10112x16xf32, #tpu.memory_space<vmem_shared>> -> memref<632x16xf32, #tpu.memory_space<vmem_shared>>
      tpu.wait_dma2 semaphore(%run_scoped3A : memref<!tpu.dma_semaphore, #tpu.memory_space<semaphore_mem>>) src(%arg4 : memref<632x16xf32, #tpu.memory_space<hbm>>) dst(%dma_wait3A_15 : memref<632x16xf32, #tpu.memory_space<vmem_shared>>)
      tpu.yield
    }) : () -> ()
    %barrier3A = arith.constant 0 : index
    tpu.barrier barrier_id(%barrier3A)
    %scan3A = arith.constant 0 : i32
    %scan3A_3 = arith.constant 0 : i32
    %scan3A_4 = arith.constant 80 : i32
    %scan3A_5 = arith.addi %scan3A_3, %scan3A_4 : i32
    %scan3A_6 = arith.constant 1 : i32
    %scan3A_7 = scf.for %scan3A_14 = %scan3A_3 to %scan3A_5 step %scan3A_6 iter_args(%scan3A_15 = %scan3A) -> (i32)  : i32 {
      "tpu.region"() ({
        %run_scoped3A = tpu.sem_alloc : memref<!tpu.dma_semaphore, #tpu.memory_space<semaphore_mem>>
        %dma_start3A = arith.constant 0 : i32
        %dma_start3A_17 = tpu.memref_slice %arg6[%scan3A_14, %dma_start3A] : memref<80x128xi32, #tpu.memory_space<vmem>> -> memref<1x128xi32, #tpu.memory_space<vmem>>
        %dma_start3A_18 = tpu.memref_squeeze %dma_start3A_17 : memref<1x128xi32, #tpu.memory_space<vmem>> -> memref<128xi32, #tpu.memory_space<vmem>>
        %dma_start3A_19 = arith.constant 0 : i32
        %dma_start3A_20 = arith.constant 0 : i32
        %dma_start3A_21 = tpu.memref_slice %arg8[%dma_start3A_19, %dma_start3A_20] : memref<10112x16xf32, #tpu.memory_space<vmem_shared>> -> memref<10112x16xf32, #tpu.memory_space<vmem_shared>>
        tpu.enqueue_indirect_dma source(%arg7 : memref<128x16xf32, #tpu.memory_space<vmem>>) target(%dma_start3A_21 : memref<10112x16xf32, #tpu.memory_space<vmem_shared>>) offsets(%dma_start3A_18 : memref<128xi32, #tpu.memory_space<vmem>>) semaphore(%run_scoped3A : memref<!tpu.dma_semaphore, #tpu.memory_space<semaphore_mem>>) {add = true}
        %dma_wait3A = arith.constant 0 : i32
        %dma_wait3A_22 = tpu.memref_slice %arg6[%scan3A_14, %dma_wait3A] : memref<80x128xi32, #tpu.memory_space<vmem>> -> memref<1x128xi32, #tpu.memory_space<vmem>>
        %dma_wait3A_23 = tpu.memref_squeeze %dma_wait3A_22 : memref<1x128xi32, #tpu.memory_space<vmem>> -> memref<128xi32, #tpu.memory_space<vmem>>
        %dma_wait3A_24 = arith.constant 0 : i32
        %dma_wait3A_25 = arith.constant 0 : i32
        %dma_wait3A_26 = tpu.memref_slice %arg8[%dma_wait3A_24, %dma_wait3A_25] : memref<10112x16xf32, #tpu.memory_space<vmem_shared>> -> memref<10112x16xf32, #tpu.memory_space<vmem_shared>>
        tpu.wait_indirect_dma semaphore(%run_scoped3A : memref<!tpu.dma_semaphore, #tpu.memory_space<semaphore_mem>>) src(%arg7 : memref<128x16xf32, #tpu.memory_space<vmem>>) dst(%dma_wait3A_26 : memref<10112x16xf32, #tpu.memory_space<vmem_shared>>)
        tpu.yield
      }) : () -> ()
      %scan3A_16 = arith.constant 0 : i32
      scf.yield %scan3A_16 : i32
    }
    %scan3A_8 = arith.constant 80 : i32
    %barrier3A_9 = arith.constant 0 : index
    tpu.barrier barrier_id(%barrier3A_9)
    %mul3A_10 = arith.constant 632 : i32
    %mul3A_11 = arith.muli %arg1, %mul3A_10 : i32
    %mul3A_12 = arith.constant 632 : i32
    %mul3A_13 = arith.muli %arg1, %mul3A_12 : i32
    "tpu.region"() ({
      %run_scoped3A = tpu.sem_alloc : memref<!tpu.dma_semaphore, #tpu.memory_space<semaphore_mem>>
      %dma_start3A = arith.constant 0 : i32
      %dma_start3A_14 = tpu.memref_slice %arg5[%arg0, %mul3A_13, %dma_start3A] : memref<2x10112x16xf32, #tpu.memory_space<hbm>> -> memref<1x632x16xf32, #tpu.memory_space<hbm>>
      %dma_start3A_15 = tpu.memref_squeeze %dma_start3A_14 : memref<1x632x16xf32, #tpu.memory_space<hbm>> -> memref<632x16xf32, #tpu.memory_space<hbm>>
      %dma_start3A_16 = arith.constant 0 : i32
      %dma_start3A_17 = tpu.memref_slice %arg8[%mul3A_11, %dma_start3A_16] : memref<10112x16xf32, #tpu.memory_space<vmem_shared>> -> memref<632x16xf32, #tpu.memory_space<vmem_shared>>
      tpu.enqueue_dma source(%dma_start3A_17 : memref<632x16xf32, #tpu.memory_space<vmem_shared>>) target(%dma_start3A_15 : memref<632x16xf32, #tpu.memory_space<hbm>>) target_semaphore(%run_scoped3A : memref<!tpu.dma_semaphore, #tpu.memory_space<semaphore_mem>>)
      %dma_wait3A = arith.constant 0 : i32
      %dma_wait3A_18 = tpu.memref_slice %arg5[%arg0, %mul3A_13, %dma_wait3A] : memref<2x10112x16xf32, #tpu.memory_space<hbm>> -> memref<1x632x16xf32, #tpu.memory_space<hbm>>
      %dma_wait3A_19 = tpu.memref_squeeze %dma_wait3A_18 : memref<1x632x16xf32, #tpu.memory_space<hbm>> -> memref<632x16xf32, #tpu.memory_space<hbm>>
      %dma_wait3A_20 = arith.constant 0 : i32
      %dma_wait3A_21 = tpu.memref_slice %arg8[%mul3A_11, %dma_wait3A_20] : memref<10112x16xf32, #tpu.memory_space<vmem_shared>> -> memref<632x16xf32, #tpu.memory_space<vmem_shared>>
      tpu.wait_dma2 semaphore(%run_scoped3A : memref<!tpu.dma_semaphore, #tpu.memory_space<semaphore_mem>>) src(%dma_wait3A_21 : memref<632x16xf32, #tpu.memory_space<vmem_shared>>) dst(%dma_wait3A_19 : memref<632x16xf32, #tpu.memory_space<hbm>>)
      tpu.yield
    }) : () -> ()
    return
  }
}

#map = affine_map<(d0, d1) -> (0, 0)>
#map1 = affine_map<(d0, d1) -> (0, 0, 0)>
module attributes {stable_mosaic.version = 14 : i64} {
  func.func @_msg_body(%arg0: i32, %arg1: i32, %arg2: memref<10000x32xf32, #tpu.memory_space<hbm>>, %arg3: memref<10000x32xf32, #tpu.memory_space<hbm>>, %arg4: memref<32x10240xi32, #tpu.memory_space<hbm>>, %arg5: memref<32x80x128xi32, #tpu.memory_space<hbm>>, %arg6: memref<632x32xf32, #tpu.memory_space<hbm>>, %arg7: memref<2x10112x32xf32, #tpu.memory_space<hbm>>, %arg8: memref<2x10112x32xf32, #tpu.memory_space<hbm>>, %arg9: memref<10240xi32, #tpu.memory_space<vmem>>, %arg10: memref<80x128xi32, #tpu.memory_space<vmem>>, %arg11: memref<128x32xf32, #tpu.memory_space<vmem>>, %arg12: memref<128x32xf32, #tpu.memory_space<vmem>>, %arg13: memref<128x32xf32, #tpu.memory_space<vmem>>, %arg14: memref<128x32xf32, #tpu.memory_space<vmem>>, %arg15: memref<10112x32xf32, #tpu.memory_space<vmem_shared>>, %arg16: memref<10112x32xf32, #tpu.memory_space<vmem_shared>>, %arg17: memref<!tpu.dma_semaphore, #tpu.memory_space<semaphore_mem>>, %arg18: memref<!tpu.dma_semaphore, #tpu.memory_space<semaphore_mem>>, %arg19: memref<!tpu.dma_semaphore, #tpu.memory_space<semaphore_mem>>) attributes {dimension_semantics = [#tpu.dimension_semantics<core_parallel>, #tpu.dimension_semantics<subcore_parallel>], iteration_bounds = array<i64: 2, 16>, scalar_prefetch = 0 : i64, scratch_operands = 11 : i64, tpu.core_type = #tpu.core_type<sc_vector_subcore>, window_params = [{transform_indices = #map}, {transform_indices = #map}, {transform_indices = #map}, {transform_indices = #map1}, {transform_indices = #map}, {transform_indices = #map1}, {transform_indices = #map1}]} {
    %mul3A = arith.constant 16 : i32
    %mul3A_0 = arith.muli %arg0, %mul3A : i32
    %add3A = arith.addi %mul3A_0, %arg1 : i32
    "tpu.region"() ({
      %run_scoped3A = tpu.sem_alloc : memref<!tpu.dma_semaphore, #tpu.memory_space<semaphore_mem>>
      %dma_start3A_29 = arith.constant 0 : i32
      %dma_start3A_30 = tpu.memref_slice %arg4[%add3A, %dma_start3A_29] : memref<32x10240xi32, #tpu.memory_space<hbm>> -> memref<1x10240xi32, #tpu.memory_space<hbm>>
      %dma_start3A_31 = tpu.memref_squeeze %dma_start3A_30 : memref<1x10240xi32, #tpu.memory_space<hbm>> -> memref<10240xi32, #tpu.memory_space<hbm>>
      %dma_start3A_32 = arith.constant 0 : i32
      %dma_start3A_33 = tpu.memref_slice %arg4[%add3A, %dma_start3A_32] : memref<32x10240xi32, #tpu.memory_space<hbm>> -> memref<1x10240xi32, #tpu.memory_space<hbm>>
      %dma_start3A_34 = tpu.memref_squeeze %dma_start3A_33 : memref<1x10240xi32, #tpu.memory_space<hbm>> -> memref<10240xi32, #tpu.memory_space<hbm>>
      tpu.enqueue_dma source(%dma_start3A_34 : memref<10240xi32, #tpu.memory_space<hbm>>) target(%arg9 : memref<10240xi32, #tpu.memory_space<vmem>>) target_semaphore(%run_scoped3A : memref<!tpu.dma_semaphore, #tpu.memory_space<semaphore_mem>>)
      %dma_wait3A = arith.constant 0 : i32
      %dma_wait3A_35 = tpu.memref_slice %arg4[%add3A, %dma_wait3A] : memref<32x10240xi32, #tpu.memory_space<hbm>> -> memref<1x10240xi32, #tpu.memory_space<hbm>>
      %dma_wait3A_36 = tpu.memref_squeeze %dma_wait3A_35 : memref<1x10240xi32, #tpu.memory_space<hbm>> -> memref<10240xi32, #tpu.memory_space<hbm>>
      %dma_wait3A_37 = arith.constant 0 : i32
      %dma_wait3A_38 = tpu.memref_slice %arg4[%add3A, %dma_wait3A_37] : memref<32x10240xi32, #tpu.memory_space<hbm>> -> memref<1x10240xi32, #tpu.memory_space<hbm>>
      %dma_wait3A_39 = tpu.memref_squeeze %dma_wait3A_38 : memref<1x10240xi32, #tpu.memory_space<hbm>> -> memref<10240xi32, #tpu.memory_space<hbm>>
      tpu.wait_dma2 semaphore(%run_scoped3A : memref<!tpu.dma_semaphore, #tpu.memory_space<semaphore_mem>>) src(%dma_wait3A_39 : memref<10240xi32, #tpu.memory_space<hbm>>) dst(%arg9 : memref<10240xi32, #tpu.memory_space<vmem>>)
      tpu.yield
    }) : () -> ()
    "tpu.region"() ({
      %run_scoped3A = tpu.sem_alloc : memref<!tpu.dma_semaphore, #tpu.memory_space<semaphore_mem>>
      %dma_start3A_29 = arith.constant 0 : i32
      %dma_start3A_30 = arith.constant 0 : i32
      %dma_start3A_31 = tpu.memref_slice %arg5[%add3A, %dma_start3A_29, %dma_start3A_30] : memref<32x80x128xi32, #tpu.memory_space<hbm>> -> memref<1x80x128xi32, #tpu.memory_space<hbm>>
      %dma_start3A_32 = tpu.memref_squeeze %dma_start3A_31 : memref<1x80x128xi32, #tpu.memory_space<hbm>> -> memref<80x128xi32, #tpu.memory_space<hbm>>
      %dma_start3A_33 = arith.constant 0 : i32
      %dma_start3A_34 = arith.constant 0 : i32
      %dma_start3A_35 = tpu.memref_slice %arg5[%add3A, %dma_start3A_33, %dma_start3A_34] : memref<32x80x128xi32, #tpu.memory_space<hbm>> -> memref<1x80x128xi32, #tpu.memory_space<hbm>>
      %dma_start3A_36 = tpu.memref_squeeze %dma_start3A_35 : memref<1x80x128xi32, #tpu.memory_space<hbm>> -> memref<80x128xi32, #tpu.memory_space<hbm>>
      tpu.enqueue_dma source(%dma_start3A_36 : memref<80x128xi32, #tpu.memory_space<hbm>>) target(%arg10 : memref<80x128xi32, #tpu.memory_space<vmem>>) target_semaphore(%run_scoped3A : memref<!tpu.dma_semaphore, #tpu.memory_space<semaphore_mem>>)
      %dma_wait3A = arith.constant 0 : i32
      %dma_wait3A_37 = arith.constant 0 : i32
      %dma_wait3A_38 = tpu.memref_slice %arg5[%add3A, %dma_wait3A, %dma_wait3A_37] : memref<32x80x128xi32, #tpu.memory_space<hbm>> -> memref<1x80x128xi32, #tpu.memory_space<hbm>>
      %dma_wait3A_39 = tpu.memref_squeeze %dma_wait3A_38 : memref<1x80x128xi32, #tpu.memory_space<hbm>> -> memref<80x128xi32, #tpu.memory_space<hbm>>
      %dma_wait3A_40 = arith.constant 0 : i32
      %dma_wait3A_41 = arith.constant 0 : i32
      %dma_wait3A_42 = tpu.memref_slice %arg5[%add3A, %dma_wait3A_40, %dma_wait3A_41] : memref<32x80x128xi32, #tpu.memory_space<hbm>> -> memref<1x80x128xi32, #tpu.memory_space<hbm>>
      %dma_wait3A_43 = tpu.memref_squeeze %dma_wait3A_42 : memref<1x80x128xi32, #tpu.memory_space<hbm>> -> memref<80x128xi32, #tpu.memory_space<hbm>>
      tpu.wait_dma2 semaphore(%run_scoped3A : memref<!tpu.dma_semaphore, #tpu.memory_space<semaphore_mem>>) src(%dma_wait3A_43 : memref<80x128xi32, #tpu.memory_space<hbm>>) dst(%arg10 : memref<80x128xi32, #tpu.memory_space<vmem>>)
      tpu.yield
    }) : () -> ()
    %mul3A_1 = arith.constant 632 : i32
    %mul3A_2 = arith.muli %arg1, %mul3A_1 : i32
    "tpu.region"() ({
      %run_scoped3A = tpu.sem_alloc : memref<!tpu.dma_semaphore, #tpu.memory_space<semaphore_mem>>
      %dma_start3A_29 = arith.constant 0 : i32
      %dma_start3A_30 = tpu.memref_slice %arg15[%mul3A_2, %dma_start3A_29] : memref<10112x32xf32, #tpu.memory_space<vmem_shared>> -> memref<632x32xf32, #tpu.memory_space<vmem_shared>>
      tpu.enqueue_dma source(%arg6 : memref<632x32xf32, #tpu.memory_space<hbm>>) target(%dma_start3A_30 : memref<632x32xf32, #tpu.memory_space<vmem_shared>>) target_semaphore(%run_scoped3A : memref<!tpu.dma_semaphore, #tpu.memory_space<semaphore_mem>>)
      %dma_wait3A = arith.constant 0 : i32
      %dma_wait3A_31 = tpu.memref_slice %arg15[%mul3A_2, %dma_wait3A] : memref<10112x32xf32, #tpu.memory_space<vmem_shared>> -> memref<632x32xf32, #tpu.memory_space<vmem_shared>>
      tpu.wait_dma2 semaphore(%run_scoped3A : memref<!tpu.dma_semaphore, #tpu.memory_space<semaphore_mem>>) src(%arg6 : memref<632x32xf32, #tpu.memory_space<hbm>>) dst(%dma_wait3A_31 : memref<632x32xf32, #tpu.memory_space<vmem_shared>>)
      tpu.yield
    }) : () -> ()
    "tpu.region"() ({
      %run_scoped3A = tpu.sem_alloc : memref<!tpu.dma_semaphore, #tpu.memory_space<semaphore_mem>>
      %dma_start3A_29 = arith.constant 0 : i32
      %dma_start3A_30 = tpu.memref_slice %arg16[%mul3A_2, %dma_start3A_29] : memref<10112x32xf32, #tpu.memory_space<vmem_shared>> -> memref<632x32xf32, #tpu.memory_space<vmem_shared>>
      tpu.enqueue_dma source(%arg6 : memref<632x32xf32, #tpu.memory_space<hbm>>) target(%dma_start3A_30 : memref<632x32xf32, #tpu.memory_space<vmem_shared>>) target_semaphore(%run_scoped3A : memref<!tpu.dma_semaphore, #tpu.memory_space<semaphore_mem>>)
      %dma_wait3A = arith.constant 0 : i32
      %dma_wait3A_31 = tpu.memref_slice %arg16[%mul3A_2, %dma_wait3A] : memref<10112x32xf32, #tpu.memory_space<vmem_shared>> -> memref<632x32xf32, #tpu.memory_space<vmem_shared>>
      tpu.wait_dma2 semaphore(%run_scoped3A : memref<!tpu.dma_semaphore, #tpu.memory_space<semaphore_mem>>) src(%arg6 : memref<632x32xf32, #tpu.memory_space<hbm>>) dst(%dma_wait3A_31 : memref<632x32xf32, #tpu.memory_space<vmem_shared>>)
      tpu.yield
    }) : () -> ()
    %barrier3A = arith.constant 0 : index
    tpu.barrier barrier_id(%barrier3A)
    %dma_start3A = arith.constant 0 : i32
    %dma_start3A_3 = tpu.memref_slice %arg9[%dma_start3A] : memref<10240xi32, #tpu.memory_space<vmem>> -> memref<128xi32, #tpu.memory_space<vmem>>
    %dma_start3A_4 = arith.constant 0 : i32
    %dma_start3A_5 = arith.constant 0 : i32
    %dma_start3A_6 = tpu.memref_slice %arg2[%dma_start3A_4, %dma_start3A_5] : memref<10000x32xf32, #tpu.memory_space<hbm>> -> memref<10000x32xf32, #tpu.memory_space<hbm>>
    tpu.enqueue_indirect_dma source(%dma_start3A_6 : memref<10000x32xf32, #tpu.memory_space<hbm>>) target(%arg11 : memref<128x32xf32, #tpu.memory_space<vmem>>) offsets(%dma_start3A_3 : memref<128xi32, #tpu.memory_space<vmem>>) semaphore(%arg17 : memref<!tpu.dma_semaphore, #tpu.memory_space<semaphore_mem>>)
    %dma_start3A_7 = arith.constant 0 : i32
    %dma_start3A_8 = tpu.memref_slice %arg9[%dma_start3A_7] : memref<10240xi32, #tpu.memory_space<vmem>> -> memref<128xi32, #tpu.memory_space<vmem>>
    %dma_start3A_9 = arith.constant 0 : i32
    %dma_start3A_10 = arith.constant 0 : i32
    %dma_start3A_11 = tpu.memref_slice %arg3[%dma_start3A_9, %dma_start3A_10] : memref<10000x32xf32, #tpu.memory_space<hbm>> -> memref<10000x32xf32, #tpu.memory_space<hbm>>
    tpu.enqueue_indirect_dma source(%dma_start3A_11 : memref<10000x32xf32, #tpu.memory_space<hbm>>) target(%arg12 : memref<128x32xf32, #tpu.memory_space<vmem>>) offsets(%dma_start3A_8 : memref<128xi32, #tpu.memory_space<vmem>>) semaphore(%arg17 : memref<!tpu.dma_semaphore, #tpu.memory_space<semaphore_mem>>)
    %dma_start3A_12 = arith.constant 128 : i32
    %dma_start3A_13 = tpu.memref_slice %arg9[%dma_start3A_12] : memref<10240xi32, #tpu.memory_space<vmem>> -> memref<128xi32, #tpu.memory_space<vmem>>
    %dma_start3A_14 = arith.constant 0 : i32
    %dma_start3A_15 = arith.constant 0 : i32
    %dma_start3A_16 = tpu.memref_slice %arg2[%dma_start3A_14, %dma_start3A_15] : memref<10000x32xf32, #tpu.memory_space<hbm>> -> memref<10000x32xf32, #tpu.memory_space<hbm>>
    tpu.enqueue_indirect_dma source(%dma_start3A_16 : memref<10000x32xf32, #tpu.memory_space<hbm>>) target(%arg13 : memref<128x32xf32, #tpu.memory_space<vmem>>) offsets(%dma_start3A_13 : memref<128xi32, #tpu.memory_space<vmem>>) semaphore(%arg18 : memref<!tpu.dma_semaphore, #tpu.memory_space<semaphore_mem>>)
    %dma_start3A_17 = arith.constant 128 : i32
    %dma_start3A_18 = tpu.memref_slice %arg9[%dma_start3A_17] : memref<10240xi32, #tpu.memory_space<vmem>> -> memref<128xi32, #tpu.memory_space<vmem>>
    %dma_start3A_19 = arith.constant 0 : i32
    %dma_start3A_20 = arith.constant 0 : i32
    %dma_start3A_21 = tpu.memref_slice %arg3[%dma_start3A_19, %dma_start3A_20] : memref<10000x32xf32, #tpu.memory_space<hbm>> -> memref<10000x32xf32, #tpu.memory_space<hbm>>
    tpu.enqueue_indirect_dma source(%dma_start3A_21 : memref<10000x32xf32, #tpu.memory_space<hbm>>) target(%arg14 : memref<128x32xf32, #tpu.memory_space<vmem>>) offsets(%dma_start3A_18 : memref<128xi32, #tpu.memory_space<vmem>>) semaphore(%arg18 : memref<!tpu.dma_semaphore, #tpu.memory_space<semaphore_mem>>)
    %scan3A = arith.constant 0 : i32
    %scan3A_22 = arith.constant 0 : i32
    %scan3A_23 = arith.constant 40 : i32
    %scan3A_24 = arith.addi %scan3A_22, %scan3A_23 : i32
    %scan3A_25 = arith.constant 1 : i32
    %scan3A_26 = scf.for %scan3A_29 = %scan3A_22 to %scan3A_24 step %scan3A_25 iter_args(%scan3A_30 = %scan3A) -> (i32)  : i32 {
      %mul3A_31 = arith.constant 2 : i32
      %mul3A_32 = arith.muli %scan3A_29, %mul3A_31 : i32
      %dma_wait3A = arith.constant 0 : i32
      %dma_wait3A_33 = tpu.memref_slice %arg9[%dma_wait3A] : memref<10240xi32, #tpu.memory_space<vmem>> -> memref<128xi32, #tpu.memory_space<vmem>>
      %dma_wait3A_34 = arith.constant 0 : i32
      %dma_wait3A_35 = arith.constant 0 : i32
      %dma_wait3A_36 = tpu.memref_slice %arg2[%dma_wait3A_34, %dma_wait3A_35] : memref<10000x32xf32, #tpu.memory_space<hbm>> -> memref<10000x32xf32, #tpu.memory_space<hbm>>
      tpu.wait_indirect_dma semaphore(%arg17 : memref<!tpu.dma_semaphore, #tpu.memory_space<semaphore_mem>>) src(%dma_wait3A_36 : memref<10000x32xf32, #tpu.memory_space<hbm>>) dst(%arg11 : memref<128x32xf32, #tpu.memory_space<vmem>>)
      %dma_wait3A_37 = arith.constant 0 : i32
      %dma_wait3A_38 = tpu.memref_slice %arg9[%dma_wait3A_37] : memref<10240xi32, #tpu.memory_space<vmem>> -> memref<128xi32, #tpu.memory_space<vmem>>
      %dma_wait3A_39 = arith.constant 0 : i32
      %dma_wait3A_40 = arith.constant 0 : i32
      %dma_wait3A_41 = tpu.memref_slice %arg3[%dma_wait3A_39, %dma_wait3A_40] : memref<10000x32xf32, #tpu.memory_space<hbm>> -> memref<10000x32xf32, #tpu.memory_space<hbm>>
      tpu.wait_indirect_dma semaphore(%arg17 : memref<!tpu.dma_semaphore, #tpu.memory_space<semaphore_mem>>) src(%dma_wait3A_41 : memref<10000x32xf32, #tpu.memory_space<hbm>>) dst(%arg12 : memref<128x32xf32, #tpu.memory_space<vmem>>)
      %dma_start3A_42 = arith.constant 0 : i32
      %dma_start3A_43 = tpu.memref_slice %arg10[%mul3A_32, %dma_start3A_42] : memref<80x128xi32, #tpu.memory_space<vmem>> -> memref<1x128xi32, #tpu.memory_space<vmem>>
      %dma_start3A_44 = tpu.memref_squeeze %dma_start3A_43 : memref<1x128xi32, #tpu.memory_space<vmem>> -> memref<128xi32, #tpu.memory_space<vmem>>
      %dma_start3A_45 = arith.constant 0 : i32
      %dma_start3A_46 = arith.constant 0 : i32
      %dma_start3A_47 = tpu.memref_slice %arg15[%dma_start3A_45, %dma_start3A_46] : memref<10112x32xf32, #tpu.memory_space<vmem_shared>> -> memref<10112x32xf32, #tpu.memory_space<vmem_shared>>
      tpu.enqueue_indirect_dma source(%arg11 : memref<128x32xf32, #tpu.memory_space<vmem>>) target(%dma_start3A_47 : memref<10112x32xf32, #tpu.memory_space<vmem_shared>>) offsets(%dma_start3A_44 : memref<128xi32, #tpu.memory_space<vmem>>) semaphore(%arg19 : memref<!tpu.dma_semaphore, #tpu.memory_space<semaphore_mem>>) {add = true}
      "tpu.region"() ({
        %run_scoped3A = tpu.sem_alloc : memref<!tpu.dma_semaphore, #tpu.memory_space<semaphore_mem>>
        %dma_start3A_90 = arith.constant 0 : i32
        %dma_start3A_91 = tpu.memref_slice %arg10[%mul3A_32, %dma_start3A_90] : memref<80x128xi32, #tpu.memory_space<vmem>> -> memref<1x128xi32, #tpu.memory_space<vmem>>
        %dma_start3A_92 = tpu.memref_squeeze %dma_start3A_91 : memref<1x128xi32, #tpu.memory_space<vmem>> -> memref<128xi32, #tpu.memory_space<vmem>>
        %dma_start3A_93 = arith.constant 0 : i32
        %dma_start3A_94 = arith.constant 0 : i32
        %dma_start3A_95 = tpu.memref_slice %arg16[%dma_start3A_93, %dma_start3A_94] : memref<10112x32xf32, #tpu.memory_space<vmem_shared>> -> memref<10112x32xf32, #tpu.memory_space<vmem_shared>>
        tpu.enqueue_indirect_dma source(%arg12 : memref<128x32xf32, #tpu.memory_space<vmem>>) target(%dma_start3A_95 : memref<10112x32xf32, #tpu.memory_space<vmem_shared>>) offsets(%dma_start3A_92 : memref<128xi32, #tpu.memory_space<vmem>>) semaphore(%run_scoped3A : memref<!tpu.dma_semaphore, #tpu.memory_space<semaphore_mem>>) {add = true}
        %dma_wait3A_96 = arith.constant 0 : i32
        %dma_wait3A_97 = tpu.memref_slice %arg10[%mul3A_32, %dma_wait3A_96] : memref<80x128xi32, #tpu.memory_space<vmem>> -> memref<1x128xi32, #tpu.memory_space<vmem>>
        %dma_wait3A_98 = tpu.memref_squeeze %dma_wait3A_97 : memref<1x128xi32, #tpu.memory_space<vmem>> -> memref<128xi32, #tpu.memory_space<vmem>>
        %dma_wait3A_99 = arith.constant 0 : i32
        %dma_wait3A_100 = arith.constant 0 : i32
        %dma_wait3A_101 = tpu.memref_slice %arg16[%dma_wait3A_99, %dma_wait3A_100] : memref<10112x32xf32, #tpu.memory_space<vmem_shared>> -> memref<10112x32xf32, #tpu.memory_space<vmem_shared>>
        tpu.wait_indirect_dma semaphore(%run_scoped3A : memref<!tpu.dma_semaphore, #tpu.memory_space<semaphore_mem>>) src(%arg12 : memref<128x32xf32, #tpu.memory_space<vmem>>) dst(%dma_wait3A_101 : memref<10112x32xf32, #tpu.memory_space<vmem_shared>>)
        tpu.yield
      }) : () -> ()
      %dma_wait3A_48 = arith.constant 0 : i32
      %dma_wait3A_49 = tpu.memref_slice %arg10[%mul3A_32, %dma_wait3A_48] : memref<80x128xi32, #tpu.memory_space<vmem>> -> memref<1x128xi32, #tpu.memory_space<vmem>>
      %dma_wait3A_50 = tpu.memref_squeeze %dma_wait3A_49 : memref<1x128xi32, #tpu.memory_space<vmem>> -> memref<128xi32, #tpu.memory_space<vmem>>
      %dma_wait3A_51 = arith.constant 0 : i32
      %dma_wait3A_52 = arith.constant 0 : i32
      %dma_wait3A_53 = tpu.memref_slice %arg15[%dma_wait3A_51, %dma_wait3A_52] : memref<10112x32xf32, #tpu.memory_space<vmem_shared>> -> memref<10112x32xf32, #tpu.memory_space<vmem_shared>>
      tpu.wait_indirect_dma semaphore(%arg19 : memref<!tpu.dma_semaphore, #tpu.memory_space<semaphore_mem>>) src(%arg11 : memref<128x32xf32, #tpu.memory_space<vmem>>) dst(%dma_wait3A_53 : memref<10112x32xf32, #tpu.memory_space<vmem_shared>>)
      %add3A_54 = arith.constant 2 : i32
      %add3A_55 = arith.addi %mul3A_32, %add3A_54 : i32
      %lt3A = arith.constant 80 : i32
      %lt3A_56 = arith.cmpi slt, %add3A_55, %lt3A : i32
      %convert_element_type3A = arith.extui %lt3A_56 : i1 to i32
      %cond3A = arith.constant 0 : i32
      %cond3A_57 = arith.cmpi ne, %convert_element_type3A, %cond3A : i32
      scf.if %cond3A_57 {
        %add3A_90 = arith.constant 2 : i32
        %add3A_91 = arith.addi %mul3A_32, %add3A_90 : i32
        %mul3A_92 = arith.constant 128 : i32
        %mul3A_93 = arith.muli %add3A_91, %mul3A_92 : i32
        %dma_start3A_94 = tpu.memref_slice %arg9[%mul3A_93] : memref<10240xi32, #tpu.memory_space<vmem>> -> memref<128xi32, #tpu.memory_space<vmem>>
        %dma_start3A_95 = arith.constant 0 : i32
        %dma_start3A_96 = arith.constant 0 : i32
        %dma_start3A_97 = tpu.memref_slice %arg2[%dma_start3A_95, %dma_start3A_96] : memref<10000x32xf32, #tpu.memory_space<hbm>> -> memref<10000x32xf32, #tpu.memory_space<hbm>>
        tpu.enqueue_indirect_dma source(%dma_start3A_97 : memref<10000x32xf32, #tpu.memory_space<hbm>>) target(%arg11 : memref<128x32xf32, #tpu.memory_space<vmem>>) offsets(%dma_start3A_94 : memref<128xi32, #tpu.memory_space<vmem>>) semaphore(%arg17 : memref<!tpu.dma_semaphore, #tpu.memory_space<semaphore_mem>>)
        %dma_start3A_98 = tpu.memref_slice %arg9[%mul3A_93] : memref<10240xi32, #tpu.memory_space<vmem>> -> memref<128xi32, #tpu.memory_space<vmem>>
        %dma_start3A_99 = arith.constant 0 : i32
        %dma_start3A_100 = arith.constant 0 : i32
        %dma_start3A_101 = tpu.memref_slice %arg3[%dma_start3A_99, %dma_start3A_100] : memref<10000x32xf32, #tpu.memory_space<hbm>> -> memref<10000x32xf32, #tpu.memory_space<hbm>>
        tpu.enqueue_indirect_dma source(%dma_start3A_101 : memref<10000x32xf32, #tpu.memory_space<hbm>>) target(%arg12 : memref<128x32xf32, #tpu.memory_space<vmem>>) offsets(%dma_start3A_98 : memref<128xi32, #tpu.memory_space<vmem>>) semaphore(%arg17 : memref<!tpu.dma_semaphore, #tpu.memory_space<semaphore_mem>>)
      } else {
      }
      %dma_wait3A_58 = arith.constant 0 : i32
      %dma_wait3A_59 = tpu.memref_slice %arg9[%dma_wait3A_58] : memref<10240xi32, #tpu.memory_space<vmem>> -> memref<128xi32, #tpu.memory_space<vmem>>
      %dma_wait3A_60 = arith.constant 0 : i32
      %dma_wait3A_61 = arith.constant 0 : i32
      %dma_wait3A_62 = tpu.memref_slice %arg2[%dma_wait3A_60, %dma_wait3A_61] : memref<10000x32xf32, #tpu.memory_space<hbm>> -> memref<10000x32xf32, #tpu.memory_space<hbm>>
      tpu.wait_indirect_dma semaphore(%arg18 : memref<!tpu.dma_semaphore, #tpu.memory_space<semaphore_mem>>) src(%dma_wait3A_62 : memref<10000x32xf32, #tpu.memory_space<hbm>>) dst(%arg13 : memref<128x32xf32, #tpu.memory_space<vmem>>)
      %dma_wait3A_63 = arith.constant 0 : i32
      %dma_wait3A_64 = tpu.memref_slice %arg9[%dma_wait3A_63] : memref<10240xi32, #tpu.memory_space<vmem>> -> memref<128xi32, #tpu.memory_space<vmem>>
      %dma_wait3A_65 = arith.constant 0 : i32
      %dma_wait3A_66 = arith.constant 0 : i32
      %dma_wait3A_67 = tpu.memref_slice %arg3[%dma_wait3A_65, %dma_wait3A_66] : memref<10000x32xf32, #tpu.memory_space<hbm>> -> memref<10000x32xf32, #tpu.memory_space<hbm>>
      tpu.wait_indirect_dma semaphore(%arg18 : memref<!tpu.dma_semaphore, #tpu.memory_space<semaphore_mem>>) src(%dma_wait3A_67 : memref<10000x32xf32, #tpu.memory_space<hbm>>) dst(%arg14 : memref<128x32xf32, #tpu.memory_space<vmem>>)
      %add3A_68 = arith.constant 1 : i32
      %add3A_69 = arith.addi %mul3A_32, %add3A_68 : i32
      %dma_start3A_70 = arith.constant 0 : i32
      %dma_start3A_71 = tpu.memref_slice %arg10[%add3A_69, %dma_start3A_70] : memref<80x128xi32, #tpu.memory_space<vmem>> -> memref<1x128xi32, #tpu.memory_space<vmem>>
      %dma_start3A_72 = tpu.memref_squeeze %dma_start3A_71 : memref<1x128xi32, #tpu.memory_space<vmem>> -> memref<128xi32, #tpu.memory_space<vmem>>
      %dma_start3A_73 = arith.constant 0 : i32
      %dma_start3A_74 = arith.constant 0 : i32
      %dma_start3A_75 = tpu.memref_slice %arg15[%dma_start3A_73, %dma_start3A_74] : memref<10112x32xf32, #tpu.memory_space<vmem_shared>> -> memref<10112x32xf32, #tpu.memory_space<vmem_shared>>
      tpu.enqueue_indirect_dma source(%arg13 : memref<128x32xf32, #tpu.memory_space<vmem>>) target(%dma_start3A_75 : memref<10112x32xf32, #tpu.memory_space<vmem_shared>>) offsets(%dma_start3A_72 : memref<128xi32, #tpu.memory_space<vmem>>) semaphore(%arg19 : memref<!tpu.dma_semaphore, #tpu.memory_space<semaphore_mem>>) {add = true}
      "tpu.region"() ({
        %run_scoped3A = tpu.sem_alloc : memref<!tpu.dma_semaphore, #tpu.memory_space<semaphore_mem>>
        %dma_start3A_90 = arith.constant 0 : i32
        %dma_start3A_91 = tpu.memref_slice %arg10[%add3A_69, %dma_start3A_90] : memref<80x128xi32, #tpu.memory_space<vmem>> -> memref<1x128xi32, #tpu.memory_space<vmem>>
        %dma_start3A_92 = tpu.memref_squeeze %dma_start3A_91 : memref<1x128xi32, #tpu.memory_space<vmem>> -> memref<128xi32, #tpu.memory_space<vmem>>
        %dma_start3A_93 = arith.constant 0 : i32
        %dma_start3A_94 = arith.constant 0 : i32
        %dma_start3A_95 = tpu.memref_slice %arg16[%dma_start3A_93, %dma_start3A_94] : memref<10112x32xf32, #tpu.memory_space<vmem_shared>> -> memref<10112x32xf32, #tpu.memory_space<vmem_shared>>
        tpu.enqueue_indirect_dma source(%arg14 : memref<128x32xf32, #tpu.memory_space<vmem>>) target(%dma_start3A_95 : memref<10112x32xf32, #tpu.memory_space<vmem_shared>>) offsets(%dma_start3A_92 : memref<128xi32, #tpu.memory_space<vmem>>) semaphore(%run_scoped3A : memref<!tpu.dma_semaphore, #tpu.memory_space<semaphore_mem>>) {add = true}
        %dma_wait3A_96 = arith.constant 0 : i32
        %dma_wait3A_97 = tpu.memref_slice %arg10[%add3A_69, %dma_wait3A_96] : memref<80x128xi32, #tpu.memory_space<vmem>> -> memref<1x128xi32, #tpu.memory_space<vmem>>
        %dma_wait3A_98 = tpu.memref_squeeze %dma_wait3A_97 : memref<1x128xi32, #tpu.memory_space<vmem>> -> memref<128xi32, #tpu.memory_space<vmem>>
        %dma_wait3A_99 = arith.constant 0 : i32
        %dma_wait3A_100 = arith.constant 0 : i32
        %dma_wait3A_101 = tpu.memref_slice %arg16[%dma_wait3A_99, %dma_wait3A_100] : memref<10112x32xf32, #tpu.memory_space<vmem_shared>> -> memref<10112x32xf32, #tpu.memory_space<vmem_shared>>
        tpu.wait_indirect_dma semaphore(%run_scoped3A : memref<!tpu.dma_semaphore, #tpu.memory_space<semaphore_mem>>) src(%arg14 : memref<128x32xf32, #tpu.memory_space<vmem>>) dst(%dma_wait3A_101 : memref<10112x32xf32, #tpu.memory_space<vmem_shared>>)
        tpu.yield
      }) : () -> ()
      %dma_wait3A_76 = arith.constant 0 : i32
      %dma_wait3A_77 = tpu.memref_slice %arg10[%add3A_69, %dma_wait3A_76] : memref<80x128xi32, #tpu.memory_space<vmem>> -> memref<1x128xi32, #tpu.memory_space<vmem>>
      %dma_wait3A_78 = tpu.memref_squeeze %dma_wait3A_77 : memref<1x128xi32, #tpu.memory_space<vmem>> -> memref<128xi32, #tpu.memory_space<vmem>>
      %dma_wait3A_79 = arith.constant 0 : i32
      %dma_wait3A_80 = arith.constant 0 : i32
      %dma_wait3A_81 = tpu.memref_slice %arg15[%dma_wait3A_79, %dma_wait3A_80] : memref<10112x32xf32, #tpu.memory_space<vmem_shared>> -> memref<10112x32xf32, #tpu.memory_space<vmem_shared>>
      tpu.wait_indirect_dma semaphore(%arg19 : memref<!tpu.dma_semaphore, #tpu.memory_space<semaphore_mem>>) src(%arg13 : memref<128x32xf32, #tpu.memory_space<vmem>>) dst(%dma_wait3A_81 : memref<10112x32xf32, #tpu.memory_space<vmem_shared>>)
      %add3A_82 = arith.constant 3 : i32
      %add3A_83 = arith.addi %mul3A_32, %add3A_82 : i32
      %lt3A_84 = arith.constant 80 : i32
      %lt3A_85 = arith.cmpi slt, %add3A_83, %lt3A_84 : i32
      %convert_element_type3A_86 = arith.extui %lt3A_85 : i1 to i32
      %cond3A_87 = arith.constant 0 : i32
      %cond3A_88 = arith.cmpi ne, %convert_element_type3A_86, %cond3A_87 : i32
      scf.if %cond3A_88 {
        %add3A_90 = arith.constant 3 : i32
        %add3A_91 = arith.addi %mul3A_32, %add3A_90 : i32
        %mul3A_92 = arith.constant 128 : i32
        %mul3A_93 = arith.muli %add3A_91, %mul3A_92 : i32
        %dma_start3A_94 = tpu.memref_slice %arg9[%mul3A_93] : memref<10240xi32, #tpu.memory_space<vmem>> -> memref<128xi32, #tpu.memory_space<vmem>>
        %dma_start3A_95 = arith.constant 0 : i32
        %dma_start3A_96 = arith.constant 0 : i32
        %dma_start3A_97 = tpu.memref_slice %arg2[%dma_start3A_95, %dma_start3A_96] : memref<10000x32xf32, #tpu.memory_space<hbm>> -> memref<10000x32xf32, #tpu.memory_space<hbm>>
        tpu.enqueue_indirect_dma source(%dma_start3A_97 : memref<10000x32xf32, #tpu.memory_space<hbm>>) target(%arg13 : memref<128x32xf32, #tpu.memory_space<vmem>>) offsets(%dma_start3A_94 : memref<128xi32, #tpu.memory_space<vmem>>) semaphore(%arg18 : memref<!tpu.dma_semaphore, #tpu.memory_space<semaphore_mem>>)
        %dma_start3A_98 = tpu.memref_slice %arg9[%mul3A_93] : memref<10240xi32, #tpu.memory_space<vmem>> -> memref<128xi32, #tpu.memory_space<vmem>>
        %dma_start3A_99 = arith.constant 0 : i32
        %dma_start3A_100 = arith.constant 0 : i32
        %dma_start3A_101 = tpu.memref_slice %arg3[%dma_start3A_99, %dma_start3A_100] : memref<10000x32xf32, #tpu.memory_space<hbm>> -> memref<10000x32xf32, #tpu.memory_space<hbm>>
        tpu.enqueue_indirect_dma source(%dma_start3A_101 : memref<10000x32xf32, #tpu.memory_space<hbm>>) target(%arg14 : memref<128x32xf32, #tpu.memory_space<vmem>>) offsets(%dma_start3A_98 : memref<128xi32, #tpu.memory_space<vmem>>) semaphore(%arg18 : memref<!tpu.dma_semaphore, #tpu.memory_space<semaphore_mem>>)
      } else {
      }
      %scan3A_89 = arith.constant 0 : i32
      scf.yield %scan3A_89 : i32
    }
    %scan3A_27 = arith.constant 40 : i32
    %barrier3A_28 = arith.constant 0 : index
    tpu.barrier barrier_id(%barrier3A_28)
    "tpu.region"() ({
      %run_scoped3A = tpu.sem_alloc : memref<!tpu.dma_semaphore, #tpu.memory_space<semaphore_mem>>
      %dma_start3A_29 = arith.constant 0 : i32
      %dma_start3A_30 = tpu.memref_slice %arg7[%arg0, %mul3A_2, %dma_start3A_29] : memref<2x10112x32xf32, #tpu.memory_space<hbm>> -> memref<1x632x32xf32, #tpu.memory_space<hbm>>
      %dma_start3A_31 = tpu.memref_squeeze %dma_start3A_30 : memref<1x632x32xf32, #tpu.memory_space<hbm>> -> memref<632x32xf32, #tpu.memory_space<hbm>>
      %dma_start3A_32 = arith.constant 0 : i32
      %dma_start3A_33 = tpu.memref_slice %arg15[%mul3A_2, %dma_start3A_32] : memref<10112x32xf32, #tpu.memory_space<vmem_shared>> -> memref<632x32xf32, #tpu.memory_space<vmem_shared>>
      tpu.enqueue_dma source(%dma_start3A_33 : memref<632x32xf32, #tpu.memory_space<vmem_shared>>) target(%dma_start3A_31 : memref<632x32xf32, #tpu.memory_space<hbm>>) target_semaphore(%run_scoped3A : memref<!tpu.dma_semaphore, #tpu.memory_space<semaphore_mem>>)
      %dma_wait3A = arith.constant 0 : i32
      %dma_wait3A_34 = tpu.memref_slice %arg7[%arg0, %mul3A_2, %dma_wait3A] : memref<2x10112x32xf32, #tpu.memory_space<hbm>> -> memref<1x632x32xf32, #tpu.memory_space<hbm>>
      %dma_wait3A_35 = tpu.memref_squeeze %dma_wait3A_34 : memref<1x632x32xf32, #tpu.memory_space<hbm>> -> memref<632x32xf32, #tpu.memory_space<hbm>>
      %dma_wait3A_36 = arith.constant 0 : i32
      %dma_wait3A_37 = tpu.memref_slice %arg15[%mul3A_2, %dma_wait3A_36] : memref<10112x32xf32, #tpu.memory_space<vmem_shared>> -> memref<632x32xf32, #tpu.memory_space<vmem_shared>>
      tpu.wait_dma2 semaphore(%run_scoped3A : memref<!tpu.dma_semaphore, #tpu.memory_space<semaphore_mem>>) src(%dma_wait3A_37 : memref<632x32xf32, #tpu.memory_space<vmem_shared>>) dst(%dma_wait3A_35 : memref<632x32xf32, #tpu.memory_space<hbm>>)
      tpu.yield
    }) : () -> ()
    "tpu.region"() ({
      %run_scoped3A = tpu.sem_alloc : memref<!tpu.dma_semaphore, #tpu.memory_space<semaphore_mem>>
      %dma_start3A_29 = arith.constant 0 : i32
      %dma_start3A_30 = tpu.memref_slice %arg8[%arg0, %mul3A_2, %dma_start3A_29] : memref<2x10112x32xf32, #tpu.memory_space<hbm>> -> memref<1x632x32xf32, #tpu.memory_space<hbm>>
      %dma_start3A_31 = tpu.memref_squeeze %dma_start3A_30 : memref<1x632x32xf32, #tpu.memory_space<hbm>> -> memref<632x32xf32, #tpu.memory_space<hbm>>
      %dma_start3A_32 = arith.constant 0 : i32
      %dma_start3A_33 = tpu.memref_slice %arg16[%mul3A_2, %dma_start3A_32] : memref<10112x32xf32, #tpu.memory_space<vmem_shared>> -> memref<632x32xf32, #tpu.memory_space<vmem_shared>>
      tpu.enqueue_dma source(%dma_start3A_33 : memref<632x32xf32, #tpu.memory_space<vmem_shared>>) target(%dma_start3A_31 : memref<632x32xf32, #tpu.memory_space<hbm>>) target_semaphore(%run_scoped3A : memref<!tpu.dma_semaphore, #tpu.memory_space<semaphore_mem>>)
      %dma_wait3A = arith.constant 0 : i32
      %dma_wait3A_34 = tpu.memref_slice %arg8[%arg0, %mul3A_2, %dma_wait3A] : memref<2x10112x32xf32, #tpu.memory_space<hbm>> -> memref<1x632x32xf32, #tpu.memory_space<hbm>>
      %dma_wait3A_35 = tpu.memref_squeeze %dma_wait3A_34 : memref<1x632x32xf32, #tpu.memory_space<hbm>> -> memref<632x32xf32, #tpu.memory_space<hbm>>
      %dma_wait3A_36 = arith.constant 0 : i32
      %dma_wait3A_37 = tpu.memref_slice %arg16[%mul3A_2, %dma_wait3A_36] : memref<10112x32xf32, #tpu.memory_space<vmem_shared>> -> memref<632x32xf32, #tpu.memory_space<vmem_shared>>
      tpu.wait_dma2 semaphore(%run_scoped3A : memref<!tpu.dma_semaphore, #tpu.memory_space<semaphore_mem>>) src(%dma_wait3A_37 : memref<632x32xf32, #tpu.memory_space<vmem_shared>>) dst(%dma_wait3A_35 : memref<632x32xf32, #tpu.memory_space<hbm>>)
      tpu.yield
    }) : () -> ()
    return
  }
}

#map = affine_map<(d0, d1) -> (0, 0)>
#map1 = affine_map<(d0, d1) -> (0, 0, 0)>
module attributes {stable_mosaic.version = 14 : i64} {
  func.func @_msg_body(%arg0: i32, %arg1: i32, %arg2: memref<10000x32xf32, #tpu.memory_space<hbm>>, %arg3: memref<10000x32xf32, #tpu.memory_space<hbm>>, %arg4: memref<32x10240xi32, #tpu.memory_space<hbm>>, %arg5: memref<32x80x128xi32, #tpu.memory_space<hbm>>, %arg6: memref<632x32xf32, #tpu.memory_space<hbm>>, %arg7: memref<2x10112x32xf32, #tpu.memory_space<hbm>>, %arg8: memref<2x10112x32xf32, #tpu.memory_space<hbm>>, %arg9: memref<10240xi32, #tpu.memory_space<vmem>>, %arg10: memref<80x128xi32, #tpu.memory_space<vmem>>, %arg11: memref<128x32xf32, #tpu.memory_space<vmem>>, %arg12: memref<128x32xf32, #tpu.memory_space<vmem>>, %arg13: memref<128x32xf32, #tpu.memory_space<vmem>>, %arg14: memref<128x32xf32, #tpu.memory_space<vmem>>, %arg15: memref<10112x32xf32, #tpu.memory_space<vmem_shared>>, %arg16: memref<10112x32xf32, #tpu.memory_space<vmem_shared>>, %arg17: memref<!tpu.dma_semaphore, #tpu.memory_space<semaphore_mem>>, %arg18: memref<!tpu.dma_semaphore, #tpu.memory_space<semaphore_mem>>, %arg19: memref<!tpu.dma_semaphore, #tpu.memory_space<semaphore_mem>>) attributes {dimension_semantics = [#tpu.dimension_semantics<core_parallel>, #tpu.dimension_semantics<subcore_parallel>], iteration_bounds = array<i64: 2, 16>, scalar_prefetch = 0 : i64, scratch_operands = 11 : i64, tpu.core_type = #tpu.core_type<sc_vector_subcore>, window_params = [{transform_indices = #map}, {transform_indices = #map}, {transform_indices = #map}, {transform_indices = #map1}, {transform_indices = #map}, {transform_indices = #map1}, {transform_indices = #map1}]} {
    %mul3A = arith.constant 16 : i32
    %mul3A_0 = arith.muli %arg0, %mul3A : i32
    %add3A = arith.addi %mul3A_0, %arg1 : i32
    "tpu.region"() ({
      %run_scoped3A = tpu.sem_alloc : memref<!tpu.dma_semaphore, #tpu.memory_space<semaphore_mem>>
      %dma_start3A_29 = arith.constant 0 : i32
      %dma_start3A_30 = tpu.memref_slice %arg4[%add3A, %dma_start3A_29] : memref<32x10240xi32, #tpu.memory_space<hbm>> -> memref<1x10240xi32, #tpu.memory_space<hbm>>
      %dma_start3A_31 = tpu.memref_squeeze %dma_start3A_30 : memref<1x10240xi32, #tpu.memory_space<hbm>> -> memref<10240xi32, #tpu.memory_space<hbm>>
      %dma_start3A_32 = arith.constant 0 : i32
      %dma_start3A_33 = tpu.memref_slice %arg4[%add3A, %dma_start3A_32] : memref<32x10240xi32, #tpu.memory_space<hbm>> -> memref<1x10240xi32, #tpu.memory_space<hbm>>
      %dma_start3A_34 = tpu.memref_squeeze %dma_start3A_33 : memref<1x10240xi32, #tpu.memory_space<hbm>> -> memref<10240xi32, #tpu.memory_space<hbm>>
      tpu.enqueue_dma source(%dma_start3A_34 : memref<10240xi32, #tpu.memory_space<hbm>>) target(%arg9 : memref<10240xi32, #tpu.memory_space<vmem>>) target_semaphore(%run_scoped3A : memref<!tpu.dma_semaphore, #tpu.memory_space<semaphore_mem>>)
      %dma_wait3A = arith.constant 0 : i32
      %dma_wait3A_35 = tpu.memref_slice %arg4[%add3A, %dma_wait3A] : memref<32x10240xi32, #tpu.memory_space<hbm>> -> memref<1x10240xi32, #tpu.memory_space<hbm>>
      %dma_wait3A_36 = tpu.memref_squeeze %dma_wait3A_35 : memref<1x10240xi32, #tpu.memory_space<hbm>> -> memref<10240xi32, #tpu.memory_space<hbm>>
      %dma_wait3A_37 = arith.constant 0 : i32
      %dma_wait3A_38 = tpu.memref_slice %arg4[%add3A, %dma_wait3A_37] : memref<32x10240xi32, #tpu.memory_space<hbm>> -> memref<1x10240xi32, #tpu.memory_space<hbm>>
      %dma_wait3A_39 = tpu.memref_squeeze %dma_wait3A_38 : memref<1x10240xi32, #tpu.memory_space<hbm>> -> memref<10240xi32, #tpu.memory_space<hbm>>
      tpu.wait_dma2 semaphore(%run_scoped3A : memref<!tpu.dma_semaphore, #tpu.memory_space<semaphore_mem>>) src(%dma_wait3A_39 : memref<10240xi32, #tpu.memory_space<hbm>>) dst(%arg9 : memref<10240xi32, #tpu.memory_space<vmem>>)
      tpu.yield
    }) : () -> ()
    "tpu.region"() ({
      %run_scoped3A = tpu.sem_alloc : memref<!tpu.dma_semaphore, #tpu.memory_space<semaphore_mem>>
      %dma_start3A_29 = arith.constant 0 : i32
      %dma_start3A_30 = arith.constant 0 : i32
      %dma_start3A_31 = tpu.memref_slice %arg5[%add3A, %dma_start3A_29, %dma_start3A_30] : memref<32x80x128xi32, #tpu.memory_space<hbm>> -> memref<1x80x128xi32, #tpu.memory_space<hbm>>
      %dma_start3A_32 = tpu.memref_squeeze %dma_start3A_31 : memref<1x80x128xi32, #tpu.memory_space<hbm>> -> memref<80x128xi32, #tpu.memory_space<hbm>>
      %dma_start3A_33 = arith.constant 0 : i32
      %dma_start3A_34 = arith.constant 0 : i32
      %dma_start3A_35 = tpu.memref_slice %arg5[%add3A, %dma_start3A_33, %dma_start3A_34] : memref<32x80x128xi32, #tpu.memory_space<hbm>> -> memref<1x80x128xi32, #tpu.memory_space<hbm>>
      %dma_start3A_36 = tpu.memref_squeeze %dma_start3A_35 : memref<1x80x128xi32, #tpu.memory_space<hbm>> -> memref<80x128xi32, #tpu.memory_space<hbm>>
      tpu.enqueue_dma source(%dma_start3A_36 : memref<80x128xi32, #tpu.memory_space<hbm>>) target(%arg10 : memref<80x128xi32, #tpu.memory_space<vmem>>) target_semaphore(%run_scoped3A : memref<!tpu.dma_semaphore, #tpu.memory_space<semaphore_mem>>)
      %dma_wait3A = arith.constant 0 : i32
      %dma_wait3A_37 = arith.constant 0 : i32
      %dma_wait3A_38 = tpu.memref_slice %arg5[%add3A, %dma_wait3A, %dma_wait3A_37] : memref<32x80x128xi32, #tpu.memory_space<hbm>> -> memref<1x80x128xi32, #tpu.memory_space<hbm>>
      %dma_wait3A_39 = tpu.memref_squeeze %dma_wait3A_38 : memref<1x80x128xi32, #tpu.memory_space<hbm>> -> memref<80x128xi32, #tpu.memory_space<hbm>>
      %dma_wait3A_40 = arith.constant 0 : i32
      %dma_wait3A_41 = arith.constant 0 : i32
      %dma_wait3A_42 = tpu.memref_slice %arg5[%add3A, %dma_wait3A_40, %dma_wait3A_41] : memref<32x80x128xi32, #tpu.memory_space<hbm>> -> memref<1x80x128xi32, #tpu.memory_space<hbm>>
      %dma_wait3A_43 = tpu.memref_squeeze %dma_wait3A_42 : memref<1x80x128xi32, #tpu.memory_space<hbm>> -> memref<80x128xi32, #tpu.memory_space<hbm>>
      tpu.wait_dma2 semaphore(%run_scoped3A : memref<!tpu.dma_semaphore, #tpu.memory_space<semaphore_mem>>) src(%dma_wait3A_43 : memref<80x128xi32, #tpu.memory_space<hbm>>) dst(%arg10 : memref<80x128xi32, #tpu.memory_space<vmem>>)
      tpu.yield
    }) : () -> ()
    %mul3A_1 = arith.constant 632 : i32
    %mul3A_2 = arith.muli %arg1, %mul3A_1 : i32
    "tpu.region"() ({
      %run_scoped3A = tpu.sem_alloc : memref<!tpu.dma_semaphore, #tpu.memory_space<semaphore_mem>>
      %dma_start3A_29 = arith.constant 0 : i32
      %dma_start3A_30 = tpu.memref_slice %arg15[%mul3A_2, %dma_start3A_29] : memref<10112x32xf32, #tpu.memory_space<vmem_shared>> -> memref<632x32xf32, #tpu.memory_space<vmem_shared>>
      tpu.enqueue_dma source(%arg6 : memref<632x32xf32, #tpu.memory_space<hbm>>) target(%dma_start3A_30 : memref<632x32xf32, #tpu.memory_space<vmem_shared>>) target_semaphore(%run_scoped3A : memref<!tpu.dma_semaphore, #tpu.memory_space<semaphore_mem>>)
      %dma_wait3A = arith.constant 0 : i32
      %dma_wait3A_31 = tpu.memref_slice %arg15[%mul3A_2, %dma_wait3A] : memref<10112x32xf32, #tpu.memory_space<vmem_shared>> -> memref<632x32xf32, #tpu.memory_space<vmem_shared>>
      tpu.wait_dma2 semaphore(%run_scoped3A : memref<!tpu.dma_semaphore, #tpu.memory_space<semaphore_mem>>) src(%arg6 : memref<632x32xf32, #tpu.memory_space<hbm>>) dst(%dma_wait3A_31 : memref<632x32xf32, #tpu.memory_space<vmem_shared>>)
      tpu.yield
    }) : () -> ()
    "tpu.region"() ({
      %run_scoped3A = tpu.sem_alloc : memref<!tpu.dma_semaphore, #tpu.memory_space<semaphore_mem>>
      %dma_start3A_29 = arith.constant 0 : i32
      %dma_start3A_30 = tpu.memref_slice %arg16[%mul3A_2, %dma_start3A_29] : memref<10112x32xf32, #tpu.memory_space<vmem_shared>> -> memref<632x32xf32, #tpu.memory_space<vmem_shared>>
      tpu.enqueue_dma source(%arg6 : memref<632x32xf32, #tpu.memory_space<hbm>>) target(%dma_start3A_30 : memref<632x32xf32, #tpu.memory_space<vmem_shared>>) target_semaphore(%run_scoped3A : memref<!tpu.dma_semaphore, #tpu.memory_space<semaphore_mem>>)
      %dma_wait3A = arith.constant 0 : i32
      %dma_wait3A_31 = tpu.memref_slice %arg16[%mul3A_2, %dma_wait3A] : memref<10112x32xf32, #tpu.memory_space<vmem_shared>> -> memref<632x32xf32, #tpu.memory_space<vmem_shared>>
      tpu.wait_dma2 semaphore(%run_scoped3A : memref<!tpu.dma_semaphore, #tpu.memory_space<semaphore_mem>>) src(%arg6 : memref<632x32xf32, #tpu.memory_space<hbm>>) dst(%dma_wait3A_31 : memref<632x32xf32, #tpu.memory_space<vmem_shared>>)
      tpu.yield
    }) : () -> ()
    %barrier3A = arith.constant 0 : index
    tpu.barrier barrier_id(%barrier3A)
    %dma_start3A = arith.constant 0 : i32
    %dma_start3A_3 = tpu.memref_slice %arg9[%dma_start3A] : memref<10240xi32, #tpu.memory_space<vmem>> -> memref<128xi32, #tpu.memory_space<vmem>>
    %dma_start3A_4 = arith.constant 0 : i32
    %dma_start3A_5 = arith.constant 0 : i32
    %dma_start3A_6 = tpu.memref_slice %arg2[%dma_start3A_4, %dma_start3A_5] : memref<10000x32xf32, #tpu.memory_space<hbm>> -> memref<10000x32xf32, #tpu.memory_space<hbm>>
    tpu.enqueue_indirect_dma source(%dma_start3A_6 : memref<10000x32xf32, #tpu.memory_space<hbm>>) target(%arg11 : memref<128x32xf32, #tpu.memory_space<vmem>>) offsets(%dma_start3A_3 : memref<128xi32, #tpu.memory_space<vmem>>) semaphore(%arg17 : memref<!tpu.dma_semaphore, #tpu.memory_space<semaphore_mem>>)
    %dma_start3A_7 = arith.constant 0 : i32
    %dma_start3A_8 = tpu.memref_slice %arg9[%dma_start3A_7] : memref<10240xi32, #tpu.memory_space<vmem>> -> memref<128xi32, #tpu.memory_space<vmem>>
    %dma_start3A_9 = arith.constant 0 : i32
    %dma_start3A_10 = arith.constant 0 : i32
    %dma_start3A_11 = tpu.memref_slice %arg3[%dma_start3A_9, %dma_start3A_10] : memref<10000x32xf32, #tpu.memory_space<hbm>> -> memref<10000x32xf32, #tpu.memory_space<hbm>>
    tpu.enqueue_indirect_dma source(%dma_start3A_11 : memref<10000x32xf32, #tpu.memory_space<hbm>>) target(%arg12 : memref<128x32xf32, #tpu.memory_space<vmem>>) offsets(%dma_start3A_8 : memref<128xi32, #tpu.memory_space<vmem>>) semaphore(%arg17 : memref<!tpu.dma_semaphore, #tpu.memory_space<semaphore_mem>>)
    %dma_start3A_12 = arith.constant 128 : i32
    %dma_start3A_13 = tpu.memref_slice %arg9[%dma_start3A_12] : memref<10240xi32, #tpu.memory_space<vmem>> -> memref<128xi32, #tpu.memory_space<vmem>>
    %dma_start3A_14 = arith.constant 0 : i32
    %dma_start3A_15 = arith.constant 0 : i32
    %dma_start3A_16 = tpu.memref_slice %arg2[%dma_start3A_14, %dma_start3A_15] : memref<10000x32xf32, #tpu.memory_space<hbm>> -> memref<10000x32xf32, #tpu.memory_space<hbm>>
    tpu.enqueue_indirect_dma source(%dma_start3A_16 : memref<10000x32xf32, #tpu.memory_space<hbm>>) target(%arg13 : memref<128x32xf32, #tpu.memory_space<vmem>>) offsets(%dma_start3A_13 : memref<128xi32, #tpu.memory_space<vmem>>) semaphore(%arg18 : memref<!tpu.dma_semaphore, #tpu.memory_space<semaphore_mem>>)
    %dma_start3A_17 = arith.constant 128 : i32
    %dma_start3A_18 = tpu.memref_slice %arg9[%dma_start3A_17] : memref<10240xi32, #tpu.memory_space<vmem>> -> memref<128xi32, #tpu.memory_space<vmem>>
    %dma_start3A_19 = arith.constant 0 : i32
    %dma_start3A_20 = arith.constant 0 : i32
    %dma_start3A_21 = tpu.memref_slice %arg3[%dma_start3A_19, %dma_start3A_20] : memref<10000x32xf32, #tpu.memory_space<hbm>> -> memref<10000x32xf32, #tpu.memory_space<hbm>>
    tpu.enqueue_indirect_dma source(%dma_start3A_21 : memref<10000x32xf32, #tpu.memory_space<hbm>>) target(%arg14 : memref<128x32xf32, #tpu.memory_space<vmem>>) offsets(%dma_start3A_18 : memref<128xi32, #tpu.memory_space<vmem>>) semaphore(%arg18 : memref<!tpu.dma_semaphore, #tpu.memory_space<semaphore_mem>>)
    %scan3A = arith.constant 0 : i32
    %scan3A_22 = arith.constant 0 : i32
    %scan3A_23 = arith.constant 40 : i32
    %scan3A_24 = arith.addi %scan3A_22, %scan3A_23 : i32
    %scan3A_25 = arith.constant 1 : i32
    %scan3A_26 = scf.for %scan3A_29 = %scan3A_22 to %scan3A_24 step %scan3A_25 iter_args(%scan3A_30 = %scan3A) -> (i32)  : i32 {
      %mul3A_31 = arith.constant 2 : i32
      %mul3A_32 = arith.muli %scan3A_29, %mul3A_31 : i32
      %dma_wait3A = arith.constant 0 : i32
      %dma_wait3A_33 = tpu.memref_slice %arg9[%dma_wait3A] : memref<10240xi32, #tpu.memory_space<vmem>> -> memref<128xi32, #tpu.memory_space<vmem>>
      %dma_wait3A_34 = arith.constant 0 : i32
      %dma_wait3A_35 = arith.constant 0 : i32
      %dma_wait3A_36 = tpu.memref_slice %arg2[%dma_wait3A_34, %dma_wait3A_35] : memref<10000x32xf32, #tpu.memory_space<hbm>> -> memref<10000x32xf32, #tpu.memory_space<hbm>>
      tpu.wait_indirect_dma semaphore(%arg17 : memref<!tpu.dma_semaphore, #tpu.memory_space<semaphore_mem>>) src(%dma_wait3A_36 : memref<10000x32xf32, #tpu.memory_space<hbm>>) dst(%arg11 : memref<128x32xf32, #tpu.memory_space<vmem>>)
      %dma_wait3A_37 = arith.constant 0 : i32
      %dma_wait3A_38 = tpu.memref_slice %arg9[%dma_wait3A_37] : memref<10240xi32, #tpu.memory_space<vmem>> -> memref<128xi32, #tpu.memory_space<vmem>>
      %dma_wait3A_39 = arith.constant 0 : i32
      %dma_wait3A_40 = arith.constant 0 : i32
      %dma_wait3A_41 = tpu.memref_slice %arg3[%dma_wait3A_39, %dma_wait3A_40] : memref<10000x32xf32, #tpu.memory_space<hbm>> -> memref<10000x32xf32, #tpu.memory_space<hbm>>
      tpu.wait_indirect_dma semaphore(%arg17 : memref<!tpu.dma_semaphore, #tpu.memory_space<semaphore_mem>>) src(%dma_wait3A_41 : memref<10000x32xf32, #tpu.memory_space<hbm>>) dst(%arg12 : memref<128x32xf32, #tpu.memory_space<vmem>>)
      %dma_start3A_42 = arith.constant 0 : i32
      %dma_start3A_43 = tpu.memref_slice %arg10[%mul3A_32, %dma_start3A_42] : memref<80x128xi32, #tpu.memory_space<vmem>> -> memref<1x128xi32, #tpu.memory_space<vmem>>
      %dma_start3A_44 = tpu.memref_squeeze %dma_start3A_43 : memref<1x128xi32, #tpu.memory_space<vmem>> -> memref<128xi32, #tpu.memory_space<vmem>>
      %dma_start3A_45 = arith.constant 0 : i32
      %dma_start3A_46 = arith.constant 0 : i32
      %dma_start3A_47 = tpu.memref_slice %arg15[%dma_start3A_45, %dma_start3A_46] : memref<10112x32xf32, #tpu.memory_space<vmem_shared>> -> memref<10112x32xf32, #tpu.memory_space<vmem_shared>>
      tpu.enqueue_indirect_dma source(%arg11 : memref<128x32xf32, #tpu.memory_space<vmem>>) target(%dma_start3A_47 : memref<10112x32xf32, #tpu.memory_space<vmem_shared>>) offsets(%dma_start3A_44 : memref<128xi32, #tpu.memory_space<vmem>>) semaphore(%arg19 : memref<!tpu.dma_semaphore, #tpu.memory_space<semaphore_mem>>) {add = true}
      "tpu.region"() ({
        %run_scoped3A = tpu.sem_alloc : memref<!tpu.dma_semaphore, #tpu.memory_space<semaphore_mem>>
        %dma_start3A_90 = arith.constant 0 : i32
        %dma_start3A_91 = tpu.memref_slice %arg10[%mul3A_32, %dma_start3A_90] : memref<80x128xi32, #tpu.memory_space<vmem>> -> memref<1x128xi32, #tpu.memory_space<vmem>>
        %dma_start3A_92 = tpu.memref_squeeze %dma_start3A_91 : memref<1x128xi32, #tpu.memory_space<vmem>> -> memref<128xi32, #tpu.memory_space<vmem>>
        %dma_start3A_93 = arith.constant 0 : i32
        %dma_start3A_94 = arith.constant 0 : i32
        %dma_start3A_95 = tpu.memref_slice %arg16[%dma_start3A_93, %dma_start3A_94] : memref<10112x32xf32, #tpu.memory_space<vmem_shared>> -> memref<10112x32xf32, #tpu.memory_space<vmem_shared>>
        tpu.enqueue_indirect_dma source(%arg12 : memref<128x32xf32, #tpu.memory_space<vmem>>) target(%dma_start3A_95 : memref<10112x32xf32, #tpu.memory_space<vmem_shared>>) offsets(%dma_start3A_92 : memref<128xi32, #tpu.memory_space<vmem>>) semaphore(%run_scoped3A : memref<!tpu.dma_semaphore, #tpu.memory_space<semaphore_mem>>) {add = true}
        %dma_wait3A_96 = arith.constant 0 : i32
        %dma_wait3A_97 = tpu.memref_slice %arg10[%mul3A_32, %dma_wait3A_96] : memref<80x128xi32, #tpu.memory_space<vmem>> -> memref<1x128xi32, #tpu.memory_space<vmem>>
        %dma_wait3A_98 = tpu.memref_squeeze %dma_wait3A_97 : memref<1x128xi32, #tpu.memory_space<vmem>> -> memref<128xi32, #tpu.memory_space<vmem>>
        %dma_wait3A_99 = arith.constant 0 : i32
        %dma_wait3A_100 = arith.constant 0 : i32
        %dma_wait3A_101 = tpu.memref_slice %arg16[%dma_wait3A_99, %dma_wait3A_100] : memref<10112x32xf32, #tpu.memory_space<vmem_shared>> -> memref<10112x32xf32, #tpu.memory_space<vmem_shared>>
        tpu.wait_indirect_dma semaphore(%run_scoped3A : memref<!tpu.dma_semaphore, #tpu.memory_space<semaphore_mem>>) src(%arg12 : memref<128x32xf32, #tpu.memory_space<vmem>>) dst(%dma_wait3A_101 : memref<10112x32xf32, #tpu.memory_space<vmem_shared>>)
        tpu.yield
      }) : () -> ()
      %dma_wait3A_48 = arith.constant 0 : i32
      %dma_wait3A_49 = tpu.memref_slice %arg10[%mul3A_32, %dma_wait3A_48] : memref<80x128xi32, #tpu.memory_space<vmem>> -> memref<1x128xi32, #tpu.memory_space<vmem>>
      %dma_wait3A_50 = tpu.memref_squeeze %dma_wait3A_49 : memref<1x128xi32, #tpu.memory_space<vmem>> -> memref<128xi32, #tpu.memory_space<vmem>>
      %dma_wait3A_51 = arith.constant 0 : i32
      %dma_wait3A_52 = arith.constant 0 : i32
      %dma_wait3A_53 = tpu.memref_slice %arg15[%dma_wait3A_51, %dma_wait3A_52] : memref<10112x32xf32, #tpu.memory_space<vmem_shared>> -> memref<10112x32xf32, #tpu.memory_space<vmem_shared>>
      tpu.wait_indirect_dma semaphore(%arg19 : memref<!tpu.dma_semaphore, #tpu.memory_space<semaphore_mem>>) src(%arg11 : memref<128x32xf32, #tpu.memory_space<vmem>>) dst(%dma_wait3A_53 : memref<10112x32xf32, #tpu.memory_space<vmem_shared>>)
      %add3A_54 = arith.constant 2 : i32
      %add3A_55 = arith.addi %mul3A_32, %add3A_54 : i32
      %lt3A = arith.constant 80 : i32
      %lt3A_56 = arith.cmpi slt, %add3A_55, %lt3A : i32
      %convert_element_type3A = arith.extui %lt3A_56 : i1 to i32
      %cond3A = arith.constant 0 : i32
      %cond3A_57 = arith.cmpi ne, %convert_element_type3A, %cond3A : i32
      scf.if %cond3A_57 {
        %add3A_90 = arith.constant 2 : i32
        %add3A_91 = arith.addi %mul3A_32, %add3A_90 : i32
        %mul3A_92 = arith.constant 128 : i32
        %mul3A_93 = arith.muli %add3A_91, %mul3A_92 : i32
        %dma_start3A_94 = tpu.memref_slice %arg9[%mul3A_93] : memref<10240xi32, #tpu.memory_space<vmem>> -> memref<128xi32, #tpu.memory_space<vmem>>
        %dma_start3A_95 = arith.constant 0 : i32
        %dma_start3A_96 = arith.constant 0 : i32
        %dma_start3A_97 = tpu.memref_slice %arg2[%dma_start3A_95, %dma_start3A_96] : memref<10000x32xf32, #tpu.memory_space<hbm>> -> memref<10000x32xf32, #tpu.memory_space<hbm>>
        tpu.enqueue_indirect_dma source(%dma_start3A_97 : memref<10000x32xf32, #tpu.memory_space<hbm>>) target(%arg11 : memref<128x32xf32, #tpu.memory_space<vmem>>) offsets(%dma_start3A_94 : memref<128xi32, #tpu.memory_space<vmem>>) semaphore(%arg17 : memref<!tpu.dma_semaphore, #tpu.memory_space<semaphore_mem>>)
        %dma_start3A_98 = tpu.memref_slice %arg9[%mul3A_93] : memref<10240xi32, #tpu.memory_space<vmem>> -> memref<128xi32, #tpu.memory_space<vmem>>
        %dma_start3A_99 = arith.constant 0 : i32
        %dma_start3A_100 = arith.constant 0 : i32
        %dma_start3A_101 = tpu.memref_slice %arg3[%dma_start3A_99, %dma_start3A_100] : memref<10000x32xf32, #tpu.memory_space<hbm>> -> memref<10000x32xf32, #tpu.memory_space<hbm>>
        tpu.enqueue_indirect_dma source(%dma_start3A_101 : memref<10000x32xf32, #tpu.memory_space<hbm>>) target(%arg12 : memref<128x32xf32, #tpu.memory_space<vmem>>) offsets(%dma_start3A_98 : memref<128xi32, #tpu.memory_space<vmem>>) semaphore(%arg17 : memref<!tpu.dma_semaphore, #tpu.memory_space<semaphore_mem>>)
      } else {
      }
      %dma_wait3A_58 = arith.constant 0 : i32
      %dma_wait3A_59 = tpu.memref_slice %arg9[%dma_wait3A_58] : memref<10240xi32, #tpu.memory_space<vmem>> -> memref<128xi32, #tpu.memory_space<vmem>>
      %dma_wait3A_60 = arith.constant 0 : i32
      %dma_wait3A_61 = arith.constant 0 : i32
      %dma_wait3A_62 = tpu.memref_slice %arg2[%dma_wait3A_60, %dma_wait3A_61] : memref<10000x32xf32, #tpu.memory_space<hbm>> -> memref<10000x32xf32, #tpu.memory_space<hbm>>
      tpu.wait_indirect_dma semaphore(%arg18 : memref<!tpu.dma_semaphore, #tpu.memory_space<semaphore_mem>>) src(%dma_wait3A_62 : memref<10000x32xf32, #tpu.memory_space<hbm>>) dst(%arg13 : memref<128x32xf32, #tpu.memory_space<vmem>>)
      %dma_wait3A_63 = arith.constant 0 : i32
      %dma_wait3A_64 = tpu.memref_slice %arg9[%dma_wait3A_63] : memref<10240xi32, #tpu.memory_space<vmem>> -> memref<128xi32, #tpu.memory_space<vmem>>
      %dma_wait3A_65 = arith.constant 0 : i32
      %dma_wait3A_66 = arith.constant 0 : i32
      %dma_wait3A_67 = tpu.memref_slice %arg3[%dma_wait3A_65, %dma_wait3A_66] : memref<10000x32xf32, #tpu.memory_space<hbm>> -> memref<10000x32xf32, #tpu.memory_space<hbm>>
      tpu.wait_indirect_dma semaphore(%arg18 : memref<!tpu.dma_semaphore, #tpu.memory_space<semaphore_mem>>) src(%dma_wait3A_67 : memref<10000x32xf32, #tpu.memory_space<hbm>>) dst(%arg14 : memref<128x32xf32, #tpu.memory_space<vmem>>)
      %add3A_68 = arith.constant 1 : i32
      %add3A_69 = arith.addi %mul3A_32, %add3A_68 : i32
      %dma_start3A_70 = arith.constant 0 : i32
      %dma_start3A_71 = tpu.memref_slice %arg10[%add3A_69, %dma_start3A_70] : memref<80x128xi32, #tpu.memory_space<vmem>> -> memref<1x128xi32, #tpu.memory_space<vmem>>
      %dma_start3A_72 = tpu.memref_squeeze %dma_start3A_71 : memref<1x128xi32, #tpu.memory_space<vmem>> -> memref<128xi32, #tpu.memory_space<vmem>>
      %dma_start3A_73 = arith.constant 0 : i32
      %dma_start3A_74 = arith.constant 0 : i32
      %dma_start3A_75 = tpu.memref_slice %arg15[%dma_start3A_73, %dma_start3A_74] : memref<10112x32xf32, #tpu.memory_space<vmem_shared>> -> memref<10112x32xf32, #tpu.memory_space<vmem_shared>>
      tpu.enqueue_indirect_dma source(%arg13 : memref<128x32xf32, #tpu.memory_space<vmem>>) target(%dma_start3A_75 : memref<10112x32xf32, #tpu.memory_space<vmem_shared>>) offsets(%dma_start3A_72 : memref<128xi32, #tpu.memory_space<vmem>>) semaphore(%arg19 : memref<!tpu.dma_semaphore, #tpu.memory_space<semaphore_mem>>) {add = true}
      "tpu.region"() ({
        %run_scoped3A = tpu.sem_alloc : memref<!tpu.dma_semaphore, #tpu.memory_space<semaphore_mem>>
        %dma_start3A_90 = arith.constant 0 : i32
        %dma_start3A_91 = tpu.memref_slice %arg10[%add3A_69, %dma_start3A_90] : memref<80x128xi32, #tpu.memory_space<vmem>> -> memref<1x128xi32, #tpu.memory_space<vmem>>
        %dma_start3A_92 = tpu.memref_squeeze %dma_start3A_91 : memref<1x128xi32, #tpu.memory_space<vmem>> -> memref<128xi32, #tpu.memory_space<vmem>>
        %dma_start3A_93 = arith.constant 0 : i32
        %dma_start3A_94 = arith.constant 0 : i32
        %dma_start3A_95 = tpu.memref_slice %arg16[%dma_start3A_93, %dma_start3A_94] : memref<10112x32xf32, #tpu.memory_space<vmem_shared>> -> memref<10112x32xf32, #tpu.memory_space<vmem_shared>>
        tpu.enqueue_indirect_dma source(%arg14 : memref<128x32xf32, #tpu.memory_space<vmem>>) target(%dma_start3A_95 : memref<10112x32xf32, #tpu.memory_space<vmem_shared>>) offsets(%dma_start3A_92 : memref<128xi32, #tpu.memory_space<vmem>>) semaphore(%run_scoped3A : memref<!tpu.dma_semaphore, #tpu.memory_space<semaphore_mem>>) {add = true}
        %dma_wait3A_96 = arith.constant 0 : i32
        %dma_wait3A_97 = tpu.memref_slice %arg10[%add3A_69, %dma_wait3A_96] : memref<80x128xi32, #tpu.memory_space<vmem>> -> memref<1x128xi32, #tpu.memory_space<vmem>>
        %dma_wait3A_98 = tpu.memref_squeeze %dma_wait3A_97 : memref<1x128xi32, #tpu.memory_space<vmem>> -> memref<128xi32, #tpu.memory_space<vmem>>
        %dma_wait3A_99 = arith.constant 0 : i32
        %dma_wait3A_100 = arith.constant 0 : i32
        %dma_wait3A_101 = tpu.memref_slice %arg16[%dma_wait3A_99, %dma_wait3A_100] : memref<10112x32xf32, #tpu.memory_space<vmem_shared>> -> memref<10112x32xf32, #tpu.memory_space<vmem_shared>>
        tpu.wait_indirect_dma semaphore(%run_scoped3A : memref<!tpu.dma_semaphore, #tpu.memory_space<semaphore_mem>>) src(%arg14 : memref<128x32xf32, #tpu.memory_space<vmem>>) dst(%dma_wait3A_101 : memref<10112x32xf32, #tpu.memory_space<vmem_shared>>)
        tpu.yield
      }) : () -> ()
      %dma_wait3A_76 = arith.constant 0 : i32
      %dma_wait3A_77 = tpu.memref_slice %arg10[%add3A_69, %dma_wait3A_76] : memref<80x128xi32, #tpu.memory_space<vmem>> -> memref<1x128xi32, #tpu.memory_space<vmem>>
      %dma_wait3A_78 = tpu.memref_squeeze %dma_wait3A_77 : memref<1x128xi32, #tpu.memory_space<vmem>> -> memref<128xi32, #tpu.memory_space<vmem>>
      %dma_wait3A_79 = arith.constant 0 : i32
      %dma_wait3A_80 = arith.constant 0 : i32
      %dma_wait3A_81 = tpu.memref_slice %arg15[%dma_wait3A_79, %dma_wait3A_80] : memref<10112x32xf32, #tpu.memory_space<vmem_shared>> -> memref<10112x32xf32, #tpu.memory_space<vmem_shared>>
      tpu.wait_indirect_dma semaphore(%arg19 : memref<!tpu.dma_semaphore, #tpu.memory_space<semaphore_mem>>) src(%arg13 : memref<128x32xf32, #tpu.memory_space<vmem>>) dst(%dma_wait3A_81 : memref<10112x32xf32, #tpu.memory_space<vmem_shared>>)
      %add3A_82 = arith.constant 3 : i32
      %add3A_83 = arith.addi %mul3A_32, %add3A_82 : i32
      %lt3A_84 = arith.constant 80 : i32
      %lt3A_85 = arith.cmpi slt, %add3A_83, %lt3A_84 : i32
      %convert_element_type3A_86 = arith.extui %lt3A_85 : i1 to i32
      %cond3A_87 = arith.constant 0 : i32
      %cond3A_88 = arith.cmpi ne, %convert_element_type3A_86, %cond3A_87 : i32
      scf.if %cond3A_88 {
        %add3A_90 = arith.constant 3 : i32
        %add3A_91 = arith.addi %mul3A_32, %add3A_90 : i32
        %mul3A_92 = arith.constant 128 : i32
        %mul3A_93 = arith.muli %add3A_91, %mul3A_92 : i32
        %dma_start3A_94 = tpu.memref_slice %arg9[%mul3A_93] : memref<10240xi32, #tpu.memory_space<vmem>> -> memref<128xi32, #tpu.memory_space<vmem>>
        %dma_start3A_95 = arith.constant 0 : i32
        %dma_start3A_96 = arith.constant 0 : i32
        %dma_start3A_97 = tpu.memref_slice %arg2[%dma_start3A_95, %dma_start3A_96] : memref<10000x32xf32, #tpu.memory_space<hbm>> -> memref<10000x32xf32, #tpu.memory_space<hbm>>
        tpu.enqueue_indirect_dma source(%dma_start3A_97 : memref<10000x32xf32, #tpu.memory_space<hbm>>) target(%arg13 : memref<128x32xf32, #tpu.memory_space<vmem>>) offsets(%dma_start3A_94 : memref<128xi32, #tpu.memory_space<vmem>>) semaphore(%arg18 : memref<!tpu.dma_semaphore, #tpu.memory_space<semaphore_mem>>)
        %dma_start3A_98 = tpu.memref_slice %arg9[%mul3A_93] : memref<10240xi32, #tpu.memory_space<vmem>> -> memref<128xi32, #tpu.memory_space<vmem>>
        %dma_start3A_99 = arith.constant 0 : i32
        %dma_start3A_100 = arith.constant 0 : i32
        %dma_start3A_101 = tpu.memref_slice %arg3[%dma_start3A_99, %dma_start3A_100] : memref<10000x32xf32, #tpu.memory_space<hbm>> -> memref<10000x32xf32, #tpu.memory_space<hbm>>
        tpu.enqueue_indirect_dma source(%dma_start3A_101 : memref<10000x32xf32, #tpu.memory_space<hbm>>) target(%arg14 : memref<128x32xf32, #tpu.memory_space<vmem>>) offsets(%dma_start3A_98 : memref<128xi32, #tpu.memory_space<vmem>>) semaphore(%arg18 : memref<!tpu.dma_semaphore, #tpu.memory_space<semaphore_mem>>)
      } else {
      }
      %scan3A_89 = arith.constant 0 : i32
      scf.yield %scan3A_89 : i32
    }
    %scan3A_27 = arith.constant 40 : i32
    %barrier3A_28 = arith.constant 0 : index
    tpu.barrier barrier_id(%barrier3A_28)
    "tpu.region"() ({
      %run_scoped3A = tpu.sem_alloc : memref<!tpu.dma_semaphore, #tpu.memory_space<semaphore_mem>>
      %dma_start3A_29 = arith.constant 0 : i32
      %dma_start3A_30 = tpu.memref_slice %arg7[%arg0, %mul3A_2, %dma_start3A_29] : memref<2x10112x32xf32, #tpu.memory_space<hbm>> -> memref<1x632x32xf32, #tpu.memory_space<hbm>>
      %dma_start3A_31 = tpu.memref_squeeze %dma_start3A_30 : memref<1x632x32xf32, #tpu.memory_space<hbm>> -> memref<632x32xf32, #tpu.memory_space<hbm>>
      %dma_start3A_32 = arith.constant 0 : i32
      %dma_start3A_33 = tpu.memref_slice %arg15[%mul3A_2, %dma_start3A_32] : memref<10112x32xf32, #tpu.memory_space<vmem_shared>> -> memref<632x32xf32, #tpu.memory_space<vmem_shared>>
      tpu.enqueue_dma source(%dma_start3A_33 : memref<632x32xf32, #tpu.memory_space<vmem_shared>>) target(%dma_start3A_31 : memref<632x32xf32, #tpu.memory_space<hbm>>) target_semaphore(%run_scoped3A : memref<!tpu.dma_semaphore, #tpu.memory_space<semaphore_mem>>)
      %dma_wait3A = arith.constant 0 : i32
      %dma_wait3A_34 = tpu.memref_slice %arg7[%arg0, %mul3A_2, %dma_wait3A] : memref<2x10112x32xf32, #tpu.memory_space<hbm>> -> memref<1x632x32xf32, #tpu.memory_space<hbm>>
      %dma_wait3A_35 = tpu.memref_squeeze %dma_wait3A_34 : memref<1x632x32xf32, #tpu.memory_space<hbm>> -> memref<632x32xf32, #tpu.memory_space<hbm>>
      %dma_wait3A_36 = arith.constant 0 : i32
      %dma_wait3A_37 = tpu.memref_slice %arg15[%mul3A_2, %dma_wait3A_36] : memref<10112x32xf32, #tpu.memory_space<vmem_shared>> -> memref<632x32xf32, #tpu.memory_space<vmem_shared>>
      tpu.wait_dma2 semaphore(%run_scoped3A : memref<!tpu.dma_semaphore, #tpu.memory_space<semaphore_mem>>) src(%dma_wait3A_37 : memref<632x32xf32, #tpu.memory_space<vmem_shared>>) dst(%dma_wait3A_35 : memref<632x32xf32, #tpu.memory_space<hbm>>)
      tpu.yield
    }) : () -> ()
    "tpu.region"() ({
      %run_scoped3A = tpu.sem_alloc : memref<!tpu.dma_semaphore, #tpu.memory_space<semaphore_mem>>
      %dma_start3A_29 = arith.constant 0 : i32
      %dma_start3A_30 = tpu.memref_slice %arg8[%arg0, %mul3A_2, %dma_start3A_29] : memref<2x10112x32xf32, #tpu.memory_space<hbm>> -> memref<1x632x32xf32, #tpu.memory_space<hbm>>
      %dma_start3A_31 = tpu.memref_squeeze %dma_start3A_30 : memref<1x632x32xf32, #tpu.memory_space<hbm>> -> memref<632x32xf32, #tpu.memory_space<hbm>>
      %dma_start3A_32 = arith.constant 0 : i32
      %dma_start3A_33 = tpu.memref_slice %arg16[%mul3A_2, %dma_start3A_32] : memref<10112x32xf32, #tpu.memory_space<vmem_shared>> -> memref<632x32xf32, #tpu.memory_space<vmem_shared>>
      tpu.enqueue_dma source(%dma_start3A_33 : memref<632x32xf32, #tpu.memory_space<vmem_shared>>) target(%dma_start3A_31 : memref<632x32xf32, #tpu.memory_space<hbm>>) target_semaphore(%run_scoped3A : memref<!tpu.dma_semaphore, #tpu.memory_space<semaphore_mem>>)
      %dma_wait3A = arith.constant 0 : i32
      %dma_wait3A_34 = tpu.memref_slice %arg8[%arg0, %mul3A_2, %dma_wait3A] : memref<2x10112x32xf32, #tpu.memory_space<hbm>> -> memref<1x632x32xf32, #tpu.memory_space<hbm>>
      %dma_wait3A_35 = tpu.memref_squeeze %dma_wait3A_34 : memref<1x632x32xf32, #tpu.memory_space<hbm>> -> memref<632x32xf32, #tpu.memory_space<hbm>>
      %dma_wait3A_36 = arith.constant 0 : i32
      %dma_wait3A_37 = tpu.memref_slice %arg16[%mul3A_2, %dma_wait3A_36] : memref<10112x32xf32, #tpu.memory_space<vmem_shared>> -> memref<632x32xf32, #tpu.memory_space<vmem_shared>>
      tpu.wait_dma2 semaphore(%run_scoped3A : memref<!tpu.dma_semaphore, #tpu.memory_space<semaphore_mem>>) src(%dma_wait3A_37 : memref<632x32xf32, #tpu.memory_space<vmem_shared>>) dst(%dma_wait3A_35 : memref<632x32xf32, #tpu.memory_space<hbm>>)
      tpu.yield
    }) : () -> ()
    return
  }
}

module attributes {stable_mosaic.version = 14 : i64} {
  func.func @_prep_body(%arg0: memref<10000x128xf32, #tpu.memory_space<vmem>>, %arg1: memref<128x64xf32, #tpu.memory_space<vmem>>, %arg2: memref<2x10112x16xf32, #tpu.memory_space<vmem>>, %arg3: memref<10000x1xf32, #tpu.memory_space<vmem>>, %arg4: memref<10000x32xf32, #tpu.memory_space<vmem>>, %arg5: memref<10000x32xf32, #tpu.memory_space<vmem>>) attributes {dimension_semantics = [], scalar_prefetch = 0 : i64, scratch_operands = 0 : i64, tpu.core_type = #tpu.core_type<tc>} {
    %get3A = arith.constant 0 : index
    %get3A_0 = arith.constant 0 : index
    %get3A_1 = arith.constant 0 : index
    %get3A_2 = vector.load %arg2[%get3A, %get3A_0, %get3A_1] : memref<2x10112x16xf32, #tpu.memory_space<vmem>>, vector<1x10000x1xf32>
    %get3A_3 = vector.shape_cast %get3A_2 : vector<1x10000x1xf32> to vector<10000x1xf32>
    %get3A_4 = arith.constant 1 : index
    %get3A_5 = arith.constant 0 : index
    %get3A_6 = arith.constant 0 : index
    %get3A_7 = vector.load %arg2[%get3A_4, %get3A_5, %get3A_6] : memref<2x10112x16xf32, #tpu.memory_space<vmem>>, vector<1x10000x1xf32>
    %get3A_8 = vector.shape_cast %get3A_7 : vector<1x10000x1xf32> to vector<10000x1xf32>
    %add3A = arith.addf %get3A_3, %get3A_8 : vector<10000x1xf32>
    %add3A_9 = arith.constant 1.000000e+00 : f32
    %add3A_10 = vector.broadcast %add3A_9 : f32 to vector<10000x1xf32>
    %add3A_11 = arith.addf %add3A, %add3A_10 : vector<10000x1xf32>
    %rsqrt3A = math.rsqrt %add3A_11 : vector<10000x1xf32>
    %swap3A = arith.constant 0 : index
    %swap3A_12 = arith.constant 0 : index
    %swap3A_13 = vector.load %arg3[%swap3A, %swap3A_12] : memref<10000x1xf32, #tpu.memory_space<vmem>>, vector<10000x1xf32>
    tpu.vector_store %arg3[%swap3A, %swap3A_12], %rsqrt3A {strides = array<i32>} : memref<10000x1xf32, #tpu.memory_space<vmem>>, vector<10000x1xf32>,
    %get3A_14 = arith.constant 0 : index
    %get3A_15 = arith.constant 0 : index
    %get3A_16 = vector.load %arg0[%get3A_14, %get3A_15] : memref<10000x128xf32, #tpu.memory_space<vmem>>, vector<10000x128xf32>
    %get3A_17 = arith.constant 0 : index
    %get3A_18 = arith.constant 0 : index
    %get3A_19 = vector.load %arg3[%get3A_17, %get3A_18] : memref<10000x1xf32, #tpu.memory_space<vmem>>, vector<10000x1xf32>
    %get3A_20 = arith.constant 0 : index
    %get3A_21 = arith.constant 0 : index
    %get3A_22 = vector.load %arg1[%get3A_20, %get3A_21] : memref<128x64xf32, #tpu.memory_space<vmem>>, vector<128x64xf32>
    %dot_general3A = arith.constant dense<0.000000e+00> : vector<10000x64xf32>
    %dot_general3A_23 = tpu.matmul %get3A_16, %get3A_22, %dot_general3A {dimension_numbers = #tpu.dot_dimension_numbers<[1], [0], [0], [1], [0, 0, 1, 1], [], []>, transpose_lhs_hint = false} : vector<10000x128xf32>, vector<128x64xf32>, vector<10000x64xf32> -> vector<10000x64xf32>
    %mul3A = vector.broadcast %get3A_19 : vector<10000x1xf32> to vector<10000x64xf32>
    %mul3A_24 = arith.mulf %mul3A, %dot_general3A_23 : vector<10000x64xf32>
    %slice3A = vector.extract_strided_slice %mul3A_24 {offsets = [0, 0], sizes = [10000, 32], strides = [1, 1]} : vector<10000x64xf32> to vector<10000x32xf32>
    %swap3A_25 = arith.constant 0 : index
    %swap3A_26 = arith.constant 0 : index
    %swap3A_27 = vector.load %arg4[%swap3A_25, %swap3A_26] : memref<10000x32xf32, #tpu.memory_space<vmem>>, vector<10000x32xf32>
    tpu.vector_store %arg4[%swap3A_25, %swap3A_26], %slice3A {strides = array<i32>} : memref<10000x32xf32, #tpu.memory_space<vmem>>, vector<10000x32xf32>,
    %slice3A_28 = vector.extract_strided_slice %mul3A_24 {offsets = [0, 32], sizes = [10000, 32], strides = [1, 1]} : vector<10000x64xf32> to vector<10000x32xf32>
    %swap3A_29 = arith.constant 0 : index
    %swap3A_30 = arith.constant 0 : index
    %swap3A_31 = vector.load %arg5[%swap3A_29, %swap3A_30] : memref<10000x32xf32, #tpu.memory_space<vmem>>, vector<10000x32xf32>
    tpu.vector_store %arg5[%swap3A_29, %swap3A_30], %slice3A_28 {strides = array<i32>} : memref<10000x32xf32, #tpu.memory_space<vmem>>, vector<10000x32xf32>,
    return
  }
}

module attributes {stable_mosaic.version = 14 : i64} {
  func.func @_post0_body(%arg0: memref<2x10112x32xf32, #tpu.memory_space<vmem>>, %arg1: memref<2x10112x32xf32, #tpu.memory_space<vmem>>, %arg2: memref<10000x32xf32, #tpu.memory_space<vmem>>, %arg3: memref<10000x32xf32, #tpu.memory_space<vmem>>, %arg4: memref<10000x1xf32, #tpu.memory_space<vmem>>, %arg5: memref<1x64xf32, #tpu.memory_space<vmem>>, %arg6: memref<1x64xf32, #tpu.memory_space<vmem>>, %arg7: memref<1x64xf32, #tpu.memory_space<vmem>>, %arg8: memref<64x64xf32, #tpu.memory_space<vmem>>, %arg9: memref<10000x64xf32, #tpu.memory_space<vmem>>, %arg10: memref<10000x32xf32, #tpu.memory_space<vmem>>, %arg11: memref<10000x32xf32, #tpu.memory_space<vmem>>) attributes {dimension_semantics = [], scalar_prefetch = 0 : i64, scratch_operands = 0 : i64, tpu.core_type = #tpu.core_type<tc>} {
    %get3A = arith.constant 0 : index
    %get3A_0 = arith.constant 0 : index
    %get3A_1 = arith.constant 0 : index
    %get3A_2 = vector.load %arg0[%get3A, %get3A_0, %get3A_1] : memref<2x10112x32xf32, #tpu.memory_space<vmem>>, vector<1x10000x32xf32>
    %get3A_3 = vector.shape_cast %get3A_2 : vector<1x10000x32xf32> to vector<10000x32xf32>
    %get3A_4 = arith.constant 1 : index
    %get3A_5 = arith.constant 0 : index
    %get3A_6 = arith.constant 0 : index
    %get3A_7 = vector.load %arg0[%get3A_4, %get3A_5, %get3A_6] : memref<2x10112x32xf32, #tpu.memory_space<vmem>>, vector<1x10000x32xf32>
    %get3A_8 = vector.shape_cast %get3A_7 : vector<1x10000x32xf32> to vector<10000x32xf32>
    %add3A = arith.addf %get3A_3, %get3A_8 : vector<10000x32xf32>
    %get3A_9 = arith.constant 0 : index
    %get3A_10 = arith.constant 0 : index
    %get3A_11 = arith.constant 0 : index
    %get3A_12 = vector.load %arg1[%get3A_9, %get3A_10, %get3A_11] : memref<2x10112x32xf32, #tpu.memory_space<vmem>>, vector<1x10000x32xf32>
    %get3A_13 = vector.shape_cast %get3A_12 : vector<1x10000x32xf32> to vector<10000x32xf32>
    %get3A_14 = arith.constant 1 : index
    %get3A_15 = arith.constant 0 : index
    %get3A_16 = arith.constant 0 : index
    %get3A_17 = vector.load %arg1[%get3A_14, %get3A_15, %get3A_16] : memref<2x10112x32xf32, #tpu.memory_space<vmem>>, vector<1x10000x32xf32>
    %get3A_18 = vector.shape_cast %get3A_17 : vector<1x10000x32xf32> to vector<10000x32xf32>
    %add3A_19 = arith.addf %get3A_13, %get3A_18 : vector<10000x32xf32>
    %concatenate3A = tpu.concatenate %add3A, %add3A_19 in 1 : vector<10000x32xf32>, vector<10000x32xf32> -> vector<10000x64xf32>
    %get3A_20 = arith.constant 0 : index
    %get3A_21 = arith.constant 0 : index
    %get3A_22 = vector.load %arg2[%get3A_20, %get3A_21] : memref<10000x32xf32, #tpu.memory_space<vmem>>, vector<10000x32xf32>
    %get3A_23 = arith.constant 0 : index
    %get3A_24 = arith.constant 0 : index
    %get3A_25 = vector.load %arg3[%get3A_23, %get3A_24] : memref<10000x32xf32, #tpu.memory_space<vmem>>, vector<10000x32xf32>
    %concatenate3A_26 = tpu.concatenate %get3A_22, %get3A_25 in 1 : vector<10000x32xf32>, vector<10000x32xf32> -> vector<10000x64xf32>
    %get3A_27 = arith.constant 0 : index
    %get3A_28 = arith.constant 0 : index
    %get3A_29 = vector.load %arg4[%get3A_27, %get3A_28] : memref<10000x1xf32, #tpu.memory_space<vmem>>, vector<10000x1xf32>
    %add3A_30 = arith.addf %concatenate3A, %concatenate3A_26 : vector<10000x64xf32>
    %mul3A = vector.broadcast %get3A_29 : vector<10000x1xf32> to vector<10000x64xf32>
    %mul3A_31 = arith.mulf %mul3A, %add3A_30 : vector<10000x64xf32>
    %get3A_32 = arith.constant 0 : index
    %get3A_33 = arith.constant 0 : index
    %get3A_34 = vector.load %arg5[%get3A_32, %get3A_33] : memref<1x64xf32, #tpu.memory_space<vmem>>, vector<1x64xf32>
    %add3A_35 = vector.broadcast %get3A_34 : vector<1x64xf32> to vector<10000x64xf32>
    %add3A_36 = arith.addf %mul3A_31, %add3A_35 : vector<10000x64xf32>
    %reduce_sum3A = arith.constant dense<0.000000e+00> : vector<64xf32>
    %reduce_sum3A_37 = vector.multi_reduction <add>, %add3A_36, %reduce_sum3A [0] : vector<10000x64xf32> to vector<64xf32>
    %broadcast_in_dim3A = vector.shape_cast %reduce_sum3A_37 : vector<64xf32> to vector<1x64xf32>
    %div3A = arith.constant 1.000000e+04 : f32
    %div3A_38 = vector.broadcast %div3A : f32 to vector<1x64xf32>
    %div3A_39 = arith.divf %broadcast_in_dim3A, %div3A_38 : vector<1x64xf32>
    %sub3A = vector.broadcast %div3A_39 : vector<1x64xf32> to vector<10000x64xf32>
    %sub3A_40 = arith.subf %add3A_36, %sub3A : vector<10000x64xf32>
    %mul3A_41 = arith.mulf %sub3A_40, %sub3A_40 : vector<10000x64xf32>
    %reduce_sum3A_42 = arith.constant dense<0.000000e+00> : vector<64xf32>
    %reduce_sum3A_43 = vector.multi_reduction <add>, %mul3A_41, %reduce_sum3A_42 [0] : vector<10000x64xf32> to vector<64xf32>
    %broadcast_in_dim3A_44 = vector.shape_cast %reduce_sum3A_43 : vector<64xf32> to vector<1x64xf32>
    %div3A_45 = arith.constant 1.000000e+04 : f32
    %div3A_46 = vector.broadcast %div3A_45 : f32 to vector<1x64xf32>
    %div3A_47 = arith.divf %broadcast_in_dim3A_44, %div3A_46 : vector<1x64xf32>
    %get3A_48 = arith.constant 0 : index
    %get3A_49 = arith.constant 0 : index
    %get3A_50 = vector.load %arg6[%get3A_48, %get3A_49] : memref<1x64xf32, #tpu.memory_space<vmem>>, vector<1x64xf32>
    %mul3A_51 = vector.broadcast %get3A_50 : vector<1x64xf32> to vector<10000x64xf32>
    %mul3A_52 = arith.mulf %mul3A_51, %sub3A_40 : vector<10000x64xf32>
    %add3A_53 = arith.constant 9.99999974E-6 : f32
    %add3A_54 = vector.broadcast %add3A_53 : f32 to vector<1x64xf32>
    %add3A_55 = arith.addf %div3A_47, %add3A_54 : vector<1x64xf32>
    %rsqrt3A = math.rsqrt %add3A_55 : vector<1x64xf32>
    %mul3A_56 = vector.broadcast %rsqrt3A : vector<1x64xf32> to vector<10000x64xf32>
    %mul3A_57 = arith.mulf %mul3A_52, %mul3A_56 : vector<10000x64xf32>
    %get3A_58 = arith.constant 0 : index
    %get3A_59 = arith.constant 0 : index
    %get3A_60 = vector.load %arg7[%get3A_58, %get3A_59] : memref<1x64xf32, #tpu.memory_space<vmem>>, vector<1x64xf32>
    %add3A_61 = vector.broadcast %get3A_60 : vector<1x64xf32> to vector<10000x64xf32>
    %add3A_62 = arith.addf %mul3A_57, %add3A_61 : vector<10000x64xf32>
    %max3A = arith.constant 0.000000e+00 : f32
    %max3A_63 = vector.broadcast %max3A : f32 to vector<10000x64xf32>
    %max3A_64 = arith.maximumf %add3A_62, %max3A_63 : vector<10000x64xf32>
    %swap3A = arith.constant 0 : index
    %swap3A_65 = arith.constant 0 : index
    %swap3A_66 = vector.load %arg9[%swap3A, %swap3A_65] : memref<10000x64xf32, #tpu.memory_space<vmem>>, vector<10000x64xf32>
    tpu.vector_store %arg9[%swap3A, %swap3A_65], %max3A_64 {strides = array<i32>} : memref<10000x64xf32, #tpu.memory_space<vmem>>, vector<10000x64xf32>,
    %get3A_67 = arith.constant 0 : index
    %get3A_68 = arith.constant 0 : index
    %get3A_69 = vector.load %arg4[%get3A_67, %get3A_68] : memref<10000x1xf32, #tpu.memory_space<vmem>>, vector<10000x1xf32>
    %get3A_70 = arith.constant 0 : index
    %get3A_71 = arith.constant 0 : index
    %get3A_72 = vector.load %arg8[%get3A_70, %get3A_71] : memref<64x64xf32, #tpu.memory_space<vmem>>, vector<64x64xf32>
    %dot_general3A = arith.constant dense<0.000000e+00> : vector<10000x64xf32>
    %dot_general3A_73 = tpu.matmul %max3A_64, %get3A_72, %dot_general3A {dimension_numbers = #tpu.dot_dimension_numbers<[1], [0], [0], [1], [0, 0, 1, 1], [], []>, transpose_lhs_hint = false} : vector<10000x64xf32>, vector<64x64xf32>, vector<10000x64xf32> -> vector<10000x64xf32>
    %mul3A_74 = vector.broadcast %get3A_69 : vector<10000x1xf32> to vector<10000x64xf32>
    %mul3A_75 = arith.mulf %mul3A_74, %dot_general3A_73 : vector<10000x64xf32>
    %slice3A = vector.extract_strided_slice %mul3A_75 {offsets = [0, 0], sizes = [10000, 32], strides = [1, 1]} : vector<10000x64xf32> to vector<10000x32xf32>
    %swap3A_76 = arith.constant 0 : index
    %swap3A_77 = arith.constant 0 : index
    %swap3A_78 = vector.load %arg10[%swap3A_76, %swap3A_77] : memref<10000x32xf32, #tpu.memory_space<vmem>>, vector<10000x32xf32>
    tpu.vector_store %arg10[%swap3A_76, %swap3A_77], %slice3A {strides = array<i32>} : memref<10000x32xf32, #tpu.memory_space<vmem>>, vector<10000x32xf32>,
    %slice3A_79 = vector.extract_strided_slice %mul3A_75 {offsets = [0, 32], sizes = [10000, 32], strides = [1, 1]} : vector<10000x64xf32> to vector<10000x32xf32>
    %swap3A_80 = arith.constant 0 : index
    %swap3A_81 = arith.constant 0 : index
    %swap3A_82 = vector.load %arg11[%swap3A_80, %swap3A_81] : memref<10000x32xf32, #tpu.memory_space<vmem>>, vector<10000x32xf32>
    tpu.vector_store %arg11[%swap3A_80, %swap3A_81], %slice3A_79 {strides = array<i32>} : memref<10000x32xf32, #tpu.memory_space<vmem>>, vector<10000x32xf32>,
    return
  }
}

module attributes {stable_mosaic.version = 14 : i64} {
  func.func @_mid_body(%arg0: memref<2x10112x32xf32, #tpu.memory_space<vmem>>, %arg1: memref<2x10112x32xf32, #tpu.memory_space<vmem>>, %arg2: memref<10000x32xf32, #tpu.memory_space<vmem>>, %arg3: memref<10000x32xf32, #tpu.memory_space<vmem>>, %arg4: memref<10000x1xf32, #tpu.memory_space<vmem>>, %arg5: memref<1x64xf32, #tpu.memory_space<vmem>>, %arg6: memref<1x64xf32, #tpu.memory_space<vmem>>, %arg7: memref<1x64xf32, #tpu.memory_space<vmem>>, %arg8: memref<10000x64xf32, #tpu.memory_space<vmem>>, %arg9: memref<64x64xf32, #tpu.memory_space<vmem>>, %arg10: memref<10000x64xf32, #tpu.memory_space<vmem>>, %arg11: memref<10000x32xf32, #tpu.memory_space<vmem>>, %arg12: memref<10000x32xf32, #tpu.memory_space<vmem>>) attributes {dimension_semantics = [], scalar_prefetch = 0 : i64, scratch_operands = 0 : i64, tpu.core_type = #tpu.core_type<tc>} {
    %get3A = arith.constant 0 : index
    %get3A_0 = arith.constant 0 : index
    %get3A_1 = vector.load %arg8[%get3A, %get3A_0] : memref<10000x64xf32, #tpu.memory_space<vmem>>, vector<10000x64xf32>
    %get3A_2 = arith.constant 0 : index
    %get3A_3 = arith.constant 0 : index
    %get3A_4 = arith.constant 0 : index
    %get3A_5 = vector.load %arg0[%get3A_2, %get3A_3, %get3A_4] : memref<2x10112x32xf32, #tpu.memory_space<vmem>>, vector<1x10000x32xf32>
    %get3A_6 = vector.shape_cast %get3A_5 : vector<1x10000x32xf32> to vector<10000x32xf32>
    %get3A_7 = arith.constant 1 : index
    %get3A_8 = arith.constant 0 : index
    %get3A_9 = arith.constant 0 : index
    %get3A_10 = vector.load %arg0[%get3A_7, %get3A_8, %get3A_9] : memref<2x10112x32xf32, #tpu.memory_space<vmem>>, vector<1x10000x32xf32>
    %get3A_11 = vector.shape_cast %get3A_10 : vector<1x10000x32xf32> to vector<10000x32xf32>
    %add3A = arith.addf %get3A_6, %get3A_11 : vector<10000x32xf32>
    %get3A_12 = arith.constant 0 : index
    %get3A_13 = arith.constant 0 : index
    %get3A_14 = arith.constant 0 : index
    %get3A_15 = vector.load %arg1[%get3A_12, %get3A_13, %get3A_14] : memref<2x10112x32xf32, #tpu.memory_space<vmem>>, vector<1x10000x32xf32>
    %get3A_16 = vector.shape_cast %get3A_15 : vector<1x10000x32xf32> to vector<10000x32xf32>
    %get3A_17 = arith.constant 1 : index
    %get3A_18 = arith.constant 0 : index
    %get3A_19 = arith.constant 0 : index
    %get3A_20 = vector.load %arg1[%get3A_17, %get3A_18, %get3A_19] : memref<2x10112x32xf32, #tpu.memory_space<vmem>>, vector<1x10000x32xf32>
    %get3A_21 = vector.shape_cast %get3A_20 : vector<1x10000x32xf32> to vector<10000x32xf32>
    %add3A_22 = arith.addf %get3A_16, %get3A_21 : vector<10000x32xf32>
    %concatenate3A = tpu.concatenate %add3A, %add3A_22 in 1 : vector<10000x32xf32>, vector<10000x32xf32> -> vector<10000x64xf32>
    %get3A_23 = arith.constant 0 : index
    %get3A_24 = arith.constant 0 : index
    %get3A_25 = vector.load %arg2[%get3A_23, %get3A_24] : memref<10000x32xf32, #tpu.memory_space<vmem>>, vector<10000x32xf32>
    %get3A_26 = arith.constant 0 : index
    %get3A_27 = arith.constant 0 : index
    %get3A_28 = vector.load %arg3[%get3A_26, %get3A_27] : memref<10000x32xf32, #tpu.memory_space<vmem>>, vector<10000x32xf32>
    %concatenate3A_29 = tpu.concatenate %get3A_25, %get3A_28 in 1 : vector<10000x32xf32>, vector<10000x32xf32> -> vector<10000x64xf32>
    %get3A_30 = arith.constant 0 : index
    %get3A_31 = arith.constant 0 : index
    %get3A_32 = vector.load %arg4[%get3A_30, %get3A_31] : memref<10000x1xf32, #tpu.memory_space<vmem>>, vector<10000x1xf32>
    %add3A_33 = arith.addf %concatenate3A, %concatenate3A_29 : vector<10000x64xf32>
    %mul3A = vector.broadcast %get3A_32 : vector<10000x1xf32> to vector<10000x64xf32>
    %mul3A_34 = arith.mulf %mul3A, %add3A_33 : vector<10000x64xf32>
    %get3A_35 = arith.constant 0 : index
    %get3A_36 = arith.constant 0 : index
    %get3A_37 = vector.load %arg5[%get3A_35, %get3A_36] : memref<1x64xf32, #tpu.memory_space<vmem>>, vector<1x64xf32>
    %add3A_38 = vector.broadcast %get3A_37 : vector<1x64xf32> to vector<10000x64xf32>
    %add3A_39 = arith.addf %mul3A_34, %add3A_38 : vector<10000x64xf32>
    %reduce_sum3A = arith.constant dense<0.000000e+00> : vector<64xf32>
    %reduce_sum3A_40 = vector.multi_reduction <add>, %add3A_39, %reduce_sum3A [0] : vector<10000x64xf32> to vector<64xf32>
    %broadcast_in_dim3A = vector.shape_cast %reduce_sum3A_40 : vector<64xf32> to vector<1x64xf32>
    %div3A = arith.constant 1.000000e+04 : f32
    %div3A_41 = vector.broadcast %div3A : f32 to vector<1x64xf32>
    %div3A_42 = arith.divf %broadcast_in_dim3A, %div3A_41 : vector<1x64xf32>
    %sub3A = vector.broadcast %div3A_42 : vector<1x64xf32> to vector<10000x64xf32>
    %sub3A_43 = arith.subf %add3A_39, %sub3A : vector<10000x64xf32>
    %mul3A_44 = arith.mulf %sub3A_43, %sub3A_43 : vector<10000x64xf32>
    %reduce_sum3A_45 = arith.constant dense<0.000000e+00> : vector<64xf32>
    %reduce_sum3A_46 = vector.multi_reduction <add>, %mul3A_44, %reduce_sum3A_45 [0] : vector<10000x64xf32> to vector<64xf32>
    %broadcast_in_dim3A_47 = vector.shape_cast %reduce_sum3A_46 : vector<64xf32> to vector<1x64xf32>
    %div3A_48 = arith.constant 1.000000e+04 : f32
    %div3A_49 = vector.broadcast %div3A_48 : f32 to vector<1x64xf32>
    %div3A_50 = arith.divf %broadcast_in_dim3A_47, %div3A_49 : vector<1x64xf32>
    %get3A_51 = arith.constant 0 : index
    %get3A_52 = arith.constant 0 : index
    %get3A_53 = vector.load %arg6[%get3A_51, %get3A_52] : memref<1x64xf32, #tpu.memory_space<vmem>>, vector<1x64xf32>
    %mul3A_54 = vector.broadcast %get3A_53 : vector<1x64xf32> to vector<10000x64xf32>
    %mul3A_55 = arith.mulf %mul3A_54, %sub3A_43 : vector<10000x64xf32>
    %add3A_56 = arith.constant 9.99999974E-6 : f32
    %add3A_57 = vector.broadcast %add3A_56 : f32 to vector<1x64xf32>
    %add3A_58 = arith.addf %div3A_50, %add3A_57 : vector<1x64xf32>
    %rsqrt3A = math.rsqrt %add3A_58 : vector<1x64xf32>
    %mul3A_59 = vector.broadcast %rsqrt3A : vector<1x64xf32> to vector<10000x64xf32>
    %mul3A_60 = arith.mulf %mul3A_55, %mul3A_59 : vector<10000x64xf32>
    %get3A_61 = arith.constant 0 : index
    %get3A_62 = arith.constant 0 : index
    %get3A_63 = vector.load %arg7[%get3A_61, %get3A_62] : memref<1x64xf32, #tpu.memory_space<vmem>>, vector<1x64xf32>
    %add3A_64 = vector.broadcast %get3A_63 : vector<1x64xf32> to vector<10000x64xf32>
    %add3A_65 = arith.addf %mul3A_60, %add3A_64 : vector<10000x64xf32>
    %max3A = arith.constant 0.000000e+00 : f32
    %max3A_66 = vector.broadcast %max3A : f32 to vector<10000x64xf32>
    %max3A_67 = arith.maximumf %add3A_65, %max3A_66 : vector<10000x64xf32>
    %add3A_68 = arith.addf %get3A_1, %max3A_67 : vector<10000x64xf32>
    %swap3A = arith.constant 0 : index
    %swap3A_69 = arith.constant 0 : index
    %swap3A_70 = vector.load %arg10[%swap3A, %swap3A_69] : memref<10000x64xf32, #tpu.memory_space<vmem>>, vector<10000x64xf32>
    tpu.vector_store %arg10[%swap3A, %swap3A_69], %add3A_68 {strides = array<i32>} : memref<10000x64xf32, #tpu.memory_space<vmem>>, vector<10000x64xf32>,
    %get3A_71 = arith.constant 0 : index
    %get3A_72 = arith.constant 0 : index
    %get3A_73 = vector.load %arg4[%get3A_71, %get3A_72] : memref<10000x1xf32, #tpu.memory_space<vmem>>, vector<10000x1xf32>
    %get3A_74 = arith.constant 0 : index
    %get3A_75 = arith.constant 0 : index
    %get3A_76 = vector.load %arg9[%get3A_74, %get3A_75] : memref<64x64xf32, #tpu.memory_space<vmem>>, vector<64x64xf32>
    %dot_general3A = arith.constant dense<0.000000e+00> : vector<10000x64xf32>
    %dot_general3A_77 = tpu.matmul %add3A_68, %get3A_76, %dot_general3A {dimension_numbers = #tpu.dot_dimension_numbers<[1], [0], [0], [1], [0, 0, 1, 1], [], []>, transpose_lhs_hint = false} : vector<10000x64xf32>, vector<64x64xf32>, vector<10000x64xf32> -> vector<10000x64xf32>
    %mul3A_78 = vector.broadcast %get3A_73 : vector<10000x1xf32> to vector<10000x64xf32>
    %mul3A_79 = arith.mulf %mul3A_78, %dot_general3A_77 : vector<10000x64xf32>
    %slice3A = vector.extract_strided_slice %mul3A_79 {offsets = [0, 0], sizes = [10000, 32], strides = [1, 1]} : vector<10000x64xf32> to vector<10000x32xf32>
    %swap3A_80 = arith.constant 0 : index
    %swap3A_81 = arith.constant 0 : index
    %swap3A_82 = vector.load %arg11[%swap3A_80, %swap3A_81] : memref<10000x32xf32, #tpu.memory_space<vmem>>, vector<10000x32xf32>
    tpu.vector_store %arg11[%swap3A_80, %swap3A_81], %slice3A {strides = array<i32>} : memref<10000x32xf32, #tpu.memory_space<vmem>>, vector<10000x32xf32>,
    %slice3A_83 = vector.extract_strided_slice %mul3A_79 {offsets = [0, 32], sizes = [10000, 32], strides = [1, 1]} : vector<10000x64xf32> to vector<10000x32xf32>
    %swap3A_84 = arith.constant 0 : index
    %swap3A_85 = arith.constant 0 : index
    %swap3A_86 = vector.load %arg12[%swap3A_84, %swap3A_85] : memref<10000x32xf32, #tpu.memory_space<vmem>>, vector<10000x32xf32>
    tpu.vector_store %arg12[%swap3A_84, %swap3A_85], %slice3A_83 {strides = array<i32>} : memref<10000x32xf32, #tpu.memory_space<vmem>>, vector<10000x32xf32>,
    return
  }
}

module attributes {stable_mosaic.version = 14 : i64} {
  func.func @_fin_body(%arg0: memref<2x10112x32xf32, #tpu.memory_space<vmem>>, %arg1: memref<2x10112x32xf32, #tpu.memory_space<vmem>>, %arg2: memref<10000x32xf32, #tpu.memory_space<vmem>>, %arg3: memref<10000x32xf32, #tpu.memory_space<vmem>>, %arg4: memref<10000x1xf32, #tpu.memory_space<vmem>>, %arg5: memref<1x64xf32, #tpu.memory_space<vmem>>, %arg6: memref<1x64xf32, #tpu.memory_space<vmem>>, %arg7: memref<1x64xf32, #tpu.memory_space<vmem>>, %arg8: memref<10000x64xf32, #tpu.memory_space<vmem>>, %arg9: memref<10000x1xi32, #tpu.memory_space<vmem>>, %arg10: memref<64x32xf32, #tpu.memory_space<vmem>>, %arg11: memref<1x32xf32, #tpu.memory_space<vmem>>, %arg12: memref<32x1xf32, #tpu.memory_space<vmem>>, %arg13: memref<1x1xf32, #tpu.memory_space<vmem>>, %arg14: memref<64x1xf32, #tpu.memory_space<vmem>>) attributes {dimension_semantics = [], scalar_prefetch = 0 : i64, scratch_operands = 0 : i64, tpu.core_type = #tpu.core_type<tc>} {
    %get3A = arith.constant 0 : index
    %get3A_0 = arith.constant 0 : index
    %get3A_1 = vector.load %arg8[%get3A, %get3A_0] : memref<10000x64xf32, #tpu.memory_space<vmem>>, vector<10000x64xf32>
    %get3A_2 = arith.constant 0 : index
    %get3A_3 = arith.constant 0 : index
    %get3A_4 = arith.constant 0 : index
    %get3A_5 = vector.load %arg0[%get3A_2, %get3A_3, %get3A_4] : memref<2x10112x32xf32, #tpu.memory_space<vmem>>, vector<1x10000x32xf32>
    %get3A_6 = vector.shape_cast %get3A_5 : vector<1x10000x32xf32> to vector<10000x32xf32>
    %get3A_7 = arith.constant 1 : index
    %get3A_8 = arith.constant 0 : index
    %get3A_9 = arith.constant 0 : index
    %get3A_10 = vector.load %arg0[%get3A_7, %get3A_8, %get3A_9] : memref<2x10112x32xf32, #tpu.memory_space<vmem>>, vector<1x10000x32xf32>
    %get3A_11 = vector.shape_cast %get3A_10 : vector<1x10000x32xf32> to vector<10000x32xf32>
    %add3A = arith.addf %get3A_6, %get3A_11 : vector<10000x32xf32>
    %get3A_12 = arith.constant 0 : index
    %get3A_13 = arith.constant 0 : index
    %get3A_14 = arith.constant 0 : index
    %get3A_15 = vector.load %arg1[%get3A_12, %get3A_13, %get3A_14] : memref<2x10112x32xf32, #tpu.memory_space<vmem>>, vector<1x10000x32xf32>
    %get3A_16 = vector.shape_cast %get3A_15 : vector<1x10000x32xf32> to vector<10000x32xf32>
    %get3A_17 = arith.constant 1 : index
    %get3A_18 = arith.constant 0 : index
    %get3A_19 = arith.constant 0 : index
    %get3A_20 = vector.load %arg1[%get3A_17, %get3A_18, %get3A_19] : memref<2x10112x32xf32, #tpu.memory_space<vmem>>, vector<1x10000x32xf32>
    %get3A_21 = vector.shape_cast %get3A_20 : vector<1x10000x32xf32> to vector<10000x32xf32>
    %add3A_22 = arith.addf %get3A_16, %get3A_21 : vector<10000x32xf32>
    %concatenate3A = tpu.concatenate %add3A, %add3A_22 in 1 : vector<10000x32xf32>, vector<10000x32xf32> -> vector<10000x64xf32>
    %get3A_23 = arith.constant 0 : index
    %get3A_24 = arith.constant 0 : index
    %get3A_25 = vector.load %arg2[%get3A_23, %get3A_24] : memref<10000x32xf32, #tpu.memory_space<vmem>>, vector<10000x32xf32>
    %get3A_26 = arith.constant 0 : index
    %get3A_27 = arith.constant 0 : index
    %get3A_28 = vector.load %arg3[%get3A_26, %get3A_27] : memref<10000x32xf32, #tpu.memory_space<vmem>>, vector<10000x32xf32>
    %concatenate3A_29 = tpu.concatenate %get3A_25, %get3A_28 in 1 : vector<10000x32xf32>, vector<10000x32xf32> -> vector<10000x64xf32>
    %get3A_30 = arith.constant 0 : index
    %get3A_31 = arith.constant 0 : index
    %get3A_32 = vector.load %arg4[%get3A_30, %get3A_31] : memref<10000x1xf32, #tpu.memory_space<vmem>>, vector<10000x1xf32>
    %add3A_33 = arith.addf %concatenate3A, %concatenate3A_29 : vector<10000x64xf32>
    %mul3A = vector.broadcast %get3A_32 : vector<10000x1xf32> to vector<10000x64xf32>
    %mul3A_34 = arith.mulf %mul3A, %add3A_33 : vector<10000x64xf32>
    %get3A_35 = arith.constant 0 : index
    %get3A_36 = arith.constant 0 : index
    %get3A_37 = vector.load %arg5[%get3A_35, %get3A_36] : memref<1x64xf32, #tpu.memory_space<vmem>>, vector<1x64xf32>
    %add3A_38 = vector.broadcast %get3A_37 : vector<1x64xf32> to vector<10000x64xf32>
    %add3A_39 = arith.addf %mul3A_34, %add3A_38 : vector<10000x64xf32>
    %reduce_sum3A = arith.constant dense<0.000000e+00> : vector<64xf32>
    %reduce_sum3A_40 = vector.multi_reduction <add>, %add3A_39, %reduce_sum3A [0] : vector<10000x64xf32> to vector<64xf32>
    %broadcast_in_dim3A = vector.shape_cast %reduce_sum3A_40 : vector<64xf32> to vector<1x64xf32>
    %div3A = arith.constant 1.000000e+04 : f32
    %div3A_41 = vector.broadcast %div3A : f32 to vector<1x64xf32>
    %div3A_42 = arith.divf %broadcast_in_dim3A, %div3A_41 : vector<1x64xf32>
    %sub3A = vector.broadcast %div3A_42 : vector<1x64xf32> to vector<10000x64xf32>
    %sub3A_43 = arith.subf %add3A_39, %sub3A : vector<10000x64xf32>
    %mul3A_44 = arith.mulf %sub3A_43, %sub3A_43 : vector<10000x64xf32>
    %reduce_sum3A_45 = arith.constant dense<0.000000e+00> : vector<64xf32>
    %reduce_sum3A_46 = vector.multi_reduction <add>, %mul3A_44, %reduce_sum3A_45 [0] : vector<10000x64xf32> to vector<64xf32>
    %broadcast_in_dim3A_47 = vector.shape_cast %reduce_sum3A_46 : vector<64xf32> to vector<1x64xf32>
    %div3A_48 = arith.constant 1.000000e+04 : f32
    %div3A_49 = vector.broadcast %div3A_48 : f32 to vector<1x64xf32>
    %div3A_50 = arith.divf %broadcast_in_dim3A_47, %div3A_49 : vector<1x64xf32>
    %get3A_51 = arith.constant 0 : index
    %get3A_52 = arith.constant 0 : index
    %get3A_53 = vector.load %arg6[%get3A_51, %get3A_52] : memref<1x64xf32, #tpu.memory_space<vmem>>, vector<1x64xf32>
    %mul3A_54 = vector.broadcast %get3A_53 : vector<1x64xf32> to vector<10000x64xf32>
    %mul3A_55 = arith.mulf %mul3A_54, %sub3A_43 : vector<10000x64xf32>
    %add3A_56 = arith.constant 9.99999974E-6 : f32
    %add3A_57 = vector.broadcast %add3A_56 : f32 to vector<1x64xf32>
    %add3A_58 = arith.addf %div3A_50, %add3A_57 : vector<1x64xf32>
    %rsqrt3A = math.rsqrt %add3A_58 : vector<1x64xf32>
    %mul3A_59 = vector.broadcast %rsqrt3A : vector<1x64xf32> to vector<10000x64xf32>
    %mul3A_60 = arith.mulf %mul3A_55, %mul3A_59 : vector<10000x64xf32>
    %get3A_61 = arith.constant 0 : index
    %get3A_62 = arith.constant 0 : index
    %get3A_63 = vector.load %arg7[%get3A_61, %get3A_62] : memref<1x64xf32, #tpu.memory_space<vmem>>, vector<1x64xf32>
    %add3A_64 = vector.broadcast %get3A_63 : vector<1x64xf32> to vector<10000x64xf32>
    %add3A_65 = arith.addf %mul3A_60, %add3A_64 : vector<10000x64xf32>
    %max3A = arith.constant 0.000000e+00 : f32
    %max3A_66 = vector.broadcast %max3A : f32 to vector<10000x64xf32>
    %max3A_67 = arith.maximumf %add3A_65, %max3A_66 : vector<10000x64xf32>
    %add3A_68 = arith.addf %get3A_1, %max3A_67 : vector<10000x64xf32>
    %get3A_69 = arith.constant 0 : index
    %get3A_70 = arith.constant 0 : index
    %get3A_71 = vector.load %arg9[%get3A_69, %get3A_70] : memref<10000x1xi32, #tpu.memory_space<vmem>>, vector<10000x1xi32>
    %iota3A = tpu.iota {dimensions = array<i32: 1>} : vector<10000x64xi32>
    %eq3A = vector.broadcast %get3A_71 : vector<10000x1xi32> to vector<10000x64xi32>
    %eq3A_72 = arith.cmpi eq, %eq3A, %iota3A : vector<10000x64xi32>
    %convert_element_type3A = arith.extui %eq3A_72 : vector<10000x64xi1> to vector<10000x64xi32>
    %convert_element_type3A_73 = arith.sitofp %convert_element_type3A : vector<10000x64xi32> to vector<10000x64xf32>
    %dot_general3A = arith.constant dense<0.000000e+00> : vector<64x64xf32>
    %dot_general3A_74 = tpu.matmul %convert_element_type3A_73, %add3A_68, %dot_general3A {dimension_numbers = #tpu.dot_dimension_numbers<[0], [0], [1], [1], [0, 1, 1, 1], [], []>, precision = #tpu.contract_precision<fp32>, transpose_lhs_hint = false} : vector<10000x64xf32>, vector<10000x64xf32>, vector<64x64xf32> -> vector<64x64xf32>
    %broadcast_in_dim3A_75 = arith.constant 1.000000e+00 : f32
    %broadcast_in_dim3A_76 = vector.broadcast %broadcast_in_dim3A_75 : f32 to vector<10000x1xf32>
    %dot_general3A_77 = arith.constant dense<0.000000e+00> : vector<64x1xf32>
    %dot_general3A_78 = tpu.matmul %convert_element_type3A_73, %broadcast_in_dim3A_76, %dot_general3A_77 {dimension_numbers = #tpu.dot_dimension_numbers<[0], [0], [1], [1], [0, 1, 1, 1], [], []>, precision = #tpu.contract_precision<fp32>, transpose_lhs_hint = false} : vector<10000x64xf32>, vector<10000x1xf32>, vector<64x1xf32> -> vector<64x1xf32>
    %max3A_79 = arith.constant 1.000000e+00 : f32
    %max3A_80 = vector.broadcast %max3A_79 : f32 to vector<64x1xf32>
    %max3A_81 = arith.maximumf %dot_general3A_78, %max3A_80 : vector<64x1xf32>
    %div3A_82 = vector.broadcast %max3A_81 : vector<64x1xf32> to vector<64x64xf32>
    %div3A_83 = arith.divf %dot_general3A_74, %div3A_82 : vector<64x64xf32>
    %get3A_84 = arith.constant 0 : index
    %get3A_85 = arith.constant 0 : index
    %get3A_86 = vector.load %arg10[%get3A_84, %get3A_85] : memref<64x32xf32, #tpu.memory_space<vmem>>, vector<64x32xf32>
    %dot_general3A_87 = arith.constant dense<0.000000e+00> : vector<64x32xf32>
    %dot_general3A_88 = tpu.matmul %div3A_83, %get3A_86, %dot_general3A_87 {dimension_numbers = #tpu.dot_dimension_numbers<[1], [0], [0], [1], [0, 0, 1, 1], [], []>, transpose_lhs_hint = false} : vector<64x64xf32>, vector<64x32xf32>, vector<64x32xf32> -> vector<64x32xf32>
    %get3A_89 = arith.constant 0 : index
    %get3A_90 = arith.constant 0 : index
    %get3A_91 = vector.load %arg11[%get3A_89, %get3A_90] : memref<1x32xf32, #tpu.memory_space<vmem>>, vector<1x32xf32>
    %add3A_92 = vector.broadcast %get3A_91 : vector<1x32xf32> to vector<64x32xf32>
    %add3A_93 = arith.addf %dot_general3A_88, %add3A_92 : vector<64x32xf32>
    %max3A_94 = arith.constant 0.000000e+00 : f32
    %max3A_95 = vector.broadcast %max3A_94 : f32 to vector<64x32xf32>
    %max3A_96 = arith.maximumf %add3A_93, %max3A_95 : vector<64x32xf32>
    %get3A_97 = arith.constant 0 : index
    %get3A_98 = arith.constant 0 : index
    %get3A_99 = vector.load %arg12[%get3A_97, %get3A_98] : memref<32x1xf32, #tpu.memory_space<vmem>>, vector<32x1xf32>
    %dot_general3A_100 = arith.constant dense<0.000000e+00> : vector<64x1xf32>
    %dot_general3A_101 = tpu.matmul %max3A_96, %get3A_99, %dot_general3A_100 {dimension_numbers = #tpu.dot_dimension_numbers<[1], [0], [0], [1], [0, 0, 1, 1], [], []>, transpose_lhs_hint = false} : vector<64x32xf32>, vector<32x1xf32>, vector<64x1xf32> -> vector<64x1xf32>
    %get3A_102 = arith.constant 0 : index
    %get3A_103 = arith.constant 0 : index
    %get3A_104 = vector.load %arg13[%get3A_102, %get3A_103] : memref<1x1xf32, #tpu.memory_space<vmem>>, vector<1x1xf32>
    %add3A_105 = vector.broadcast %get3A_104 : vector<1x1xf32> to vector<64x1xf32>
    %add3A_106 = arith.addf %dot_general3A_101, %add3A_105 : vector<64x1xf32>
    %swap3A = arith.constant 0 : index
    %swap3A_107 = arith.constant 0 : index
    %swap3A_108 = vector.load %arg14[%swap3A, %swap3A_107] : memref<64x1xf32, #tpu.memory_space<vmem>>, vector<64x1xf32>
    tpu.vector_store %arg14[%swap3A, %swap3A_107], %add3A_106 {strides = array<i32>} : memref<64x1xf32, #tpu.memory_space<vmem>>, vector<64x1xf32>,
    return
  }
}

</mosaic_0001>

<sc_bundles>
// kernel: kernel.12.cloned.1.call-start
scs
__scs_entry_jumppad:
0x0: {  	(pc) =	sbr.rel $0x88, $3  }
0x1: {  	(tag) =	ssettag $0x0;
	lr =	simm.s32 $0x1  }
0x2: {  	[smem:$0x3F8A] =	sst lr;
	_ =	strace $0xD0000000  }
0x3: {  	_ = 	snop  }
0x4: {  	_ = 	snop  }
0x5: {  	_ = 	snop  }
0x6: {  	_ = 	snop  }
0x7: {  	_ = 	snop  }
__scs_overlays_trampoline_lowered:
0x8: {  	[smem:$0x3F99] =	sst s0  }
0x9: {  	[smem:$0x3F9A] =	sst s1  }
0xa: {  	[smem:$0x3F9B] =	sst s2  }
0xb: {  	[smem:$0x3F9C] =	sst s3  }
0xc: {  	[smem:$0x3F9D] =	sst s4  }
0xd: {  	[smem:$0x3F9E] =	sst s5  }
0xe: {  	[smem:$0x3F9F] =	sst s6  }
0xf: {  	[smem:$0x3FA0] =	sst s7  }
0x10: {  	[smem:$0x3FA1] =	sst s8  }
0x11: {  	[smem:$0x3FA2] =	sst s9;
	s0 =	simm.s32 @!p0 $0x0  }
0x12: {  	s1 =	sld [smem:$0x3F88];
	s0 =	simm.s32 @p0 $0x1  }
0x13: {  	[smem:$0x3FA3] =	sst s0;
	s0 =	simm.s32 @!p1 $0x0  }
0x14: {  	s2 =	sld [smem:$0x3F87];
	s0 =	simm.s32 @p1 $0x1  }
0x15: {  	[smem:$0x3FA4] =	sst s0;
	s0 =	simm.s32 @!p2 $0x0  }
0x16: {  	s3 =	sld [smem:$0x3FDB];
	s0 =	simm.s32 @p2 $0x1  }
0x17: {  	s4 =	simm.s32 $0x1BF5;
	[smem:$0x3FA6] =	sst s0  }
0x18: {  	s0 =	sld [smem:$0x3F89];
	_ =	swait.ge [sflag:s4], $0x0  }
0x19: {  	s7 =	sld [smem:$0x3F8A]  }
0x1a: {  	s8 =	sadd.s32 $0xFFFFE003, lr  }
0x1b: {  	s9 =	sadd.s32 $0xFFFFFEF7, lr;
	s5 =	simm.s32 $0xFFFFFFFF;
	p2 =	slt.u32 s8, $0xFFFFF086  }
0x1c: {  	p1 =	slt.u32 s9, $0xF7A;
	s5 =	simm.s32 @!p2 $0x0  }
0x1d: {  	s5 =	simm.s32 @p1 $0x1;
	p0 =	seq.s32 s7, s2  }
0x1e: {  	s7 =	smul.u32 @!p0 $0xF7A, s2;
	p2 =	seq.s32 @!p0 s5, $0x0  }
0x1f: {  	s9 =	smul.u32 $0xF7A, s1;
	s8 =	simm.s32 @!p0 $0x1BF5;
	p2 =	por !p2, p0  }
0x20: {  	[sflag:s8] =	ssyncset.s32 @!p0 $0xFFFFF086;
	s6 =	sadd.s32 @!p0 s3, s7;
	s7 =	simm.s32 @!p0 $0x108  }
0x21: {  	s3 =	sadd.s32 s3, s9;
	s6 =	sadd.s32 @!p0 $0x88, s6;
	s7 =	simm.s32 @p2 $0x1082  }
0x22: {  	[simem:s7], [sflag:s8] =	dma.local @!p0 [hbm:s6], $0xF7A  }
0x23: {  	s9 =	sor.u32 $0xD0000000, s2;
	s6 =	simm.s32 $0x108;
	_ =	swait.ge @!p0 [sflag:s8], $0x0  }
0x24: {  	s3 =	sadd.s32 $0x88, s3;
	s6 =	simm.s32 @!p1 $0x1082;
	[sflag:s4] =	ssyncset.s32 $0xFFFFF086  }
0x25: {  	[simem:s6], [sflag:s4] =	dma.local [hbm:s3], $0xF7A  }
0x26: {  	[smem:$0x3F8A] =	sst s1;
	(tag) =	ssettag s2;
	_ =	strace s9  }
0x27: {  	s1 =	sld [smem:$0x3F9A]  }
0x28: {  	s2 =	sld [smem:$0x3F9B]  }
0x29: {  	s4 =	sld [smem:$0x3F9D]  }
0x2a: {  	p0 =	seq.s32 s5, $0x0;
	s5 =	sld [smem:$0x3F9E]  }
0x2b: {  	s6 =	sld [smem:$0x3F9F]  }
0x2c: {  	s7 =	sld [smem:$0x3FA0]  }
0x2d: {  	s3 =	simm.s32 $0x108;
	s8 =	sld [smem:$0x3FA1]  }
0x2e: {  	s3 =	simm.s32 @!p0 $0x1082;
	s9 =	sld [smem:$0x3FA2]  }
0x2f: {  	lr =	sadd.s32 s0, s3;
	s0 =	sld [smem:$0x3F99]  }
0x30: {  	s3 =	sld [smem:$0x3F9C]  }
0x31: {  	[smem:$0x3FA5] =	sst s10  }
0x32: {  	s10 =	sld [smem:$0x3FA3];
	_ =	sdelay $0x3  }
0x33: {  	p0 =	seq.s32 s10, $0x1;
	s10 =	sld [smem:$0x3FA5];
	_ =	sdelay $0x3  }
0x34: {  	[smem:$0x3FA5] =	sst s10  }
0x35: {  	s10 =	sld [smem:$0x3FA4];
	_ =	sdelay $0x3  }
0x36: {  	p1 =	seq.s32 s10, $0x1;
	s10 =	sld [smem:$0x3FA5];
	_ =	sdelay $0x3  }
0x37: {  	[smem:$0x3FA5] =	sst s10  }
0x38: {  	s10 =	sld [smem:$0x3FA6]  }
0x39: {  	_ = 	snop;
	(pc) =	sbr.ind lr, $3  }
0x3a: {  	_ = 	snop  }
0x3b: {  	_ = 	snop  }
0x3c: {  	p2 =	seq.s32 s10, $0x1;
	s10 =	sld [smem:$0x3FA5]  }
0x3d: {  	_ =	shalt  }
0x3e: {  	_ =	shalt  }
0x3f: {  	_ =	shalt  }
0x40: {  	_ =	shalt  }
0x41: {  	_ =	shalt  }
0x42: {  	_ =	shalt  }
0x43: {  	_ =	shalt  }
0x44: {  	_ =	shalt  }
0x45: {  	_ =	shalt  }
0x46: {  	_ =	shalt  }
0x47: {  	_ =	shalt  }
0x48: {  	_ =	shalt  }
0x49: {  	_ =	shalt  }
0x4a: {  	_ =	shalt  }
0x4b: {  	_ =	shalt  }
0x4c: {  	_ =	shalt  }
0x4d: {  	_ =	shalt  }
0x4e: {  	_ =	shalt  }
0x4f: {  	_ =	shalt  }
0x50: {  	_ =	shalt  }
0x51: {  	_ =	shalt  }
0x52: {  	_ =	shalt  }
0x53: {  	_ =	shalt  }
0x54: {  	_ =	shalt  }
0x55: {  	_ =	shalt  }
0x56: {  	_ =	shalt  }
0x57: {  	_ =	shalt  }
0x58: {  	_ =	shalt  }
0x59: {  	_ =	shalt  }
0x5a: {  	_ =	shalt  }
0x5b: {  	_ =	shalt  }
0x5c: {  	_ =	shalt  }
0x5d: {  	_ =	shalt  }
0x5e: {  	_ =	shalt  }
0x5f: {  	_ =	shalt  }
0x60: {  	_ =	shalt  }
0x61: {  	_ =	shalt  }
0x62: {  	_ =	shalt  }
0x63: {  	_ =	shalt  }
0x64: {  	_ =	shalt  }
0x65: {  	_ =	shalt  }
0x66: {  	_ =	shalt  }
0x67: {  	_ =	shalt  }
0x68: {  	_ =	shalt  }
0x69: {  	_ =	shalt  }
0x6a: {  	_ =	shalt  }
0x6b: {  	_ =	shalt  }
0x6c: {  	_ =	shalt  }
0x6d: {  	_ =	shalt  }
0x6e: {  	_ =	shalt  }
0x6f: {  	_ =	shalt  }
0x70: {  	_ =	shalt  }
0x71: {  	_ =	shalt  }
0x72: {  	_ =	shalt  }
0x73: {  	_ =	shalt  }
0x74: {  	_ =	shalt  }
0x75: {  	_ =	shalt  }
0x76: {  	_ =	shalt  }
0x77: {  	_ =	shalt  }
0x78: {  	_ =	shalt  }
0x79: {  	_ =	shalt  }
0x7a: {  	_ =	shalt  }
0x7b: {  	_ =	shalt  }
0x7c: {  	_ =	shalt  }
0x7d: {  	_ =	shalt  }
0x7e: {  	_ =	shalt  }
0x7f: {  	_ =	shalt  }
0x80: {  	_ =	shalt  }
0x81: {  	_ =	shalt  }
0x82: {  	_ =	shalt  }
0x83: {  	_ =	shalt  }
0x84: {  	_ =	shalt  }
0x85: {  	_ =	shalt  }
0x86: {  	_ =	shalt  }
0x87: {  	_ =	shalt  }
.Lfunc_end0:
.L_simem_size_0:
called_computation_lowered:
.L_overlay_start_0:
0x88: {  	s2 =	sld [smem:$0x3FD9]  }
0x89: {  	s3 =	sld [smem:$0x3FFE];
	_ =	sdelay $0x1  }
0x8a: {  	s1 =	srdreg.scid  }
0x8b: {  	s0 =	sand.u32 $0x1, s1  }
0x8c: {  	s16 =	sshll.u32 s0, $0xA;
	s2 =	sadd.s32 s3, s2  }
0x8d: {  	s2 =	sadd.s32 s2, s16  }
0x8e: {  	[smem:$0x3FB1] =	sst s2  }
0x8f: {  	_ = 	snop  }
0x90: {  	(tm) =	ssettm $0x1  }
0x91: {  	s17 =	sld [smem:$0x3FFB];
	_ =	sdelay $0x3  }
0x92: {  	_ =	strace s17  }
0x93: {  	s2 =	sld [smem:$0x3FFC];
	_ =	sdelay $0x3  }
0x94: {  	_ =	strace s2  }
0x95: {  	s2 =	sld [smem:$0x3FFD];
	_ =	sdelay $0x3  }
0x96: {  	_ =	strace s2  }
0x97: {  	_ =	strace $0x8FFFFFFF  }
0x98: {  	s18 =	sld [smem:$0x3FDB];
	_ =	sdelay $0x1  }
0x99: {  	s19 =	simm.s32 $_scs_section_size  }
0x9a: {  	s4 =	simm.s32 $_size__tile_overlayer_lowered;
	s5 =	simm.s32 $_tile_overlayer_lowered  }
0x9b: {  	s22 =	simm.s32 $0x1BFF;
	s21 =	sshll.u32 s5, $0x1;
	s2 =	sadd.s32 s19, s18  }
0x9c: {  	s6 =	simm.s32 $0x0;
	s20 =	sshll.u32 s4, $0x1;
	s4 =	sadd.s32 s21, s2  }
0x9d: {  	[timem:s6], [sflag:s22] =	dma.local [hbm:s4], s20  }
0x9e: {  	_ =	swait.ge [sflag:s22], s20  }
0x9f: {  	s3 =	ssub.s32 $0x0, s20;
	[sflag:s22] =	ssyncset.done $0x0  }
0xa0: {  	[sflag:s22] =	ssyncadd.s32 s3;
	_ =	sdelay $0x1  }
0xa1: {  	s23 =	simm.s32 $0x1B8B  }
0xa2: {  	_ =	swait.ge [sflag:s23], $0x1  }
0xa3: {  	[sflag:s23] =	ssyncset.done $0x0  }
0xa4: {  	s25 =	simm.s32 $0x1B8E;
	s24 =	sld [smem:$0x3FFE];
	[sflag:s23] =	ssyncadd.s32 $0xFFFFFFFF  }
0xa5: {  	s26 =	simm.s32 $execute0_lowered;
	[smem:$0x3FD2] =	sst s25  }
0xa6: {  	s4 =	sshll.u32 s26, $0x1;
	_ =	strace $0x80000046;
	[dreg:$0x1] =	wrdreg $0xFFFFFFFF  }
0xa7: {  	s28 =	simm.s32 $_size_execute0_lowered;
	s2 =	sadd.s32 s2, s4;
	[dreg:$0x0] =	wrdreg $0x0  }
0xa8: {  	s4 =	sshll.u32 s28, $0x1;
	[dreg:$0x2] =	wrdreg s2  }
0xa9: {  	[dreg:$0x3] =	wrdreg s4  }
0xaa: {  	[dreg:$0x4] =	wrdreg $0xC0  }
0xab: {  	_ =	task [dreg:s6], $0x5FFFF  }
0xac: {  	[dreg:$0x1] =	wrdreg $0xFFFFFFFF  }
0xad: {  	[dreg:$0x0] =	wrdreg $0x60  }
0xae: {  	[dreg:$0x2] =	wrdreg s24  }
0xaf: {  	[dreg:$0x3] =	wrdreg $0x30000  }
0xb0: {  	[dreg:$0x4] =	wrdreg $0x9  }
0xb1: {  	_ =	task.clear_ibuf [dreg:s6], $0x5FFFF;
	_ =	strace $0x90000046  }
0xb2: {  	s29 =	simm.s32 $0x9;
	_ =	strace $0x80000048  }
0xb3: {  	_ =	swait.ge [sflag:s29], $0x1  }
0xb4: {  	[sflag:s29] =	ssyncadd.s32 $0xFFFFFFFF  }
0xb5: {  	_ =	strace $0x90000048  }
0xb6: {  	_ =	sfence  }
0xb7: {  	s30 =	sld [smem:$0x0];
	_ =	sdelay $0x2  }
0xb8: {  	s31 =	sshll.u32 s1, $0xD;
	s1 =	sshrl.u32 s1, $0x2  }
0xb9: {  	s3 =	sand.u32 $0x4000, s31;
	s1 =	sadd.s32 s1, s30  }
0xba: {  	s0 =	sor.u32 s3, s0;
	s1 =	sshll.u32 s1, $0x11  }
0xbb: {  	s0 =	sor.u32 s1, s0  }
0xbc: {  	s0 =	sadd.s32 $0x8F2B, s0  }
0xbd: {  	[sflag:s0] =	ssyncadd.remote.s32 $0x1  }
0xbe: {  	_ =	sfence.sel $0xFFFF  }
0xbf: {  	[dreg:$0x0] =	wrdreg $0xFFFFFFFF;
	(pc) =	sbr.abs _section_cstart, $3  }
0xc0: {  	[dreg:$0x1] =	wrdreg $0xFFFFFFFF  }
0xc1: {  	_ =	task.clear_ibuf [dreg:s6], $0x2FFFF;
	_ =	strace $0x9FFFFFFF  }
0xc2: {  	(tm) =	ssettm $0x7FFFFFFF  }
0xc3: {  	_ =	shalt  }
tec
execute0_lowered:
.L_overlay_start_1:
0x0: {  	(tag) =	ssettag $0x1  }
0x1: {  	s6 =	rddreg [dreg:$0x0];
	s0 =	srdreg.scid  }
0x2: {  	s2 =	rddreg [dreg:$0x1];
	s1 =	stileid.u32  }
0x3: {  	s3 =	simm.s32 $0x0;
	s13 =	simm.s32 $0x80;
	s14 =	simm.s32 $0x0  }
0x4: {  	s5 =	sand.u32 $0x1, s0;
	s0 =	rddreg [dreg:$0x2];
	s7 =	smul.u32 $0x2780, s1  }
0x5: {  	[smem:$0x7FF] =	sst s3;
	s11 =	sshll.u32 s1, $0x6;
	s4 =	sshll.u32 s5, $0x4  }
0x6: {  	s8 =	smul.u32 $0x27800, s5;
	_ =	strace $0x80000047;
	s10 =	ssub.s32 $0x2, s5  }
0x7: {  	s5 =	sadd.s32 $0xDC00, s6;
	s11 =	sor.u32 $0x1C01, s11;
	s4 =	sor.u32 s1, s4  }
0x8: {  	s31 =	sshrl.u32 s10, $0x1;
	s9 =	smul.u32 $0x500, s4;
	s8 =	sadd.s32 s7, s8  }
0x9: {  	s12 =	sadd.s32 s7, s2;
	s4 =	sadd.s32 $0xE200, s6;
	s8 =	sshrl.u32 s8, $0x3  }
0xa: {  	s10 =	ssub.s32 s10, s31;
	s9 =	sadd.s32 s9, s6;
	s8 =	sadd.s32 s8, s6  }
0xb: {  	s12 =	sshrl.u32 s12, $0x3;
	s6 =	sadd.s32 $0x3C00, s9;
	s7 =	sadd.s32 $0xE400, s8  }
0xc: {  	s8 =	smax.u32 s10, $0x1;
	s9 =	simm.s32 $0x1;
	s10 =	simm.s32 $0x2800  }
.LBB2_1:
0xd: {  	[tilespmem:s3], [sflag:$0x1] =	stream.linear.gather [hbm4b:s6+s3], $0x2800, $0x38;
	[tilespmem:$0x5780] =	vst v63  }
0xe: {  	_ =	swait.ge [sflag:s9], $0x2800  }
0xf: {  	[sflag:s9] =	ssyncset.done $0x0  }
0x10: {  	[sflag:s9] =	ssyncadd.s32 $0xFFFFD800  }
0x11: {  	[tilespmem:s10], [sflag:$0x1] =	stream.linear.gather [hbm4b:s4+s3], $0x800, $0x38;
	[tilespmem:$0x5780] =	vst v63  }
0x12: {  	_ =	swait.ge [sflag:s9], $0x800  }
0x13: {  	[sflag:s9] =	ssyncset.done $0x0  }
0x14: {  	[sflag:s9] =	ssyncadd.s32 $0xFFFFF800  }
0x15: {  	[spmem:s12], [sflag:s11] =	dma.local [hbm:s5], $0x4F0  }
0x16: {  	_ =	swait.ge [sflag:s9], $0x4F0  }
0x17: {  	[sflag:s9] =	ssyncset.done $0x0  }
0x18: {  	[sflag:s9] =	ssyncadd.s32 $0xFFFFFB10  }
0x19: {  	s15 =	simm.s32 $0x0;
	[bflag:$0x0] =	sbarrier.arrive $0xFFFF  }
0x1a: {  	[spmem:s2] =	stream.indirect.scatter.add.f32 [tilespmem:s10], [sflag:$0x1], $0x10, s15, s13, $0xb8;
	[tilespmem:$0x5780] =	vst v63  }
0x1b: {  	_ =	swait.ge [sflag:s9], $0x800  }
0x1c: {  	s15 =	simm.s32 $0x200;
	[sflag:s9] =	ssyncset.done $0x0  }
.LBB2_2:
0x1d: {  	s16 =	sshra.s32 s15, $0x2;
	[sflag:s9] =	ssyncadd.s32 $0xFFFFF800;
	p0 =	sne.s32 s15, $0x9E00  }
0x1e: {  	[spmem:s2] =	stream.indirect.scatter.add.f32 [tilespmem:s10], [sflag:$0x1], $0x10, s16, s13, $0xb8;
	[tilespmem:$0x5780] =	vst v63  }
.Ltmp0:
0x1f: {  	_ = 	snop;
	(pc) =	sbr.rel @p0 .LBB2_2-.Ltmp0, $4  }
0x20: {  	_ = 	snop  }
0x21: {  	s15 =	sadd.s32 $0x200, s15  }
0x22: {  	_ =	swait.ge [sflag:s9], $0x800  }
0x23: {  	[sflag:s9] =	ssyncset.done $0x0  }
0x24: {  	s14 =	sadd.s32 $0x1, s14  }
0x25: {  	[sflag:s9] =	ssyncadd.s32 $0xFFFFF800;
	p0 =	sne.s32 s14, s8  }
.Ltmp1:
0x26: {  	[bflag:$0x0] =	sbarrier.arrive $0xFFFF;
	(pc) =	sbr.rel @p0 .LBB2_1-.Ltmp1, $4  }
0x27: {  	[hbm:s7], [sflag:s11] =	dma.local [spmem:s12], $0x4F0  }
0x28: {  	_ =	swait.ge [sflag:s9], $0x4F0  }
0x29: {  	[sflag:s9] =	ssyncset.done $0x0  }
0x2a: {  	[sflag:s9] =	ssyncadd.s32 $0xFFFFFB10  }
0x2b: {  	_ =	sfence.sel $0x180000  }
0x2c: {  	[bflag:$0x0] =	sbarrier.arrive $0xFFFF  }
0x2d: {  	p0 =	sne.s32 s1, $0x0;
	_ =	strace $0x90000047  }
0x2e: {  	s0 =	sadd.s32 @!p0 $0x100000, s0;
	[bflag:$0x2] =	sbarrier.arrive $0xFFFF  }
0x2f: {  	[sflag:s0] =	ssyncadd.tile.s32 @!p0 $0x1;
	_ =	shalt  }
.Lfunc_end2:
_tile_overlayer_lowered:
.L_overlay_start_2:
0x30: {  	(tag) =	ssettag $0x2  }
0x31: {  	s0 =	rddreg [dreg:$0x0];
	s2 =	stileid.u32  }
0x32: {  	s1 =	rddreg [dreg:$0x1];
	p0 =	sne.s32 s2, $0x0  }
0x33: {  	s3 =	rddreg [dreg:$0x2];
	[bflag:$0x3] =	sbarrier.arrive $0xFFFF;
	s2 =	simm.s32 @!p0 $0x1C01  }
0x34: {  	[timem:s3], [sflag:s2] =	dma.local @!p0 [hbm:s0], s1  }
0x35: {  	s0 =	simm.s32 @!p0 $0x1  }
0x36: {  	_ =	swait.ge @!p0 [sflag:s0], s1  }
0x37: {  	s1 =	ssub.s32 @!p0 $0x0, s1;
	[sflag:s0] =	ssyncset.done @!p0 $0x0  }
0x38: {  	[sflag:s0] =	ssyncadd.s32 @!p0 s1  }
0x39: {  	[bflag:$0x3] =	sbarrier.arrive $0xFFFF  }
0x3a: {  	_ =	shalt  }

// kernel: kernel.15.cloned.1.call-start
scs
__scs_entry_jumppad:
0x0: {  	(pc) =	sbr.rel $0x88, $3  }
0x1: {  	(tag) =	ssettag $0x0;
	lr =	simm.s32 $0x1  }
0x2: {  	[smem:$0x3F8A] =	sst lr;
	_ =	strace $0xD0000000  }
0x3: {  	_ = 	snop  }
0x4: {  	_ = 	snop  }
0x5: {  	_ = 	snop  }
0x6: {  	_ = 	snop  }
0x7: {  	_ = 	snop  }
__scs_overlays_trampoline_lowered:
0x8: {  	[smem:$0x3F99] =	sst s0  }
0x9: {  	[smem:$0x3F9A] =	sst s1  }
0xa: {  	[smem:$0x3F9B] =	sst s2  }
0xb: {  	[smem:$0x3F9C] =	sst s3  }
0xc: {  	[smem:$0x3F9D] =	sst s4  }
0xd: {  	[smem:$0x3F9E] =	sst s5  }
0xe: {  	[smem:$0x3F9F] =	sst s6  }
0xf: {  	[smem:$0x3FA0] =	sst s7  }
0x10: {  	[smem:$0x3FA1] =	sst s8  }
0x11: {  	[smem:$0x3FA2] =	sst s9;
	s0 =	simm.s32 @!p0 $0x0  }
0x12: {  	s1 =	sld [smem:$0x3F88];
	s0 =	simm.s32 @p0 $0x1  }
0x13: {  	[smem:$0x3FA3] =	sst s0;
	s0 =	simm.s32 @!p1 $0x0  }
0x14: {  	s2 =	sld [smem:$0x3F87];
	s0 =	simm.s32 @p1 $0x1  }
0x15: {  	[smem:$0x3FA4] =	sst s0;
	s0 =	simm.s32 @!p2 $0x0  }
0x16: {  	s3 =	sld [smem:$0x3FDB];
	s0 =	simm.s32 @p2 $0x1  }
0x17: {  	s4 =	simm.s32 $0x1BF5;
	[smem:$0x3FA6] =	sst s0  }
0x18: {  	s0 =	sld [smem:$0x3F89];
	_ =	swait.ge [sflag:s4], $0x0  }
0x19: {  	s7 =	sld [smem:$0x3F8A]  }
0x1a: {  	s8 =	sadd.s32 $0xFFFFE003, lr  }
0x1b: {  	s9 =	sadd.s32 $0xFFFFFEF7, lr;
	s5 =	simm.s32 $0xFFFFFFFF;
	p2 =	slt.u32 s8, $0xFFFFF086  }
0x1c: {  	p1 =	slt.u32 s9, $0xF7A;
	s5 =	simm.s32 @!p2 $0x0  }
0x1d: {  	s5 =	simm.s32 @p1 $0x1;
	p0 =	seq.s32 s7, s2  }
0x1e: {  	s7 =	smul.u32 @!p0 $0xF7A, s2;
	p2 =	seq.s32 @!p0 s5, $0x0  }
0x1f: {  	s9 =	smul.u32 $0xF7A, s1;
	s8 =	simm.s32 @!p0 $0x1BF5;
	p2 =	por !p2, p0  }
0x20: {  	[sflag:s8] =	ssyncset.s32 @!p0 $0xFFFFF086;
	s6 =	sadd.s32 @!p0 s3, s7;
	s7 =	simm.s32 @!p0 $0x108  }
0x21: {  	s3 =	sadd.s32 s3, s9;
	s6 =	sadd.s32 @!p0 $0x88, s6;
	s7 =	simm.s32 @p2 $0x1082  }
0x22: {  	[simem:s7], [sflag:s8] =	dma.local @!p0 [hbm:s6], $0xF7A  }
0x23: {  	s9 =	sor.u32 $0xD0000000, s2;
	s6 =	simm.s32 $0x108;
	_ =	swait.ge @!p0 [sflag:s8], $0x0  }
0x24: {  	s3 =	sadd.s32 $0x88, s3;
	s6 =	simm.s32 @!p1 $0x1082;
	[sflag:s4] =	ssyncset.s32 $0xFFFFF086  }
0x25: {  	[simem:s6], [sflag:s4] =	dma.local [hbm:s3], $0xF7A  }
0x26: {  	[smem:$0x3F8A] =	sst s1;
	(tag) =	ssettag s2;
	_ =	strace s9  }
0x27: {  	s1 =	sld [smem:$0x3F9A]  }
0x28: {  	s2 =	sld [smem:$0x3F9B]  }
0x29: {  	s4 =	sld [smem:$0x3F9D]  }
0x2a: {  	p0 =	seq.s32 s5, $0x0;
	s5 =	sld [smem:$0x3F9E]  }
0x2b: {  	s6 =	sld [smem:$0x3F9F]  }
0x2c: {  	s7 =	sld [smem:$0x3FA0]  }
0x2d: {  	s3 =	simm.s32 $0x108;
	s8 =	sld [smem:$0x3FA1]  }
0x2e: {  	s3 =	simm.s32 @!p0 $0x1082;
	s9 =	sld [smem:$0x3FA2]  }
0x2f: {  	lr =	sadd.s32 s0, s3;
	s0 =	sld [smem:$0x3F99]  }
0x30: {  	s3 =	sld [smem:$0x3F9C]  }
0x31: {  	[smem:$0x3FA5] =	sst s10  }
0x32: {  	s10 =	sld [smem:$0x3FA3];
	_ =	sdelay $0x3  }
0x33: {  	p0 =	seq.s32 s10, $0x1;
	s10 =	sld [smem:$0x3FA5];
	_ =	sdelay $0x3  }
0x34: {  	[smem:$0x3FA5] =	sst s10  }
0x35: {  	s10 =	sld [smem:$0x3FA4];
	_ =	sdelay $0x3  }
0x36: {  	p1 =	seq.s32 s10, $0x1;
	s10 =	sld [smem:$0x3FA5];
	_ =	sdelay $0x3  }
0x37: {  	[smem:$0x3FA5] =	sst s10  }
0x38: {  	s10 =	sld [smem:$0x3FA6]  }
0x39: {  	_ = 	snop;
	(pc) =	sbr.ind lr, $3  }
0x3a: {  	_ = 	snop  }
0x3b: {  	_ = 	snop  }
0x3c: {  	p2 =	seq.s32 s10, $0x1;
	s10 =	sld [smem:$0x3FA5]  }
0x3d: {  	_ =	shalt  }
0x3e: {  	_ =	shalt  }
0x3f: {  	_ =	shalt  }
0x40: {  	_ =	shalt  }
0x41: {  	_ =	shalt  }
0x42: {  	_ =	shalt  }
0x43: {  	_ =	shalt  }
0x44: {  	_ =	shalt  }
0x45: {  	_ =	shalt  }
0x46: {  	_ =	shalt  }
0x47: {  	_ =	shalt  }
0x48: {  	_ =	shalt  }
0x49: {  	_ =	shalt  }
0x4a: {  	_ =	shalt  }
0x4b: {  	_ =	shalt  }
0x4c: {  	_ =	shalt  }
0x4d: {  	_ =	shalt  }
0x4e: {  	_ =	shalt  }
0x4f: {  	_ =	shalt  }
0x50: {  	_ =	shalt  }
0x51: {  	_ =	shalt  }
0x52: {  	_ =	shalt  }
0x53: {  	_ =	shalt  }
0x54: {  	_ =	shalt  }
0x55: {  	_ =	shalt  }
0x56: {  	_ =	shalt  }
0x57: {  	_ =	shalt  }
0x58: {  	_ =	shalt  }
0x59: {  	_ =	shalt  }
0x5a: {  	_ =	shalt  }
0x5b: {  	_ =	shalt  }
0x5c: {  	_ =	shalt  }
0x5d: {  	_ =	shalt  }
0x5e: {  	_ =	shalt  }
0x5f: {  	_ =	shalt  }
0x60: {  	_ =	shalt  }
0x61: {  	_ =	shalt  }
0x62: {  	_ =	shalt  }
0x63: {  	_ =	shalt  }
0x64: {  	_ =	shalt  }
0x65: {  	_ =	shalt  }
0x66: {  	_ =	shalt  }
0x67: {  	_ =	shalt  }
0x68: {  	_ =	shalt  }
0x69: {  	_ =	shalt  }
0x6a: {  	_ =	shalt  }
0x6b: {  	_ =	shalt  }
0x6c: {  	_ =	shalt  }
0x6d: {  	_ =	shalt  }
0x6e: {  	_ =	shalt  }
0x6f: {  	_ =	shalt  }
0x70: {  	_ =	shalt  }
0x71: {  	_ =	shalt  }
0x72: {  	_ =	shalt  }
0x73: {  	_ =	shalt  }
0x74: {  	_ =	shalt  }
0x75: {  	_ =	shalt  }
0x76: {  	_ =	shalt  }
0x77: {  	_ =	shalt  }
0x78: {  	_ =	shalt  }
0x79: {  	_ =	shalt  }
0x7a: {  	_ =	shalt  }
0x7b: {  	_ =	shalt  }
0x7c: {  	_ =	shalt  }
0x7d: {  	_ =	shalt  }
0x7e: {  	_ =	shalt  }
0x7f: {  	_ =	shalt  }
0x80: {  	_ =	shalt  }
0x81: {  	_ =	shalt  }
0x82: {  	_ =	shalt  }
0x83: {  	_ =	shalt  }
0x84: {  	_ =	shalt  }
0x85: {  	_ =	shalt  }
0x86: {  	_ =	shalt  }
0x87: {  	_ =	shalt  }
.Lfunc_end0:
.L_simem_size_0:
called_computation.1_lowered:
.L_overlay_start_0:
0x88: {  	s2 =	sld [smem:$0x3FD9]  }
0x89: {  	s3 =	sld [smem:$0x3FFE];
	_ =	sdelay $0x1  }
0x8a: {  	s1 =	srdreg.scid  }
0x8b: {  	s0 =	sand.u32 $0x1, s1  }
0x8c: {  	s16 =	sshll.u32 s0, $0xA;
	s2 =	sadd.s32 s3, s2  }
0x8d: {  	s2 =	sadd.s32 s2, s16  }
0x8e: {  	[smem:$0x3FB1] =	sst s2  }
0x8f: {  	_ = 	snop  }
0x90: {  	(tm) =	ssettm $0x1  }
0x91: {  	s17 =	sld [smem:$0x3FFB];
	_ =	sdelay $0x3  }
0x92: {  	_ =	strace s17  }
0x93: {  	s2 =	sld [smem:$0x3FFC];
	_ =	sdelay $0x3  }
0x94: {  	_ =	strace s2  }
0x95: {  	s2 =	sld [smem:$0x3FFD];
	_ =	sdelay $0x3  }
0x96: {  	_ =	strace s2  }
0x97: {  	_ =	strace $0x8FFFFFFF  }
0x98: {  	s18 =	sld [smem:$0x3FDB];
	_ =	sdelay $0x1  }
0x99: {  	s19 =	simm.s32 $_scs_section_size  }
0x9a: {  	s4 =	simm.s32 $_size__tile_overlayer_lowered;
	s5 =	simm.s32 $_tile_overlayer_lowered  }
0x9b: {  	s22 =	simm.s32 $0x1BFF;
	s21 =	sshll.u32 s5, $0x1;
	s2 =	sadd.s32 s19, s18  }
0x9c: {  	s6 =	simm.s32 $0x0;
	s20 =	sshll.u32 s4, $0x1;
	s4 =	sadd.s32 s21, s2  }
0x9d: {  	[timem:s6], [sflag:s22] =	dma.local [hbm:s4], s20  }
0x9e: {  	_ =	swait.ge [sflag:s22], s20  }
0x9f: {  	s3 =	ssub.s32 $0x0, s20;
	[sflag:s22] =	ssyncset.done $0x0  }
0xa0: {  	[sflag:s22] =	ssyncadd.s32 s3;
	_ =	sdelay $0x1  }
0xa1: {  	s23 =	simm.s32 $0x1B8B  }
0xa2: {  	_ =	swait.ge [sflag:s23], $0x1  }
0xa3: {  	[sflag:s23] =	ssyncset.done $0x0  }
0xa4: {  	s25 =	simm.s32 $0x1B8E;
	s24 =	sld [smem:$0x3FFE];
	[sflag:s23] =	ssyncadd.s32 $0xFFFFFFFF  }
0xa5: {  	s26 =	simm.s32 $execute0_lowered;
	[smem:$0x3FD2] =	sst s25  }
0xa6: {  	s4 =	sshll.u32 s26, $0x1;
	_ =	strace $0x80000049;
	[dreg:$0x1] =	wrdreg $0xFFFFFFFF  }
0xa7: {  	s28 =	simm.s32 $_size_execute0_lowered;
	s2 =	sadd.s32 s2, s4;
	[dreg:$0x0] =	wrdreg $0x0  }
0xa8: {  	s4 =	sshll.u32 s28, $0x1;
	[dreg:$0x2] =	wrdreg s2  }
0xa9: {  	[dreg:$0x3] =	wrdreg s4  }
0xaa: {  	[dreg:$0x4] =	wrdreg $0xC0  }
0xab: {  	_ =	task [dreg:s6], $0x5FFFF  }
0xac: {  	[dreg:$0x1] =	wrdreg $0xFFFFFFFF  }
0xad: {  	[dreg:$0x0] =	wrdreg $0x60  }
0xae: {  	[dreg:$0x2] =	wrdreg s24  }
0xaf: {  	[dreg:$0x3] =	wrdreg $0x90000  }
0xb0: {  	[dreg:$0x4] =	wrdreg $0xDF000  }
0xb1: {  	[dreg:$0x5] =	wrdreg $0x9  }
0xb2: {  	_ =	task.clear_ibuf [dreg:s6], $0x6FFFF;
	_ =	strace $0x90000049  }
0xb3: {  	s29 =	simm.s32 $0x9;
	_ =	strace $0x8000004B  }
0xb4: {  	_ =	swait.ge [sflag:s29], $0x1  }
0xb5: {  	[sflag:s29] =	ssyncadd.s32 $0xFFFFFFFF  }
0xb6: {  	_ =	strace $0x9000004B  }
0xb7: {  	_ =	sfence  }
0xb8: {  	s30 =	sld [smem:$0x0];
	_ =	sdelay $0x2  }
0xb9: {  	s31 =	sshll.u32 s1, $0xD;
	s1 =	sshrl.u32 s1, $0x2  }
0xba: {  	s3 =	sand.u32 $0x4000, s31;
	s1 =	sadd.s32 s1, s30  }
0xbb: {  	s0 =	sor.u32 s3, s0;
	s1 =	sshll.u32 s1, $0x11  }
0xbc: {  	s0 =	sor.u32 s1, s0  }
0xbd: {  	s0 =	sadd.s32 $0x8F2B, s0  }
0xbe: {  	[sflag:s0] =	ssyncadd.remote.s32 $0x1  }
0xbf: {  	_ =	sfence.sel $0xFFFF  }
0xc0: {  	[dreg:$0x0] =	wrdreg $0xFFFFFFFF;
	(pc) =	sbr.abs _section_cstart, $3  }
0xc1: {  	[dreg:$0x1] =	wrdreg $0xFFFFFFFF  }
0xc2: {  	_ =	task.clear_ibuf [dreg:s6], $0x2FFFF;
	_ =	strace $0x9FFFFFFF  }
0xc3: {  	(tm) =	ssettm $0x7FFFFFFF  }
tec
execute0_lowered:
.L_overlay_start_1:
0x0: {  	(tag) =	ssettag $0x1  }
0x1: {  	s8 =	rddreg [dreg:$0x0]  }
0x2: {  	s2 =	rddreg [dreg:$0x1]  }
0x3: {  	s3 =	rddreg [dreg:$0x2]  }
0x4: {  	s4 =	srdreg.scid;
	s1 =	stileid.u32;
	s18 =	simm.s32 $0x80  }
0x5: {  	s19 =	simm.s32 $0x5000;
	s20 =	simm.s32 $0x6000;
	s21 =	simm.s32 $0x7000  }
0x6: {  	s22 =	simm.s32 $0x8000;
	s23 =	simm.s32 $0x1;
	s24 =	simm.s32 $0x3  }
0x7: {  	s25 =	simm.s32 $0x2;
	s26 =	simm.s32 $0x4F00;
	s28 =	simm.s32 $0x4F80  }
0x8: {  	s29 =	simm.s32 $0x0;
	s7 =	sand.u32 $0x1, s4;
	s4 =	simm.s32 $0x0  }
0x9: {  	s10 =	smul.u32 $0x4F00, s1;
	s15 =	sshll.u32 s1, $0x6;
	s5 =	sshll.u32 s7, $0x4  }
0xa: {  	[smem:$0x7FF] =	sst s4;
	s9 =	smul.u32 $0x4F000, s7;
	s12 =	ssub.s32 $0x2, s7  }
0xb: {  	s7 =	sadd.s32 $0x17A00, s8;
	s15 =	sor.u32 $0x1C04, s15;
	s6 =	sor.u32 s1, s5  }
0xc: {  	_ =	strace $0x8000004A;
	s5 =	sadd.s32 $0x22A00, s8;
	s13 =	sshrl.u32 s12, $0x1  }
0xd: {  	s16 =	sadd.s32 s10, s2;
	s17 =	sadd.s32 s10, s3;
	s11 =	smul.u32 $0x500, s6  }
0xe: {  	s6 =	sadd.s32 $0xDC00, s8;
	s9 =	sadd.s32 s10, s9;
	s12 =	ssub.s32 s12, s13  }
0xf: {  	s13 =	simm.s32 $0x4;
	s16 =	sshrl.u32 s16, $0x3;
	s17 =	sshrl.u32 s17, $0x3  }
0x10: {  	s9 =	sshrl.u32 s9, $0x3;
	s12 =	smax.u32 s12, $0x1;
	s11 =	sadd.s32 s11, s8  }
0x11: {  	s14 =	sadd.s32 s9, s8;
	s8 =	sadd.s32 $0x18A00, s11;
	s9 =	sadd.s32 $0x3C00, s11  }
0x12: {  	s10 =	sadd.s32 $0x40400, s14;
	s11 =	sadd.s32 $0x2C800, s14;
	s14 =	simm.s32 $0x2800  }
.LBB2_1:
0x13: {  	[tilespmem:s4], [sflag:$0x4] =	stream.linear.gather [hbm4b:s8+s4], $0x2800, $0x38;
	[tilespmem:$0x12E00] =	vst v63  }
0x14: {  	_ =	swait.ge [sflag:s13], $0x2800  }
0x15: {  	[sflag:s13] =	ssyncset.done $0x0  }
0x16: {  	[sflag:s13] =	ssyncadd.s32 $0xFFFFD800  }
0x17: {  	[tilespmem:s14], [sflag:$0x4] =	stream.linear.gather [hbm4b:s9+s4], $0x2800, $0x38;
	[tilespmem:$0x12E00] =	vst v63  }
0x18: {  	_ =	swait.ge [sflag:s13], $0x2800  }
0x19: {  	[sflag:s13] =	ssyncset.done $0x0  }
0x1a: {  	[sflag:s13] =	ssyncadd.s32 $0xFFFFD800  }
0x1b: {  	[spmem:s16], [sflag:s15] =	dma.local [hbm:s7], $0x9E0  }
0x1c: {  	_ =	swait.ge [sflag:s13], $0x9E0  }
0x1d: {  	[sflag:s13] =	ssyncset.done $0x0  }
0x1e: {  	[sflag:s13] =	ssyncadd.s32 $0xFFFFF620  }
0x1f: {  	[spmem:s17], [sflag:s15] =	dma.local [hbm:s7], $0x9E0  }
0x20: {  	_ =	swait.ge [sflag:s13], $0x9E0  }
0x21: {  	[sflag:s13] =	ssyncset.done $0x0  }
0x22: {  	[sflag:s13] =	ssyncadd.s32 $0xFFFFF620  }
0x23: {  	[bflag:$0x0] =	sbarrier.arrive $0xFFFF  }
0x24: {  	[tilespmem:s19], [sflag:$0x1] =	stream.indirect.gather [hbm4b:s5+s18], $0x20, s4, s18, $0xb8;
	[tilespmem:$0x12E00] =	vst v63  }
0x25: {  	_ = 	snop  }
0x26: {  	[tilespmem:s20], [sflag:$0x1] =	stream.indirect.gather [hbm4b:s6+s18], $0x20, s4, s18, $0xb8;
	[tilespmem:$0x12E00] =	vst v63  }
0x27: {  	_ = 	snop  }
0x28: {  	[tilespmem:s21], [sflag:$0x2] =	stream.indirect.gather [hbm4b:s5+s18], $0x20, s18, s18, $0xb8;
	[tilespmem:$0x12E00] =	vst v63  }
0x29: {  	_ = 	snop  }
0x2a: {  	[tilespmem:s22], [sflag:$0x2] =	stream.indirect.gather [hbm4b:s6+s18], $0x20, s18, s18, $0xb8;
	[tilespmem:$0x12E00] =	vst v63  }
0x2b: {  	_ =	swait.ge [sflag:s23], $0x1000  }
0x2c: {  	[sflag:s23] =	ssyncset.done $0x0  }
0x2d: {  	[sflag:s23] =	ssyncadd.s32 $0xFFFFF000  }
0x2e: {  	_ =	swait.ge [sflag:s23], $0x1000  }
0x2f: {  	[sflag:s23] =	ssyncset.done $0x0  }
0x30: {  	s30 =	simm.s32 $0x2800;
	[sflag:s23] =	ssyncadd.s32 $0xFFFFF000  }
0x31: {  	[spmem:s2] =	stream.indirect.scatter.add.f32 [tilespmem:s19], [sflag:$0x3], $0x20, s30, s18, $0xb8;
	[tilespmem:$0x12E00] =	vst v63  }
0x32: {  	_ = 	snop  }
0x33: {  	[spmem:s3] =	stream.indirect.scatter.add.f32 [tilespmem:s20], [sflag:$0x4], $0x20, s30, s18, $0xb8;
	[tilespmem:$0x12E00] =	vst v63  }
0x34: {  	_ =	swait.ge [sflag:s13], $0x1000  }
0x35: {  	[sflag:s13] =	ssyncset.done $0x0  }
0x36: {  	[sflag:s13] =	ssyncadd.s32 $0xFFFFF000  }
0x37: {  	_ =	swait.ge [sflag:s24], $0x1000  }
0x38: {  	[sflag:s24] =	ssyncset.done $0x0  }
0x39: {  	s30 =	simm.s32 $0x100;
	[sflag:s24] =	ssyncadd.s32 $0xFFFFF000  }
0x3a: {  	[tilespmem:s19], [sflag:$0x1] =	stream.indirect.gather [hbm4b:s5+s18], $0x20, s30, s18, $0xb8;
	[tilespmem:$0x12E00] =	vst v63  }
0x3b: {  	_ = 	snop  }
0x3c: {  	[tilespmem:s20], [sflag:$0x1] =	stream.indirect.gather [hbm4b:s6+s18], $0x20, s30, s18, $0xb8;
	[tilespmem:$0x12E00] =	vst v63  }
0x3d: {  	_ =	swait.ge [sflag:s25], $0x1000  }
0x3e: {  	[sflag:s25] =	ssyncset.done $0x0  }
0x3f: {  	[sflag:s25] =	ssyncadd.s32 $0xFFFFF000  }
0x40: {  	_ =	swait.ge [sflag:s25], $0x1000  }
0x41: {  	[sflag:s25] =	ssyncset.done $0x0  }
0x42: {  	s30 =	simm.s32 $0x2880;
	[sflag:s25] =	ssyncadd.s32 $0xFFFFF000  }
0x43: {  	[spmem:s2] =	stream.indirect.scatter.add.f32 [tilespmem:s21], [sflag:$0x3], $0x20, s30, s18, $0xb8;
	[tilespmem:$0x12E00] =	vst v63  }
0x44: {  	_ = 	snop  }
0x45: {  	[spmem:s3] =	stream.indirect.scatter.add.f32 [tilespmem:s22], [sflag:$0x4], $0x20, s30, s18, $0xb8;
	[tilespmem:$0x12E00] =	vst v63  }
0x46: {  	_ =	swait.ge [sflag:s13], $0x1000  }
0x47: {  	[sflag:s13] =	ssyncset.done $0x0  }
0x48: {  	[sflag:s13] =	ssyncadd.s32 $0xFFFFF000  }
0x49: {  	_ =	swait.ge [sflag:s24], $0x1000  }
0x4a: {  	[sflag:s24] =	ssyncset.done $0x0  }
0x4b: {  	s31 =	simm.s32 $0x180;
	s30 =	simm.s32 $0x400;
	[sflag:s24] =	ssyncadd.s32 $0xFFFFF000  }
0x4c: {  	[tilespmem:s21], [sflag:$0x2] =	stream.indirect.gather [hbm4b:s5+s18], $0x20, s31, s18, $0xb8;
	[tilespmem:$0x12E00] =	vst v63  }
.LBB2_2:
0x4d: {  	[tilespmem:s22], [sflag:$0x2] =	stream.indirect.gather [hbm4b:s6+s18], $0x20, s31, s18, $0xb8;
	[tilespmem:$0x12E00] =	vst v63  }
0x4e: {  	s31 =	smov.u32 s30  }
0x4f: {  	p0 =	sne.s32 s30, $0x9800;
	s30 =	sadd.s32 $0x400, s30;
	_ =	swait.ge [sflag:s23], $0x1000  }
0x50: {  	[sflag:s23] =	ssyncset.done $0x0  }
0x51: {  	[sflag:s23] =	ssyncadd.s32 $0xFFFFF000  }
0x52: {  	_ =	swait.ge [sflag:s23], $0x1000  }
0x53: {  	s31 =	sshra.s32 s31, $0x2;
	[sflag:s23] =	ssyncset.done $0x0  }
0x54: {  	s0 =	sadd.s32 $0x2800, s31;
	[sflag:s23] =	ssyncadd.s32 $0xFFFFF000  }
0x55: {  	[spmem:s2] =	stream.indirect.scatter.add.f32 [tilespmem:s19], [sflag:$0x3], $0x20, s0, s18, $0xb8;
	[tilespmem:$0x12E00] =	vst v63  }
0x56: {  	_ = 	snop  }
0x57: {  	[spmem:s3] =	stream.indirect.scatter.add.f32 [tilespmem:s20], [sflag:$0x4], $0x20, s0, s18, $0xb8;
	[tilespmem:$0x12E00] =	vst v63  }
0x58: {  	_ =	swait.ge [sflag:s13], $0x1000  }
0x59: {  	[sflag:s13] =	ssyncset.done $0x0  }
0x5a: {  	[sflag:s13] =	ssyncadd.s32 $0xFFFFF000  }
0x5b: {  	_ =	swait.ge [sflag:s24], $0x1000  }
0x5c: {  	[sflag:s24] =	ssyncset.done $0x0  }
0x5d: {  	s0 =	sadd.s32 $0x100, s31;
	[sflag:s24] =	ssyncadd.s32 $0xFFFFF000  }
0x5e: {  	[tilespmem:s19], [sflag:$0x1] =	stream.indirect.gather [hbm4b:s5+s18], $0x20, s0, s18, $0xb8;
	[tilespmem:$0x12E00] =	vst v63  }
0x5f: {  	_ = 	snop  }
0x60: {  	[tilespmem:s20], [sflag:$0x1] =	stream.indirect.gather [hbm4b:s6+s18], $0x20, s0, s18, $0xb8;
	[tilespmem:$0x12E00] =	vst v63  }
0x61: {  	_ =	swait.ge [sflag:s25], $0x1000  }
0x62: {  	[sflag:s25] =	ssyncset.done $0x0  }
0x63: {  	[sflag:s25] =	ssyncadd.s32 $0xFFFFF000  }
0x64: {  	_ =	swait.ge [sflag:s25], $0x1000  }
0x65: {  	[sflag:s25] =	ssyncset.done $0x0  }
0x66: {  	s0 =	sadd.s32 $0x2880, s31;
	[sflag:s25] =	ssyncadd.s32 $0xFFFFF000  }
0x67: {  	[spmem:s2] =	stream.indirect.scatter.add.f32 [tilespmem:s21], [sflag:$0x3], $0x20, s0, s18, $0xb8;
	[tilespmem:$0x12E00] =	vst v63  }
0x68: {  	_ = 	snop  }
0x69: {  	[spmem:s3] =	stream.indirect.scatter.add.f32 [tilespmem:s22], [sflag:$0x4], $0x20, s0, s18, $0xb8;
	[tilespmem:$0x12E00] =	vst v63  }
0x6a: {  	_ =	swait.ge [sflag:s13], $0x1000  }
0x6b: {  	[sflag:s13] =	ssyncset.done $0x0  }
.Ltmp0:
0x6c: {  	[sflag:s13] =	ssyncadd.s32 $0xFFFFF000;
	(pc) =	sbr.rel @p0 .LBB2_2-.Ltmp0, $4  }
0x6d: {  	_ =	swait.ge [sflag:s24], $0x1000  }
0x6e: {  	[sflag:s24] =	ssyncset.done $0x0  }
0x6f: {  	s31 =	sadd.s32 $0x180, s31;
	[sflag:s24] =	ssyncadd.s32 $0xFFFFF000  }
0x70: {  	[tilespmem:s21], [sflag:$0x2] =	stream.indirect.gather [hbm4b:s5+s18], $0x20, s31, s18, $0xb8;
	[tilespmem:$0x12E00] =	vst v63  }
0x71: {  	[tilespmem:s22], [sflag:$0x2] =	stream.indirect.gather [hbm4b:s6+s18], $0x20, s31, s18, $0xb8;
	[tilespmem:$0x12E00] =	vst v63  }
0x72: {  	_ =	swait.ge [sflag:s23], $0x1000  }
0x73: {  	[sflag:s23] =	ssyncset.done $0x0  }
0x74: {  	[sflag:s23] =	ssyncadd.s32 $0xFFFFF000  }
0x75: {  	_ =	swait.ge [sflag:s23], $0x1000  }
0x76: {  	[sflag:s23] =	ssyncset.done $0x0  }
0x77: {  	[sflag:s23] =	ssyncadd.s32 $0xFFFFF000  }
0x78: {  	[spmem:s2] =	stream.indirect.scatter.add.f32 [tilespmem:s19], [sflag:$0x3], $0x20, s26, s18, $0xb8;
	[tilespmem:$0x12E00] =	vst v63  }
0x79: {  	_ = 	snop  }
0x7a: {  	[spmem:s3] =	stream.indirect.scatter.add.f32 [tilespmem:s20], [sflag:$0x4], $0x20, s26, s18, $0xb8;
	[tilespmem:$0x12E00] =	vst v63  }
0x7b: {  	_ =	swait.ge [sflag:s13], $0x1000  }
0x7c: {  	[sflag:s13] =	ssyncset.done $0x0  }
0x7d: {  	[sflag:s13] =	ssyncadd.s32 $0xFFFFF000  }
0x7e: {  	_ =	swait.ge [sflag:s24], $0x1000  }
0x7f: {  	[sflag:s24] =	ssyncset.done $0x0  }
0x80: {  	[sflag:s24] =	ssyncadd.s32 $0xFFFFF000  }
0x81: {  	_ =	swait.ge [sflag:s25], $0x1000  }
0x82: {  	[sflag:s25] =	ssyncset.done $0x0  }
0x83: {  	[sflag:s25] =	ssyncadd.s32 $0xFFFFF000  }
0x84: {  	_ =	swait.ge [sflag:s25], $0x1000  }
0x85: {  	[sflag:s25] =	ssyncset.done $0x0  }
0x86: {  	[sflag:s25] =	ssyncadd.s32 $0xFFFFF000  }
0x87: {  	[spmem:s2] =	stream.indirect.scatter.add.f32 [tilespmem:s21], [sflag:$0x3], $0x20, s28, s18, $0xb8;
	[tilespmem:$0x12E00] =	vst v63  }
0x88: {  	_ = 	snop  }
0x89: {  	[spmem:s3] =	stream.indirect.scatter.add.f32 [tilespmem:s22], [sflag:$0x4], $0x20, s28, s18, $0xb8;
	[tilespmem:$0x12E00] =	vst v63  }
0x8a: {  	_ =	swait.ge [sflag:s13], $0x1000  }
0x8b: {  	[sflag:s13] =	ssyncset.done $0x0  }
0x8c: {  	[sflag:s13] =	ssyncadd.s32 $0xFFFFF000  }
0x8d: {  	_ =	swait.ge [sflag:s24], $0x1000  }
0x8e: {  	[sflag:s24] =	ssyncset.done $0x0  }
0x8f: {  	[sflag:s24] =	ssyncadd.s32 $0xFFFFF000  }
0x90: {  	[bflag:$0x0] =	sbarrier.arrive $0xFFFF  }
0x91: {  	[hbm:s10], [sflag:s15] =	dma.local [spmem:s16], $0x9E0  }
0x92: {  	s29 =	sadd.s32 $0x1, s29;
	_ =	swait.ge [sflag:s13], $0x9E0  }
0x93: {  	p0 =	sne.s32 s29, s12;
	[sflag:s13] =	ssyncset.done $0x0  }
.Ltmp1:
0x94: {  	[sflag:s13] =	ssyncadd.s32 $0xFFFFF620;
	(pc) =	sbr.rel @p0 .LBB2_1-.Ltmp1, $4  }
0x95: {  	[hbm:s11], [sflag:s15] =	dma.local [spmem:s17], $0x9E0  }
0x96: {  	_ =	swait.ge [sflag:s13], $0x9E0  }
0x97: {  	[sflag:s13] =	ssyncset.done $0x0  }
0x98: {  	[sflag:s13] =	ssyncadd.s32 $0xFFFFF620  }
0x99: {  	_ =	sfence.sel $0x180000  }
0x9a: {  	[bflag:$0x0] =	sbarrier.arrive $0xFFFF  }
0x9b: {  	_ =	strace $0x9000004A  }
0x9c: {  	[bflag:$0x2] =	sbarrier.arrive $0xFFFF  }
0x9d: {  	p0 =	sne.s32 s1, $0x0;
	s0 =	rddreg [dreg:$0x3]  }
0x9e: {  	s0 =	sadd.s32 @!p0 $0x100000, s0  }
0x9f: {  	[sflag:s0] =	ssyncadd.tile.s32 @!p0 $0x1;
	_ =	shalt  }
.Lfunc_end2:
_tile_overlayer_lowered:
.L_overlay_start_2:
0xa0: {  	(tag) =	ssettag $0x2  }
0xa1: {  	s0 =	rddreg [dreg:$0x0];
	s2 =	stileid.u32  }
0xa2: {  	s1 =	rddreg [dreg:$0x1];
	p0 =	sne.s32 s2, $0x0  }
0xa3: {  	s3 =	rddreg [dreg:$0x2];
	[bflag:$0x3] =	sbarrier.arrive $0xFFFF;
	s2 =	simm.s32 @!p0 $0x1C04  }
0xa4: {  	[timem:s3], [sflag:s2] =	dma.local @!p0 [hbm:s0], s1  }
0xa5: {  	s0 =	simm.s32 @!p0 $0x4  }
0xa6: {  	_ =	swait.ge @!p0 [sflag:s0], s1  }
0xa7: {  	s1 =	ssub.s32 @!p0 $0x0, s1;
	[sflag:s0] =	ssyncset.done @!p0 $0x0  }
0xa8: {  	[sflag:s0] =	ssyncadd.s32 @!p0 s1  }
0xa9: {  	[bflag:$0x3] =	sbarrier.arrive $0xFFFF  }
0xaa: {  	_ =	shalt  }

// kernel: kernel.18.cloned.1.call-start
scs
__scs_entry_jumppad:
0x0: {  	(pc) =	sbr.rel $0x88, $3  }
0x1: {  	(tag) =	ssettag $0x0;
	lr =	simm.s32 $0x1  }
0x2: {  	[smem:$0x3F8A] =	sst lr;
	_ =	strace $0xD0000000  }
0x3: {  	_ = 	snop  }
0x4: {  	_ = 	snop  }
0x5: {  	_ = 	snop  }
0x6: {  	_ = 	snop  }
0x7: {  	_ = 	snop  }
__scs_overlays_trampoline_lowered:
0x8: {  	[smem:$0x3F99] =	sst s0  }
0x9: {  	[smem:$0x3F9A] =	sst s1  }
0xa: {  	[smem:$0x3F9B] =	sst s2  }
0xb: {  	[smem:$0x3F9C] =	sst s3  }
0xc: {  	[smem:$0x3F9D] =	sst s4  }
0xd: {  	[smem:$0x3F9E] =	sst s5  }
0xe: {  	[smem:$0x3F9F] =	sst s6  }
0xf: {  	[smem:$0x3FA0] =	sst s7  }
0x10: {  	[smem:$0x3FA1] =	sst s8  }
0x11: {  	[smem:$0x3FA2] =	sst s9;
	s0 =	simm.s32 @!p0 $0x0  }
0x12: {  	s1 =	sld [smem:$0x3F88];
	s0 =	simm.s32 @p0 $0x1  }
0x13: {  	[smem:$0x3FA3] =	sst s0;
	s0 =	simm.s32 @!p1 $0x0  }
0x14: {  	s2 =	sld [smem:$0x3F87];
	s0 =	simm.s32 @p1 $0x1  }
0x15: {  	[smem:$0x3FA4] =	sst s0;
	s0 =	simm.s32 @!p2 $0x0  }
0x16: {  	s3 =	sld [smem:$0x3FDB];
	s0 =	simm.s32 @p2 $0x1  }
0x17: {  	s4 =	simm.s32 $0x1BF5;
	[smem:$0x3FA6] =	sst s0  }
0x18: {  	s0 =	sld [smem:$0x3F89];
	_ =	swait.ge [sflag:s4], $0x0  }
0x19: {  	s7 =	sld [smem:$0x3F8A]  }
0x1a: {  	s8 =	sadd.s32 $0xFFFFE003, lr  }
0x1b: {  	s9 =	sadd.s32 $0xFFFFFEF7, lr;
	s5 =	simm.s32 $0xFFFFFFFF;
	p2 =	slt.u32 s8, $0xFFFFF086  }
0x1c: {  	p1 =	slt.u32 s9, $0xF7A;
	s5 =	simm.s32 @!p2 $0x0  }
0x1d: {  	s5 =	simm.s32 @p1 $0x1;
	p0 =	seq.s32 s7, s2  }
0x1e: {  	s7 =	smul.u32 @!p0 $0xF7A, s2;
	p2 =	seq.s32 @!p0 s5, $0x0  }
0x1f: {  	s9 =	smul.u32 $0xF7A, s1;
	s8 =	simm.s32 @!p0 $0x1BF5;
	p2 =	por !p2, p0  }
0x20: {  	[sflag:s8] =	ssyncset.s32 @!p0 $0xFFFFF086;
	s6 =	sadd.s32 @!p0 s3, s7;
	s7 =	simm.s32 @!p0 $0x108  }
0x21: {  	s3 =	sadd.s32 s3, s9;
	s6 =	sadd.s32 @!p0 $0x88, s6;
	s7 =	simm.s32 @p2 $0x1082  }
0x22: {  	[simem:s7], [sflag:s8] =	dma.local @!p0 [hbm:s6], $0xF7A  }
0x23: {  	s9 =	sor.u32 $0xD0000000, s2;
	s6 =	simm.s32 $0x108;
	_ =	swait.ge @!p0 [sflag:s8], $0x0  }
0x24: {  	s3 =	sadd.s32 $0x88, s3;
	s6 =	simm.s32 @!p1 $0x1082;
	[sflag:s4] =	ssyncset.s32 $0xFFFFF086  }
0x25: {  	[simem:s6], [sflag:s4] =	dma.local [hbm:s3], $0xF7A  }
0x26: {  	[smem:$0x3F8A] =	sst s1;
	(tag) =	ssettag s2;
	_ =	strace s9  }
0x27: {  	s1 =	sld [smem:$0x3F9A]  }
0x28: {  	s2 =	sld [smem:$0x3F9B]  }
0x29: {  	s4 =	sld [smem:$0x3F9D]  }
0x2a: {  	p0 =	seq.s32 s5, $0x0;
	s5 =	sld [smem:$0x3F9E]  }
0x2b: {  	s6 =	sld [smem:$0x3F9F]  }
0x2c: {  	s7 =	sld [smem:$0x3FA0]  }
0x2d: {  	s3 =	simm.s32 $0x108;
	s8 =	sld [smem:$0x3FA1]  }
0x2e: {  	s3 =	simm.s32 @!p0 $0x1082;
	s9 =	sld [smem:$0x3FA2]  }
0x2f: {  	lr =	sadd.s32 s0, s3;
	s0 =	sld [smem:$0x3F99]  }
0x30: {  	s3 =	sld [smem:$0x3F9C]  }
0x31: {  	[smem:$0x3FA5] =	sst s10  }
0x32: {  	s10 =	sld [smem:$0x3FA3];
	_ =	sdelay $0x3  }
0x33: {  	p0 =	seq.s32 s10, $0x1;
	s10 =	sld [smem:$0x3FA5];
	_ =	sdelay $0x3  }
0x34: {  	[smem:$0x3FA5] =	sst s10  }
0x35: {  	s10 =	sld [smem:$0x3FA4];
	_ =	sdelay $0x3  }
0x36: {  	p1 =	seq.s32 s10, $0x1;
	s10 =	sld [smem:$0x3FA5];
	_ =	sdelay $0x3  }
0x37: {  	[smem:$0x3FA5] =	sst s10  }
0x38: {  	s10 =	sld [smem:$0x3FA6]  }
0x39: {  	_ = 	snop;
	(pc) =	sbr.ind lr, $3  }
0x3a: {  	_ = 	snop  }
0x3b: {  	_ = 	snop  }
0x3c: {  	p2 =	seq.s32 s10, $0x1;
	s10 =	sld [smem:$0x3FA5]  }
0x3d: {  	_ =	shalt  }
0x3e: {  	_ =	shalt  }
0x3f: {  	_ =	shalt  }
0x40: {  	_ =	shalt  }
0x41: {  	_ =	shalt  }
0x42: {  	_ =	shalt  }
0x43: {  	_ =	shalt  }
0x44: {  	_ =	shalt  }
0x45: {  	_ =	shalt  }
0x46: {  	_ =	shalt  }
0x47: {  	_ =	shalt  }
0x48: {  	_ =	shalt  }
0x49: {  	_ =	shalt  }
0x4a: {  	_ =	shalt  }
0x4b: {  	_ =	shalt  }
0x4c: {  	_ =	shalt  }
0x4d: {  	_ =	shalt  }
0x4e: {  	_ =	shalt  }
0x4f: {  	_ =	shalt  }
0x50: {  	_ =	shalt  }
0x51: {  	_ =	shalt  }
0x52: {  	_ =	shalt  }
0x53: {  	_ =	shalt  }
0x54: {  	_ =	shalt  }
0x55: {  	_ =	shalt  }
0x56: {  	_ =	shalt  }
0x57: {  	_ =	shalt  }
0x58: {  	_ =	shalt  }
0x59: {  	_ =	shalt  }
0x5a: {  	_ =	shalt  }
0x5b: {  	_ =	shalt  }
0x5c: {  	_ =	shalt  }
0x5d: {  	_ =	shalt  }
0x5e: {  	_ =	shalt  }
0x5f: {  	_ =	shalt  }
0x60: {  	_ =	shalt  }
0x61: {  	_ =	shalt  }
0x62: {  	_ =	shalt  }
0x63: {  	_ =	shalt  }
0x64: {  	_ =	shalt  }
0x65: {  	_ =	shalt  }
0x66: {  	_ =	shalt  }
0x67: {  	_ =	shalt  }
0x68: {  	_ =	shalt  }
0x69: {  	_ =	shalt  }
0x6a: {  	_ =	shalt  }
0x6b: {  	_ =	shalt  }
0x6c: {  	_ =	shalt  }
0x6d: {  	_ =	shalt  }
0x6e: {  	_ =	shalt  }
0x6f: {  	_ =	shalt  }
0x70: {  	_ =	shalt  }
0x71: {  	_ =	shalt  }
0x72: {  	_ =	shalt  }
0x73: {  	_ =	shalt  }
0x74: {  	_ =	shalt  }
0x75: {  	_ =	shalt  }
0x76: {  	_ =	shalt  }
0x77: {  	_ =	shalt  }
0x78: {  	_ =	shalt  }
0x79: {  	_ =	shalt  }
0x7a: {  	_ =	shalt  }
0x7b: {  	_ =	shalt  }
0x7c: {  	_ =	shalt  }
0x7d: {  	_ =	shalt  }
0x7e: {  	_ =	shalt  }
0x7f: {  	_ =	shalt  }
0x80: {  	_ =	shalt  }
0x81: {  	_ =	shalt  }
0x82: {  	_ =	shalt  }
0x83: {  	_ =	shalt  }
0x84: {  	_ =	shalt  }
0x85: {  	_ =	shalt  }
0x86: {  	_ =	shalt  }
0x87: {  	_ =	shalt  }
.Lfunc_end0:
.L_simem_size_0:
called_computation.2_lowered:
.L_overlay_start_0:
0x88: {  	s2 =	sld [smem:$0x3FD9]  }
0x89: {  	s3 =	sld [smem:$0x3FFE];
	_ =	sdelay $0x1  }
0x8a: {  	s1 =	srdreg.scid  }
0x8b: {  	s0 =	sand.u32 $0x1, s1  }
0x8c: {  	s16 =	sshll.u32 s0, $0xA;
	s2 =	sadd.s32 s3, s2  }
0x8d: {  	s2 =	sadd.s32 s2, s16  }
0x8e: {  	[smem:$0x3FB1] =	sst s2  }
0x8f: {  	_ = 	snop  }
0x90: {  	(tm) =	ssettm $0x1  }
0x91: {  	s17 =	sld [smem:$0x3FFB];
	_ =	sdelay $0x3  }
0x92: {  	_ =	strace s17  }
0x93: {  	s2 =	sld [smem:$0x3FFC];
	_ =	sdelay $0x3  }
0x94: {  	_ =	strace s2  }
0x95: {  	s2 =	sld [smem:$0x3FFD];
	_ =	sdelay $0x3  }
0x96: {  	_ =	strace s2  }
0x97: {  	_ =	strace $0x8FFFFFFF  }
0x98: {  	s18 =	sld [smem:$0x3FDB];
	_ =	sdelay $0x1  }
0x99: {  	s19 =	simm.s32 $_scs_section_size  }
0x9a: {  	s4 =	simm.s32 $_size__tile_overlayer_lowered;
	s5 =	simm.s32 $_tile_overlayer_lowered  }
0x9b: {  	s22 =	simm.s32 $0x1BFF;
	s21 =	sshll.u32 s5, $0x1;
	s2 =	sadd.s32 s19, s18  }
0x9c: {  	s6 =	simm.s32 $0x0;
	s20 =	sshll.u32 s4, $0x1;
	s4 =	sadd.s32 s21, s2  }
0x9d: {  	[timem:s6], [sflag:s22] =	dma.local [hbm:s4], s20  }
0x9e: {  	_ =	swait.ge [sflag:s22], s20  }
0x9f: {  	s3 =	ssub.s32 $0x0, s20;
	[sflag:s22] =	ssyncset.done $0x0  }
0xa0: {  	[sflag:s22] =	ssyncadd.s32 s3;
	_ =	sdelay $0x1  }
0xa1: {  	s23 =	simm.s32 $0x1B8B  }
0xa2: {  	_ =	swait.ge [sflag:s23], $0x1  }
0xa3: {  	[sflag:s23] =	ssyncset.done $0x0  }
0xa4: {  	s25 =	simm.s32 $0x1B8E;
	s24 =	sld [smem:$0x3FFE];
	[sflag:s23] =	ssyncadd.s32 $0xFFFFFFFF  }
0xa5: {  	s26 =	simm.s32 $execute0_lowered;
	[smem:$0x3FD2] =	sst s25  }
0xa6: {  	s4 =	sshll.u32 s26, $0x1;
	_ =	strace $0x8000004C;
	[dreg:$0x1] =	wrdreg $0xFFFFFFFF  }
0xa7: {  	s28 =	simm.s32 $_size_execute0_lowered;
	s2 =	sadd.s32 s2, s4;
	[dreg:$0x0] =	wrdreg $0x0  }
0xa8: {  	s4 =	sshll.u32 s28, $0x1;
	[dreg:$0x2] =	wrdreg s2  }
0xa9: {  	[dreg:$0x3] =	wrdreg s4  }
0xaa: {  	[dreg:$0x4] =	wrdreg $0xC0  }
0xab: {  	_ =	task [dreg:s6], $0x5FFFF  }
0xac: {  	[dreg:$0x1] =	wrdreg $0xFFFFFFFF  }
0xad: {  	[dreg:$0x0] =	wrdreg $0x60  }
0xae: {  	[dreg:$0x2] =	wrdreg s24  }
0xaf: {  	[dreg:$0x3] =	wrdreg $0x90000  }
0xb0: {  	[dreg:$0x4] =	wrdreg $0xDF000  }
0xb1: {  	[dreg:$0x5] =	wrdreg $0x9  }
0xb2: {  	_ =	task.clear_ibuf [dreg:s6], $0x6FFFF;
	_ =	strace $0x9000004C  }
0xb3: {  	s29 =	simm.s32 $0x9;
	_ =	strace $0x8000004E  }
0xb4: {  	_ =	swait.ge [sflag:s29], $0x1  }
0xb5: {  	[sflag:s29] =	ssyncadd.s32 $0xFFFFFFFF  }
0xb6: {  	_ =	strace $0x9000004E  }
0xb7: {  	_ =	sfence  }
0xb8: {  	s30 =	sld [smem:$0x0];
	_ =	sdelay $0x2  }
0xb9: {  	s31 =	sshll.u32 s1, $0xD;
	s1 =	sshrl.u32 s1, $0x2  }
0xba: {  	s3 =	sand.u32 $0x4000, s31;
	s1 =	sadd.s32 s1, s30  }
0xbb: {  	s0 =	sor.u32 s3, s0;
	s1 =	sshll.u32 s1, $0x11  }
0xbc: {  	s0 =	sor.u32 s1, s0  }
0xbd: {  	s0 =	sadd.s32 $0x8F2B, s0  }
0xbe: {  	[sflag:s0] =	ssyncadd.remote.s32 $0x1  }
0xbf: {  	_ =	sfence.sel $0xFFFF  }
0xc0: {  	[dreg:$0x0] =	wrdreg $0xFFFFFFFF;
	(pc) =	sbr.abs _section_cstart, $3  }
0xc1: {  	[dreg:$0x1] =	wrdreg $0xFFFFFFFF  }
0xc2: {  	_ =	task.clear_ibuf [dreg:s6], $0x2FFFF;
	_ =	strace $0x9FFFFFFF  }
0xc3: {  	(tm) =	ssettm $0x7FFFFFFF  }
tec
execute0_lowered:
.L_overlay_start_1:
0x0: {  	(tag) =	ssettag $0x1  }
0x1: {  	s8 =	rddreg [dreg:$0x0]  }
0x2: {  	s2 =	rddreg [dreg:$0x1]  }
0x3: {  	s3 =	rddreg [dreg:$0x2]  }
0x4: {  	s4 =	srdreg.scid;
	s1 =	stileid.u32;
	s18 =	simm.s32 $0x80  }
0x5: {  	s19 =	simm.s32 $0x5000;
	s20 =	simm.s32 $0x6000;
	s21 =	simm.s32 $0x7000  }
0x6: {  	s22 =	simm.s32 $0x8000;
	s23 =	simm.s32 $0x1;
	s24 =	simm.s32 $0x3  }
0x7: {  	s25 =	simm.s32 $0x2;
	s26 =	simm.s32 $0x4F00;
	s28 =	simm.s32 $0x4F80  }
0x8: {  	s29 =	simm.s32 $0x0;
	s7 =	sand.u32 $0x1, s4;
	s4 =	simm.s32 $0x0  }
0x9: {  	s10 =	smul.u32 $0x4F00, s1;
	s15 =	sshll.u32 s1, $0x6;
	s5 =	sshll.u32 s7, $0x4  }
0xa: {  	[smem:$0x7FF] =	sst s4;
	s9 =	smul.u32 $0x4F000, s7;
	s12 =	ssub.s32 $0x2, s7  }
0xb: {  	s7 =	sadd.s32 $0x17A00, s8;
	s15 =	sor.u32 $0x1C04, s15;
	s6 =	sor.u32 s1, s5  }
0xc: {  	_ =	strace $0x8000004D;
	s5 =	sadd.s32 $0xE7000, s8;
	s13 =	sshrl.u32 s12, $0x1  }
0xd: {  	s16 =	sadd.s32 s10, s2;
	s17 =	sadd.s32 s10, s3;
	s11 =	smul.u32 $0x500, s6  }
0xe: {  	s6 =	sadd.s32 $0xDC00, s8;
	s9 =	sadd.s32 s10, s9;
	s12 =	ssub.s32 s12, s13  }
0xf: {  	s13 =	simm.s32 $0x4;
	s16 =	sshrl.u32 s16, $0x3;
	s17 =	sshrl.u32 s17, $0x3  }
0x10: {  	s9 =	sshrl.u32 s9, $0x3;
	s12 =	smax.u32 s12, $0x1;
	s11 =	sadd.s32 s11, s8  }
0x11: {  	s14 =	sadd.s32 s9, s8;
	s8 =	sadd.s32 $0x18A00, s11;
	s9 =	sadd.s32 $0x3C00, s11  }
0x12: {  	s10 =	sadd.s32 $0x104A00, s14;
	s11 =	sadd.s32 $0xF0E00, s14;
	s14 =	simm.s32 $0x2800  }
.LBB2_1:
0x13: {  	[tilespmem:s4], [sflag:$0x4] =	stream.linear.gather [hbm4b:s8+s4], $0x2800, $0x38;
	[tilespmem:$0x12E00] =	vst v63  }
0x14: {  	_ =	swait.ge [sflag:s13], $0x2800  }
0x15: {  	[sflag:s13] =	ssyncset.done $0x0  }
0x16: {  	[sflag:s13] =	ssyncadd.s32 $0xFFFFD800  }
0x17: {  	[tilespmem:s14], [sflag:$0x4] =	stream.linear.gather [hbm4b:s9+s4], $0x2800, $0x38;
	[tilespmem:$0x12E00] =	vst v63  }
0x18: {  	_ =	swait.ge [sflag:s13], $0x2800  }
0x19: {  	[sflag:s13] =	ssyncset.done $0x0  }
0x1a: {  	[sflag:s13] =	ssyncadd.s32 $0xFFFFD800  }
0x1b: {  	[spmem:s16], [sflag:s15] =	dma.local [hbm:s7], $0x9E0  }
0x1c: {  	_ =	swait.ge [sflag:s13], $0x9E0  }
0x1d: {  	[sflag:s13] =	ssyncset.done $0x0  }
0x1e: {  	[sflag:s13] =	ssyncadd.s32 $0xFFFFF620  }
0x1f: {  	[spmem:s17], [sflag:s15] =	dma.local [hbm:s7], $0x9E0  }
0x20: {  	_ =	swait.ge [sflag:s13], $0x9E0  }
0x21: {  	[sflag:s13] =	ssyncset.done $0x0  }
0x22: {  	[sflag:s13] =	ssyncadd.s32 $0xFFFFF620  }
0x23: {  	[bflag:$0x0] =	sbarrier.arrive $0xFFFF  }
0x24: {  	[tilespmem:s19], [sflag:$0x1] =	stream.indirect.gather [hbm4b:s5+s18], $0x20, s4, s18, $0xb8;
	[tilespmem:$0x12E00] =	vst v63  }
0x25: {  	_ = 	snop  }
0x26: {  	[tilespmem:s20], [sflag:$0x1] =	stream.indirect.gather [hbm4b:s6+s18], $0x20, s4, s18, $0xb8;
	[tilespmem:$0x12E00] =	vst v63  }
0x27: {  	_ = 	snop  }
0x28: {  	[tilespmem:s21], [sflag:$0x2] =	stream.indirect.gather [hbm4b:s5+s18], $0x20, s18, s18, $0xb8;
	[tilespmem:$0x12E00] =	vst v63  }
0x29: {  	_ = 	snop  }
0x2a: {  	[tilespmem:s22], [sflag:$0x2] =	stream.indirect.gather [hbm4b:s6+s18], $0x20, s18, s18, $0xb8;
	[tilespmem:$0x12E00] =	vst v63  }
0x2b: {  	_ =	swait.ge [sflag:s23], $0x1000  }
0x2c: {  	[sflag:s23] =	ssyncset.done $0x0  }
0x2d: {  	[sflag:s23] =	ssyncadd.s32 $0xFFFFF000  }
0x2e: {  	_ =	swait.ge [sflag:s23], $0x1000  }
0x2f: {  	[sflag:s23] =	ssyncset.done $0x0  }
0x30: {  	s30 =	simm.s32 $0x2800;
	[sflag:s23] =	ssyncadd.s32 $0xFFFFF000  }
0x31: {  	[spmem:s2] =	stream.indirect.scatter.add.f32 [tilespmem:s19], [sflag:$0x3], $0x20, s30, s18, $0xb8;
	[tilespmem:$0x12E00] =	vst v63  }
0x32: {  	_ = 	snop  }
0x33: {  	[spmem:s3] =	stream.indirect.scatter.add.f32 [tilespmem:s20], [sflag:$0x4], $0x20, s30, s18, $0xb8;
	[tilespmem:$0x12E00] =	vst v63  }
0x34: {  	_ =	swait.ge [sflag:s13], $0x1000  }
0x35: {  	[sflag:s13] =	ssyncset.done $0x0  }
0x36: {  	[sflag:s13] =	ssyncadd.s32 $0xFFFFF000  }
0x37: {  	_ =	swait.ge [sflag:s24], $0x1000  }
0x38: {  	[sflag:s24] =	ssyncset.done $0x0  }
0x39: {  	s30 =	simm.s32 $0x100;
	[sflag:s24] =	ssyncadd.s32 $0xFFFFF000  }
0x3a: {  	[tilespmem:s19], [sflag:$0x1] =	stream.indirect.gather [hbm4b:s5+s18], $0x20, s30, s18, $0xb8;
	[tilespmem:$0x12E00] =	vst v63  }
0x3b: {  	_ = 	snop  }
0x3c: {  	[tilespmem:s20], [sflag:$0x1] =	stream.indirect.gather [hbm4b:s6+s18], $0x20, s30, s18, $0xb8;
	[tilespmem:$0x12E00] =	vst v63  }
0x3d: {  	_ =	swait.ge [sflag:s25], $0x1000  }
0x3e: {  	[sflag:s25] =	ssyncset.done $0x0  }
0x3f: {  	[sflag:s25] =	ssyncadd.s32 $0xFFFFF000  }
0x40: {  	_ =	swait.ge [sflag:s25], $0x1000  }
0x41: {  	[sflag:s25] =	ssyncset.done $0x0  }
0x42: {  	s30 =	simm.s32 $0x2880;
	[sflag:s25] =	ssyncadd.s32 $0xFFFFF000  }
0x43: {  	[spmem:s2] =	stream.indirect.scatter.add.f32 [tilespmem:s21], [sflag:$0x3], $0x20, s30, s18, $0xb8;
	[tilespmem:$0x12E00] =	vst v63  }
0x44: {  	_ = 	snop  }
0x45: {  	[spmem:s3] =	stream.indirect.scatter.add.f32 [tilespmem:s22], [sflag:$0x4], $0x20, s30, s18, $0xb8;
	[tilespmem:$0x12E00] =	vst v63  }
0x46: {  	_ =	swait.ge [sflag:s13], $0x1000  }
0x47: {  	[sflag:s13] =	ssyncset.done $0x0  }
0x48: {  	[sflag:s13] =	ssyncadd.s32 $0xFFFFF000  }
0x49: {  	_ =	swait.ge [sflag:s24], $0x1000  }
0x4a: {  	[sflag:s24] =	ssyncset.done $0x0  }
0x4b: {  	s31 =	simm.s32 $0x180;
	s30 =	simm.s32 $0x400;
	[sflag:s24] =	ssyncadd.s32 $0xFFFFF000  }
0x4c: {  	[tilespmem:s21], [sflag:$0x2] =	stream.indirect.gather [hbm4b:s5+s18], $0x20, s31, s18, $0xb8;
	[tilespmem:$0x12E00] =	vst v63  }
.LBB2_2:
0x4d: {  	[tilespmem:s22], [sflag:$0x2] =	stream.indirect.gather [hbm4b:s6+s18], $0x20, s31, s18, $0xb8;
	[tilespmem:$0x12E00] =	vst v63  }
0x4e: {  	s31 =	smov.u32 s30  }
0x4f: {  	p0 =	sne.s32 s30, $0x9800;
	s30 =	sadd.s32 $0x400, s30;
	_ =	swait.ge [sflag:s23], $0x1000  }
0x50: {  	[sflag:s23] =	ssyncset.done $0x0  }
0x51: {  	[sflag:s23] =	ssyncadd.s32 $0xFFFFF000  }
0x52: {  	_ =	swait.ge [sflag:s23], $0x1000  }
0x53: {  	s31 =	sshra.s32 s31, $0x2;
	[sflag:s23] =	ssyncset.done $0x0  }
0x54: {  	s0 =	sadd.s32 $0x2800, s31;
	[sflag:s23] =	ssyncadd.s32 $0xFFFFF000  }
0x55: {  	[spmem:s2] =	stream.indirect.scatter.add.f32 [tilespmem:s19], [sflag:$0x3], $0x20, s0, s18, $0xb8;
	[tilespmem:$0x12E00] =	vst v63  }
0x56: {  	_ = 	snop  }
0x57: {  	[spmem:s3] =	stream.indirect.scatter.add.f32 [tilespmem:s20], [sflag:$0x4], $0x20, s0, s18, $0xb8;
	[tilespmem:$0x12E00] =	vst v63  }
0x58: {  	_ =	swait.ge [sflag:s13], $0x1000  }
0x59: {  	[sflag:s13] =	ssyncset.done $0x0  }
0x5a: {  	[sflag:s13] =	ssyncadd.s32 $0xFFFFF000  }
0x5b: {  	_ =	swait.ge [sflag:s24], $0x1000  }
0x5c: {  	[sflag:s24] =	ssyncset.done $0x0  }
0x5d: {  	s0 =	sadd.s32 $0x100, s31;
	[sflag:s24] =	ssyncadd.s32 $0xFFFFF000  }
0x5e: {  	[tilespmem:s19], [sflag:$0x1] =	stream.indirect.gather [hbm4b:s5+s18], $0x20, s0, s18, $0xb8;
	[tilespmem:$0x12E00] =	vst v63  }
0x5f: {  	_ = 	snop  }
0x60: {  	[tilespmem:s20], [sflag:$0x1] =	stream.indirect.gather [hbm4b:s6+s18], $0x20, s0, s18, $0xb8;
	[tilespmem:$0x12E00] =	vst v63  }
0x61: {  	_ =	swait.ge [sflag:s25], $0x1000  }
0x62: {  	[sflag:s25] =	ssyncset.done $0x0  }
0x63: {  	[sflag:s25] =	ssyncadd.s32 $0xFFFFF000  }
0x64: {  	_ =	swait.ge [sflag:s25], $0x1000  }
0x65: {  	[sflag:s25] =	ssyncset.done $0x0  }
0x66: {  	s0 =	sadd.s32 $0x2880, s31;
	[sflag:s25] =	ssyncadd.s32 $0xFFFFF000  }
0x67: {  	[spmem:s2] =	stream.indirect.scatter.add.f32 [tilespmem:s21], [sflag:$0x3], $0x20, s0, s18, $0xb8;
	[tilespmem:$0x12E00] =	vst v63  }
0x68: {  	_ = 	snop  }
0x69: {  	[spmem:s3] =	stream.indirect.scatter.add.f32 [tilespmem:s22], [sflag:$0x4], $0x20, s0, s18, $0xb8;
	[tilespmem:$0x12E00] =	vst v63  }
0x6a: {  	_ =	swait.ge [sflag:s13], $0x1000  }
0x6b: {  	[sflag:s13] =	ssyncset.done $0x0  }
.Ltmp0:
0x6c: {  	[sflag:s13] =	ssyncadd.s32 $0xFFFFF000;
	(pc) =	sbr.rel @p0 .LBB2_2-.Ltmp0, $4  }
0x6d: {  	_ =	swait.ge [sflag:s24], $0x1000  }
0x6e: {  	[sflag:s24] =	ssyncset.done $0x0  }
0x6f: {  	s31 =	sadd.s32 $0x180, s31;
	[sflag:s24] =	ssyncadd.s32 $0xFFFFF000  }
0x70: {  	[tilespmem:s21], [sflag:$0x2] =	stream.indirect.gather [hbm4b:s5+s18], $0x20, s31, s18, $0xb8;
	[tilespmem:$0x12E00] =	vst v63  }
0x71: {  	[tilespmem:s22], [sflag:$0x2] =	stream.indirect.gather [hbm4b:s6+s18], $0x20, s31, s18, $0xb8;
	[tilespmem:$0x12E00] =	vst v63  }
0x72: {  	_ =	swait.ge [sflag:s23], $0x1000  }
0x73: {  	[sflag:s23] =	ssyncset.done $0x0  }
0x74: {  	[sflag:s23] =	ssyncadd.s32 $0xFFFFF000  }
0x75: {  	_ =	swait.ge [sflag:s23], $0x1000  }
0x76: {  	[sflag:s23] =	ssyncset.done $0x0  }
0x77: {  	[sflag:s23] =	ssyncadd.s32 $0xFFFFF000  }
0x78: {  	[spmem:s2] =	stream.indirect.scatter.add.f32 [tilespmem:s19], [sflag:$0x3], $0x20, s26, s18, $0xb8;
	[tilespmem:$0x12E00] =	vst v63  }
0x79: {  	_ = 	snop  }
0x7a: {  	[spmem:s3] =	stream.indirect.scatter.add.f32 [tilespmem:s20], [sflag:$0x4], $0x20, s26, s18, $0xb8;
	[tilespmem:$0x12E00] =	vst v63  }
0x7b: {  	_ =	swait.ge [sflag:s13], $0x1000  }
0x7c: {  	[sflag:s13] =	ssyncset.done $0x0  }
0x7d: {  	[sflag:s13] =	ssyncadd.s32 $0xFFFFF000  }
0x7e: {  	_ =	swait.ge [sflag:s24], $0x1000  }
0x7f: {  	[sflag:s24] =	ssyncset.done $0x0  }
0x80: {  	[sflag:s24] =	ssyncadd.s32 $0xFFFFF000  }
0x81: {  	_ =	swait.ge [sflag:s25], $0x1000  }
0x82: {  	[sflag:s25] =	ssyncset.done $0x0  }
0x83: {  	[sflag:s25] =	ssyncadd.s32 $0xFFFFF000  }
0x84: {  	_ =	swait.ge [sflag:s25], $0x1000  }
0x85: {  	[sflag:s25] =	ssyncset.done $0x0  }
0x86: {  	[sflag:s25] =	ssyncadd.s32 $0xFFFFF000  }
0x87: {  	[spmem:s2] =	stream.indirect.scatter.add.f32 [tilespmem:s21], [sflag:$0x3], $0x20, s28, s18, $0xb8;
	[tilespmem:$0x12E00] =	vst v63  }
0x88: {  	_ = 	snop  }
0x89: {  	[spmem:s3] =	stream.indirect.scatter.add.f32 [tilespmem:s22], [sflag:$0x4], $0x20, s28, s18, $0xb8;
	[tilespmem:$0x12E00] =	vst v63  }
0x8a: {  	_ =	swait.ge [sflag:s13], $0x1000  }
0x8b: {  	[sflag:s13] =	ssyncset.done $0x0  }
0x8c: {  	[sflag:s13] =	ssyncadd.s32 $0xFFFFF000  }
0x8d: {  	_ =	swait.ge [sflag:s24], $0x1000  }
0x8e: {  	[sflag:s24] =	ssyncset.done $0x0  }
0x8f: {  	[sflag:s24] =	ssyncadd.s32 $0xFFFFF000  }
0x90: {  	[bflag:$0x0] =	sbarrier.arrive $0xFFFF  }
0x91: {  	[hbm:s10], [sflag:s15] =	dma.local [spmem:s16], $0x9E0  }
0x92: {  	s29 =	sadd.s32 $0x1, s29;
	_ =	swait.ge [sflag:s13], $0x9E0  }
0x93: {  	p0 =	sne.s32 s29, s12;
	[sflag:s13] =	ssyncset.done $0x0  }
.Ltmp1:
0x94: {  	[sflag:s13] =	ssyncadd.s32 $0xFFFFF620;
	(pc) =	sbr.rel @p0 .LBB2_1-.Ltmp1, $4  }
0x95: {  	[hbm:s11], [sflag:s15] =	dma.local [spmem:s17], $0x9E0  }
0x96: {  	_ =	swait.ge [sflag:s13], $0x9E0  }
0x97: {  	[sflag:s13] =	ssyncset.done $0x0  }
0x98: {  	[sflag:s13] =	ssyncadd.s32 $0xFFFFF620  }
0x99: {  	_ =	sfence.sel $0x180000  }
0x9a: {  	[bflag:$0x0] =	sbarrier.arrive $0xFFFF  }
0x9b: {  	_ =	strace $0x9000004D  }
0x9c: {  	[bflag:$0x2] =	sbarrier.arrive $0xFFFF  }
0x9d: {  	p0 =	sne.s32 s1, $0x0;
	s0 =	rddreg [dreg:$0x3]  }
0x9e: {  	s0 =	sadd.s32 @!p0 $0x100000, s0  }
0x9f: {  	[sflag:s0] =	ssyncadd.tile.s32 @!p0 $0x1;
	_ =	shalt  }
.Lfunc_end2:
_tile_overlayer_lowered:
.L_overlay_start_2:
0xa0: {  	(tag) =	ssettag $0x2  }
0xa1: {  	s0 =	rddreg [dreg:$0x0];
	s2 =	stileid.u32  }
0xa2: {  	s1 =	rddreg [dreg:$0x1];
	p0 =	sne.s32 s2, $0x0  }
0xa3: {  	s3 =	rddreg [dreg:$0x2];
	[bflag:$0x3] =	sbarrier.arrive $0xFFFF;
	s2 =	simm.s32 @!p0 $0x1C04  }
0xa4: {  	[timem:s3], [sflag:s2] =	dma.local @!p0 [hbm:s0], s1  }
0xa5: {  	s0 =	simm.s32 @!p0 $0x4  }
0xa6: {  	_ =	swait.ge @!p0 [sflag:s0], s1  }
0xa7: {  	s1 =	ssub.s32 @!p0 $0x0, s1;
	[sflag:s0] =	ssyncset.done @!p0 $0x0  }
0xa8: {  	[sflag:s0] =	ssyncadd.s32 @!p0 s1  }
0xa9: {  	[bflag:$0x3] =	sbarrier.arrive $0xFFFF  }
0xaa: {  	_ =	shalt  }

// kernel: kernel.21.cloned.1.call-start
scs
__scs_entry_jumppad:
0x0: {  	(pc) =	sbr.rel $0x88, $3  }
0x1: {  	(tag) =	ssettag $0x0;
	lr =	simm.s32 $0x1  }
0x2: {  	[smem:$0x3F8A] =	sst lr;
	_ =	strace $0xD0000000  }
0x3: {  	_ = 	snop  }
0x4: {  	_ = 	snop  }
0x5: {  	_ = 	snop  }
0x6: {  	_ = 	snop  }
0x7: {  	_ = 	snop  }
__scs_overlays_trampoline_lowered:
0x8: {  	[smem:$0x3F99] =	sst s0  }
0x9: {  	[smem:$0x3F9A] =	sst s1  }
0xa: {  	[smem:$0x3F9B] =	sst s2  }
0xb: {  	[smem:$0x3F9C] =	sst s3  }
0xc: {  	[smem:$0x3F9D] =	sst s4  }
0xd: {  	[smem:$0x3F9E] =	sst s5  }
0xe: {  	[smem:$0x3F9F] =	sst s6  }
0xf: {  	[smem:$0x3FA0] =	sst s7  }
0x10: {  	[smem:$0x3FA1] =	sst s8  }
0x11: {  	[smem:$0x3FA2] =	sst s9;
	s0 =	simm.s32 @!p0 $0x0  }
0x12: {  	s1 =	sld [smem:$0x3F88];
	s0 =	simm.s32 @p0 $0x1  }
0x13: {  	[smem:$0x3FA3] =	sst s0;
	s0 =	simm.s32 @!p1 $0x0  }
0x14: {  	s2 =	sld [smem:$0x3F87];
	s0 =	simm.s32 @p1 $0x1  }
0x15: {  	[smem:$0x3FA4] =	sst s0;
	s0 =	simm.s32 @!p2 $0x0  }
0x16: {  	s3 =	sld [smem:$0x3FDB];
	s0 =	simm.s32 @p2 $0x1  }
0x17: {  	s4 =	simm.s32 $0x1BF5;
	[smem:$0x3FA6] =	sst s0  }
0x18: {  	s0 =	sld [smem:$0x3F89];
	_ =	swait.ge [sflag:s4], $0x0  }
0x19: {  	s7 =	sld [smem:$0x3F8A]  }
0x1a: {  	s8 =	sadd.s32 $0xFFFFE003, lr  }
0x1b: {  	s9 =	sadd.s32 $0xFFFFFEF7, lr;
	s5 =	simm.s32 $0xFFFFFFFF;
	p2 =	slt.u32 s8, $0xFFFFF086  }
0x1c: {  	p1 =	slt.u32 s9, $0xF7A;
	s5 =	simm.s32 @!p2 $0x0  }
0x1d: {  	s5 =	simm.s32 @p1 $0x1;
	p0 =	seq.s32 s7, s2  }
0x1e: {  	s7 =	smul.u32 @!p0 $0xF7A, s2;
	p2 =	seq.s32 @!p0 s5, $0x0  }
0x1f: {  	s9 =	smul.u32 $0xF7A, s1;
	s8 =	simm.s32 @!p0 $0x1BF5;
	p2 =	por !p2, p0  }
0x20: {  	[sflag:s8] =	ssyncset.s32 @!p0 $0xFFFFF086;
	s6 =	sadd.s32 @!p0 s3, s7;
	s7 =	simm.s32 @!p0 $0x108  }
0x21: {  	s3 =	sadd.s32 s3, s9;
	s6 =	sadd.s32 @!p0 $0x88, s6;
	s7 =	simm.s32 @p2 $0x1082  }
0x22: {  	[simem:s7], [sflag:s8] =	dma.local @!p0 [hbm:s6], $0xF7A  }
0x23: {  	s9 =	sor.u32 $0xD0000000, s2;
	s6 =	simm.s32 $0x108;
	_ =	swait.ge @!p0 [sflag:s8], $0x0  }
0x24: {  	s3 =	sadd.s32 $0x88, s3;
	s6 =	simm.s32 @!p1 $0x1082;
	[sflag:s4] =	ssyncset.s32 $0xFFFFF086  }
0x25: {  	[simem:s6], [sflag:s4] =	dma.local [hbm:s3], $0xF7A  }
0x26: {  	[smem:$0x3F8A] =	sst s1;
	(tag) =	ssettag s2;
	_ =	strace s9  }
0x27: {  	s1 =	sld [smem:$0x3F9A]  }
0x28: {  	s2 =	sld [smem:$0x3F9B]  }
0x29: {  	s4 =	sld [smem:$0x3F9D]  }
0x2a: {  	p0 =	seq.s32 s5, $0x0;
	s5 =	sld [smem:$0x3F9E]  }
0x2b: {  	s6 =	sld [smem:$0x3F9F]  }
0x2c: {  	s7 =	sld [smem:$0x3FA0]  }
0x2d: {  	s3 =	simm.s32 $0x108;
	s8 =	sld [smem:$0x3FA1]  }
0x2e: {  	s3 =	simm.s32 @!p0 $0x1082;
	s9 =	sld [smem:$0x3FA2]  }
0x2f: {  	lr =	sadd.s32 s0, s3;
	s0 =	sld [smem:$0x3F99]  }
0x30: {  	s3 =	sld [smem:$0x3F9C]  }
0x31: {  	[smem:$0x3FA5] =	sst s10  }
0x32: {  	s10 =	sld [smem:$0x3FA3];
	_ =	sdelay $0x3  }
0x33: {  	p0 =	seq.s32 s10, $0x1;
	s10 =	sld [smem:$0x3FA5];
	_ =	sdelay $0x3  }
0x34: {  	[smem:$0x3FA5] =	sst s10  }
0x35: {  	s10 =	sld [smem:$0x3FA4];
	_ =	sdelay $0x3  }
0x36: {  	p1 =	seq.s32 s10, $0x1;
	s10 =	sld [smem:$0x3FA5];
	_ =	sdelay $0x3  }
0x37: {  	[smem:$0x3FA5] =	sst s10  }
0x38: {  	s10 =	sld [smem:$0x3FA6]  }
0x39: {  	_ = 	snop;
	(pc) =	sbr.ind lr, $3  }
0x3a: {  	_ = 	snop  }
0x3b: {  	_ = 	snop  }
0x3c: {  	p2 =	seq.s32 s10, $0x1;
	s10 =	sld [smem:$0x3FA5]  }
0x3d: {  	_ =	shalt  }
0x3e: {  	_ =	shalt  }
0x3f: {  	_ =	shalt  }
0x40: {  	_ =	shalt  }
0x41: {  	_ =	shalt  }
0x42: {  	_ =	shalt  }
0x43: {  	_ =	shalt  }
0x44: {  	_ =	shalt  }
0x45: {  	_ =	shalt  }
0x46: {  	_ =	shalt  }
0x47: {  	_ =	shalt  }
0x48: {  	_ =	shalt  }
0x49: {  	_ =	shalt  }
0x4a: {  	_ =	shalt  }
0x4b: {  	_ =	shalt  }
0x4c: {  	_ =	shalt  }
0x4d: {  	_ =	shalt  }
0x4e: {  	_ =	shalt  }
0x4f: {  	_ =	shalt  }
0x50: {  	_ =	shalt  }
0x51: {  	_ =	shalt  }
0x52: {  	_ =	shalt  }
0x53: {  	_ =	shalt  }
0x54: {  	_ =	shalt  }
0x55: {  	_ =	shalt  }
0x56: {  	_ =	shalt  }
0x57: {  	_ =	shalt  }
0x58: {  	_ =	shalt  }
0x59: {  	_ =	shalt  }
0x5a: {  	_ =	shalt  }
0x5b: {  	_ =	shalt  }
0x5c: {  	_ =	shalt  }
0x5d: {  	_ =	shalt  }
0x5e: {  	_ =	shalt  }
0x5f: {  	_ =	shalt  }
0x60: {  	_ =	shalt  }
0x61: {  	_ =	shalt  }
0x62: {  	_ =	shalt  }
0x63: {  	_ =	shalt  }
0x64: {  	_ =	shalt  }
0x65: {  	_ =	shalt  }
0x66: {  	_ =	shalt  }
0x67: {  	_ =	shalt  }
0x68: {  	_ =	shalt  }
0x69: {  	_ =	shalt  }
0x6a: {  	_ =	shalt  }
0x6b: {  	_ =	shalt  }
0x6c: {  	_ =	shalt  }
0x6d: {  	_ =	shalt  }
0x6e: {  	_ =	shalt  }
0x6f: {  	_ =	shalt  }
0x70: {  	_ =	shalt  }
0x71: {  	_ =	shalt  }
0x72: {  	_ =	shalt  }
0x73: {  	_ =	shalt  }
0x74: {  	_ =	shalt  }
0x75: {  	_ =	shalt  }
0x76: {  	_ =	shalt  }
0x77: {  	_ =	shalt  }
0x78: {  	_ =	shalt  }
0x79: {  	_ =	shalt  }
0x7a: {  	_ =	shalt  }
0x7b: {  	_ =	shalt  }
0x7c: {  	_ =	shalt  }
0x7d: {  	_ =	shalt  }
0x7e: {  	_ =	shalt  }
0x7f: {  	_ =	shalt  }
0x80: {  	_ =	shalt  }
0x81: {  	_ =	shalt  }
0x82: {  	_ =	shalt  }
0x83: {  	_ =	shalt  }
0x84: {  	_ =	shalt  }
0x85: {  	_ =	shalt  }
0x86: {  	_ =	shalt  }
0x87: {  	_ =	shalt  }
.Lfunc_end0:
.L_simem_size_0:
called_computation.3_lowered:
.L_overlay_start_0:
0x88: {  	s2 =	sld [smem:$0x3FD9]  }
0x89: {  	s3 =	sld [smem:$0x3FFE];
	_ =	sdelay $0x1  }
0x8a: {  	s1 =	srdreg.scid  }
0x8b: {  	s0 =	sand.u32 $0x1, s1  }
0x8c: {  	s16 =	sshll.u32 s0, $0xA;
	s2 =	sadd.s32 s3, s2  }
0x8d: {  	s2 =	sadd.s32 s2, s16  }
0x8e: {  	[smem:$0x3FB1] =	sst s2  }
0x8f: {  	_ = 	snop  }
0x90: {  	(tm) =	ssettm $0x1  }
0x91: {  	s17 =	sld [smem:$0x3FFB];
	_ =	sdelay $0x3  }
0x92: {  	_ =	strace s17  }
0x93: {  	s2 =	sld [smem:$0x3FFC];
	_ =	sdelay $0x3  }
0x94: {  	_ =	strace s2  }
0x95: {  	s2 =	sld [smem:$0x3FFD];
	_ =	sdelay $0x3  }
0x96: {  	_ =	strace s2  }
0x97: {  	_ =	strace $0x8FFFFFFF  }
0x98: {  	s18 =	sld [smem:$0x3FDB];
	_ =	sdelay $0x1  }
0x99: {  	s19 =	simm.s32 $_scs_section_size  }
0x9a: {  	s4 =	simm.s32 $_size__tile_overlayer_lowered;
	s5 =	simm.s32 $_tile_overlayer_lowered  }
0x9b: {  	s22 =	simm.s32 $0x1BFF;
	s21 =	sshll.u32 s5, $0x1;
	s2 =	sadd.s32 s19, s18  }
0x9c: {  	s6 =	simm.s32 $0x0;
	s20 =	sshll.u32 s4, $0x1;
	s4 =	sadd.s32 s21, s2  }
0x9d: {  	[timem:s6], [sflag:s22] =	dma.local [hbm:s4], s20  }
0x9e: {  	_ =	swait.ge [sflag:s22], s20  }
0x9f: {  	s3 =	ssub.s32 $0x0, s20;
	[sflag:s22] =	ssyncset.done $0x0  }
0xa0: {  	[sflag:s22] =	ssyncadd.s32 s3;
	_ =	sdelay $0x1  }
0xa1: {  	s23 =	simm.s32 $0x1B8B  }
0xa2: {  	_ =	swait.ge [sflag:s23], $0x1  }
0xa3: {  	[sflag:s23] =	ssyncset.done $0x0  }
0xa4: {  	s25 =	simm.s32 $0x1B8E;
	s24 =	sld [smem:$0x3FFE];
	[sflag:s23] =	ssyncadd.s32 $0xFFFFFFFF  }
0xa5: {  	s26 =	simm.s32 $execute0_lowered;
	[smem:$0x3FD2] =	sst s25  }
0xa6: {  	s4 =	sshll.u32 s26, $0x1;
	_ =	strace $0x8000004F;
	[dreg:$0x1] =	wrdreg $0xFFFFFFFF  }
0xa7: {  	s28 =	simm.s32 $_size_execute0_lowered;
	s2 =	sadd.s32 s2, s4;
	[dreg:$0x0] =	wrdreg $0x0  }
0xa8: {  	s4 =	sshll.u32 s28, $0x1;
	[dreg:$0x2] =	wrdreg s2  }
0xa9: {  	[dreg:$0x3] =	wrdreg s4  }
0xaa: {  	[dreg:$0x4] =	wrdreg $0xC0  }
0xab: {  	_ =	task [dreg:s6], $0x5FFFF  }
0xac: {  	[dreg:$0x1] =	wrdreg $0xFFFFFFFF  }
0xad: {  	[dreg:$0x0] =	wrdreg $0x60  }
0xae: {  	[dreg:$0x2] =	wrdreg s24  }
0xaf: {  	[dreg:$0x3] =	wrdreg $0x90000  }
0xb0: {  	[dreg:$0x4] =	wrdreg $0xDF000  }
0xb1: {  	[dreg:$0x5] =	wrdreg $0x9  }
0xb2: {  	_ =	task.clear_ibuf [dreg:s6], $0x6FFFF;
	_ =	strace $0x9000004F  }
0xb3: {  	s29 =	simm.s32 $0x9;
	_ =	strace $0x80000051  }
0xb4: {  	_ =	swait.ge [sflag:s29], $0x1  }
0xb5: {  	[sflag:s29] =	ssyncadd.s32 $0xFFFFFFFF  }
0xb6: {  	_ =	strace $0x90000051  }
0xb7: {  	_ =	sfence  }
0xb8: {  	s30 =	sld [smem:$0x0];
	_ =	sdelay $0x2  }
0xb9: {  	s31 =	sshll.u32 s1, $0xD;
	s1 =	sshrl.u32 s1, $0x2  }
0xba: {  	s3 =	sand.u32 $0x4000, s31;
	s1 =	sadd.s32 s1, s30  }
0xbb: {  	s0 =	sor.u32 s3, s0;
	s1 =	sshll.u32 s1, $0x11  }
0xbc: {  	s0 =	sor.u32 s1, s0  }
0xbd: {  	s0 =	sadd.s32 $0x8F2B, s0  }
0xbe: {  	[sflag:s0] =	ssyncadd.remote.s32 $0x1  }
0xbf: {  	_ =	sfence.sel $0xFFFF  }
0xc0: {  	[dreg:$0x0] =	wrdreg $0xFFFFFFFF;
	(pc) =	sbr.abs _section_cstart, $3  }
0xc1: {  	[dreg:$0x1] =	wrdreg $0xFFFFFFFF  }
0xc2: {  	_ =	task.clear_ibuf [dreg:s6], $0x2FFFF;
	_ =	strace $0x9FFFFFFF  }
0xc3: {  	(tm) =	ssettm $0x7FFFFFFF  }
tec
execute0_lowered:
.L_overlay_start_1:
0x0: {  	(tag) =	ssettag $0x1  }
0x1: {  	s8 =	rddreg [dreg:$0x0]  }
0x2: {  	s2 =	rddreg [dreg:$0x1]  }
0x3: {  	s3 =	rddreg [dreg:$0x2]  }
0x4: {  	s4 =	srdreg.scid;
	s1 =	stileid.u32;
	s18 =	simm.s32 $0x80  }
0x5: {  	s19 =	simm.s32 $0x5000;
	s20 =	simm.s32 $0x6000;
	s21 =	simm.s32 $0x7000  }
0x6: {  	s22 =	simm.s32 $0x8000;
	s23 =	simm.s32 $0x1;
	s24 =	simm.s32 $0x3  }
0x7: {  	s25 =	simm.s32 $0x2;
	s26 =	simm.s32 $0x4F00;
	s28 =	simm.s32 $0x4F80  }
0x8: {  	s29 =	simm.s32 $0x0;
	s7 =	sand.u32 $0x1, s4;
	s4 =	simm.s32 $0x0  }
0x9: {  	s10 =	smul.u32 $0x4F00, s1;
	s15 =	sshll.u32 s1, $0x6;
	s5 =	sshll.u32 s7, $0x4  }
0xa: {  	[smem:$0x7FF] =	sst s4;
	s9 =	smul.u32 $0x4F000, s7;
	s12 =	ssub.s32 $0x2, s7  }
0xb: {  	s7 =	sadd.s32 $0x17A00, s8;
	s15 =	sor.u32 $0x1C04, s15;
	s6 =	sor.u32 s1, s5  }
0xc: {  	_ =	strace $0x80000050;
	s5 =	sadd.s32 $0x22A00, s8;
	s13 =	sshrl.u32 s12, $0x1  }
0xd: {  	s16 =	sadd.s32 s10, s2;
	s17 =	sadd.s32 s10, s3;
	s11 =	smul.u32 $0x500, s6  }
0xe: {  	s6 =	sadd.s32 $0xDC00, s8;
	s9 =	sadd.s32 s10, s9;
	s12 =	ssub.s32 s12, s13  }
0xf: {  	s13 =	simm.s32 $0x4;
	s16 =	sshrl.u32 s16, $0x3;
	s17 =	sshrl.u32 s17, $0x3  }
0x10: {  	s9 =	sshrl.u32 s9, $0x3;
	s12 =	smax.u32 s12, $0x1;
	s11 =	sadd.s32 s11, s8  }
0x11: {  	s14 =	sadd.s32 s9, s8;
	s8 =	sadd.s32 $0x18A00, s11;
	s9 =	sadd.s32 $0x3C00, s11  }
0x12: {  	s10 =	sadd.s32 $0x40400, s14;
	s11 =	sadd.s32 $0x2C800, s14;
	s14 =	simm.s32 $0x2800  }
.LBB2_1:
0x13: {  	[tilespmem:s4], [sflag:$0x4] =	stream.linear.gather [hbm4b:s8+s4], $0x2800, $0x38;
	[tilespmem:$0x12E00] =	vst v63  }
0x14: {  	_ =	swait.ge [sflag:s13], $0x2800  }
0x15: {  	[sflag:s13] =	ssyncset.done $0x0  }
0x16: {  	[sflag:s13] =	ssyncadd.s32 $0xFFFFD800  }
0x17: {  	[tilespmem:s14], [sflag:$0x4] =	stream.linear.gather [hbm4b:s9+s4], $0x2800, $0x38;
	[tilespmem:$0x12E00] =	vst v63  }
0x18: {  	_ =	swait.ge [sflag:s13], $0x2800  }
0x19: {  	[sflag:s13] =	ssyncset.done $0x0  }
0x1a: {  	[sflag:s13] =	ssyncadd.s32 $0xFFFFD800  }
0x1b: {  	[spmem:s16], [sflag:s15] =	dma.local [hbm:s7], $0x9E0  }
0x1c: {  	_ =	swait.ge [sflag:s13], $0x9E0  }
0x1d: {  	[sflag:s13] =	ssyncset.done $0x0  }
0x1e: {  	[sflag:s13] =	ssyncadd.s32 $0xFFFFF620  }
0x1f: {  	[spmem:s17], [sflag:s15] =	dma.local [hbm:s7], $0x9E0  }
0x20: {  	_ =	swait.ge [sflag:s13], $0x9E0  }
0x21: {  	[sflag:s13] =	ssyncset.done $0x0  }
0x22: {  	[sflag:s13] =	ssyncadd.s32 $0xFFFFF620  }
0x23: {  	[bflag:$0x0] =	sbarrier.arrive $0xFFFF  }
0x24: {  	[tilespmem:s19], [sflag:$0x1] =	stream.indirect.gather [hbm4b:s5+s18], $0x20, s4, s18, $0xb8;
	[tilespmem:$0x12E00] =	vst v63  }
0x25: {  	_ = 	snop  }
0x26: {  	[tilespmem:s20], [sflag:$0x1] =	stream.indirect.gather [hbm4b:s6+s18], $0x20, s4, s18, $0xb8;
	[tilespmem:$0x12E00] =	vst v63  }
0x27: {  	_ = 	snop  }
0x28: {  	[tilespmem:s21], [sflag:$0x2] =	stream.indirect.gather [hbm4b:s5+s18], $0x20, s18, s18, $0xb8;
	[tilespmem:$0x12E00] =	vst v63  }
0x29: {  	_ = 	snop  }
0x2a: {  	[tilespmem:s22], [sflag:$0x2] =	stream.indirect.gather [hbm4b:s6+s18], $0x20, s18, s18, $0xb8;
	[tilespmem:$0x12E00] =	vst v63  }
0x2b: {  	_ =	swait.ge [sflag:s23], $0x1000  }
0x2c: {  	[sflag:s23] =	ssyncset.done $0x0  }
0x2d: {  	[sflag:s23] =	ssyncadd.s32 $0xFFFFF000  }
0x2e: {  	_ =	swait.ge [sflag:s23], $0x1000  }
0x2f: {  	[sflag:s23] =	ssyncset.done $0x0  }
0x30: {  	s30 =	simm.s32 $0x2800;
	[sflag:s23] =	ssyncadd.s32 $0xFFFFF000  }
0x31: {  	[spmem:s2] =	stream.indirect.scatter.add.f32 [tilespmem:s19], [sflag:$0x3], $0x20, s30, s18, $0xb8;
	[tilespmem:$0x12E00] =	vst v63  }
0x32: {  	_ = 	snop  }
0x33: {  	[spmem:s3] =	stream.indirect.scatter.add.f32 [tilespmem:s20], [sflag:$0x4], $0x20, s30, s18, $0xb8;
	[tilespmem:$0x12E00] =	vst v63  }
0x34: {  	_ =	swait.ge [sflag:s13], $0x1000  }
0x35: {  	[sflag:s13] =	ssyncset.done $0x0  }
0x36: {  	[sflag:s13] =	ssyncadd.s32 $0xFFFFF000  }
0x37: {  	_ =	swait.ge [sflag:s24], $0x1000  }
0x38: {  	[sflag:s24] =	ssyncset.done $0x0  }
0x39: {  	s30 =	simm.s32 $0x100;
	[sflag:s24] =	ssyncadd.s32 $0xFFFFF000  }
0x3a: {  	[tilespmem:s19], [sflag:$0x1] =	stream.indirect.gather [hbm4b:s5+s18], $0x20, s30, s18, $0xb8;
	[tilespmem:$0x12E00] =	vst v63  }
0x3b: {  	_ = 	snop  }
0x3c: {  	[tilespmem:s20], [sflag:$0x1] =	stream.indirect.gather [hbm4b:s6+s18], $0x20, s30, s18, $0xb8;
	[tilespmem:$0x12E00] =	vst v63  }
0x3d: {  	_ =	swait.ge [sflag:s25], $0x1000  }
0x3e: {  	[sflag:s25] =	ssyncset.done $0x0  }
0x3f: {  	[sflag:s25] =	ssyncadd.s32 $0xFFFFF000  }
0x40: {  	_ =	swait.ge [sflag:s25], $0x1000  }
0x41: {  	[sflag:s25] =	ssyncset.done $0x0  }
0x42: {  	s30 =	simm.s32 $0x2880;
	[sflag:s25] =	ssyncadd.s32 $0xFFFFF000  }
0x43: {  	[spmem:s2] =	stream.indirect.scatter.add.f32 [tilespmem:s21], [sflag:$0x3], $0x20, s30, s18, $0xb8;
	[tilespmem:$0x12E00] =	vst v63  }
0x44: {  	_ = 	snop  }
0x45: {  	[spmem:s3] =	stream.indirect.scatter.add.f32 [tilespmem:s22], [sflag:$0x4], $0x20, s30, s18, $0xb8;
	[tilespmem:$0x12E00] =	vst v63  }
0x46: {  	_ =	swait.ge [sflag:s13], $0x1000  }
0x47: {  	[sflag:s13] =	ssyncset.done $0x0  }
0x48: {  	[sflag:s13] =	ssyncadd.s32 $0xFFFFF000  }
0x49: {  	_ =	swait.ge [sflag:s24], $0x1000  }
0x4a: {  	[sflag:s24] =	ssyncset.done $0x0  }
0x4b: {  	s31 =	simm.s32 $0x180;
	s30 =	simm.s32 $0x400;
	[sflag:s24] =	ssyncadd.s32 $0xFFFFF000  }
0x4c: {  	[tilespmem:s21], [sflag:$0x2] =	stream.indirect.gather [hbm4b:s5+s18], $0x20, s31, s18, $0xb8;
	[tilespmem:$0x12E00] =	vst v63  }
.LBB2_2:
0x4d: {  	[tilespmem:s22], [sflag:$0x2] =	stream.indirect.gather [hbm4b:s6+s18], $0x20, s31, s18, $0xb8;
	[tilespmem:$0x12E00] =	vst v63  }
0x4e: {  	s31 =	smov.u32 s30  }
0x4f: {  	p0 =	sne.s32 s30, $0x9800;
	s30 =	sadd.s32 $0x400, s30;
	_ =	swait.ge [sflag:s23], $0x1000  }
0x50: {  	[sflag:s23] =	ssyncset.done $0x0  }
0x51: {  	[sflag:s23] =	ssyncadd.s32 $0xFFFFF000  }
0x52: {  	_ =	swait.ge [sflag:s23], $0x1000  }
0x53: {  	s31 =	sshra.s32 s31, $0x2;
	[sflag:s23] =	ssyncset.done $0x0  }
0x54: {  	s0 =	sadd.s32 $0x2800, s31;
	[sflag:s23] =	ssyncadd.s32 $0xFFFFF000  }
0x55: {  	[spmem:s2] =	stream.indirect.scatter.add.f32 [tilespmem:s19], [sflag:$0x3], $0x20, s0, s18, $0xb8;
	[tilespmem:$0x12E00] =	vst v63  }
0x56: {  	_ = 	snop  }
0x57: {  	[spmem:s3] =	stream.indirect.scatter.add.f32 [tilespmem:s20], [sflag:$0x4], $0x20, s0, s18, $0xb8;
	[tilespmem:$0x12E00] =	vst v63  }
0x58: {  	_ =	swait.ge [sflag:s13], $0x1000  }
0x59: {  	[sflag:s13] =	ssyncset.done $0x0  }
0x5a: {  	[sflag:s13] =	ssyncadd.s32 $0xFFFFF000  }
0x5b: {  	_ =	swait.ge [sflag:s24], $0x1000  }
0x5c: {  	[sflag:s24] =	ssyncset.done $0x0  }
0x5d: {  	s0 =	sadd.s32 $0x100, s31;
	[sflag:s24] =	ssyncadd.s32 $0xFFFFF000  }
0x5e: {  	[tilespmem:s19], [sflag:$0x1] =	stream.indirect.gather [hbm4b:s5+s18], $0x20, s0, s18, $0xb8;
	[tilespmem:$0x12E00] =	vst v63  }
0x5f: {  	_ = 	snop  }
0x60: {  	[tilespmem:s20], [sflag:$0x1] =	stream.indirect.gather [hbm4b:s6+s18], $0x20, s0, s18, $0xb8;
	[tilespmem:$0x12E00] =	vst v63  }
0x61: {  	_ =	swait.ge [sflag:s25], $0x1000  }
0x62: {  	[sflag:s25] =	ssyncset.done $0x0  }
0x63: {  	[sflag:s25] =	ssyncadd.s32 $0xFFFFF000  }
0x64: {  	_ =	swait.ge [sflag:s25], $0x1000  }
0x65: {  	[sflag:s25] =	ssyncset.done $0x0  }
0x66: {  	s0 =	sadd.s32 $0x2880, s31;
	[sflag:s25] =	ssyncadd.s32 $0xFFFFF000  }
0x67: {  	[spmem:s2] =	stream.indirect.scatter.add.f32 [tilespmem:s21], [sflag:$0x3], $0x20, s0, s18, $0xb8;
	[tilespmem:$0x12E00] =	vst v63  }
0x68: {  	_ = 	snop  }
0x69: {  	[spmem:s3] =	stream.indirect.scatter.add.f32 [tilespmem:s22], [sflag:$0x4], $0x20, s0, s18, $0xb8;
	[tilespmem:$0x12E00] =	vst v63  }
0x6a: {  	_ =	swait.ge [sflag:s13], $0x1000  }
0x6b: {  	[sflag:s13] =	ssyncset.done $0x0  }
.Ltmp0:
0x6c: {  	[sflag:s13] =	ssyncadd.s32 $0xFFFFF000;
	(pc) =	sbr.rel @p0 .LBB2_2-.Ltmp0, $4  }
0x6d: {  	_ =	swait.ge [sflag:s24], $0x1000  }
0x6e: {  	[sflag:s24] =	ssyncset.done $0x0  }
0x6f: {  	s31 =	sadd.s32 $0x180, s31;
	[sflag:s24] =	ssyncadd.s32 $0xFFFFF000  }
0x70: {  	[tilespmem:s21], [sflag:$0x2] =	stream.indirect.gather [hbm4b:s5+s18], $0x20, s31, s18, $0xb8;
	[tilespmem:$0x12E00] =	vst v63  }
0x71: {  	[tilespmem:s22], [sflag:$0x2] =	stream.indirect.gather [hbm4b:s6+s18], $0x20, s31, s18, $0xb8;
	[tilespmem:$0x12E00] =	vst v63  }
0x72: {  	_ =	swait.ge [sflag:s23], $0x1000  }
0x73: {  	[sflag:s23] =	ssyncset.done $0x0  }
0x74: {  	[sflag:s23] =	ssyncadd.s32 $0xFFFFF000  }
0x75: {  	_ =	swait.ge [sflag:s23], $0x1000  }
0x76: {  	[sflag:s23] =	ssyncset.done $0x0  }
0x77: {  	[sflag:s23] =	ssyncadd.s32 $0xFFFFF000  }
0x78: {  	[spmem:s2] =	stream.indirect.scatter.add.f32 [tilespmem:s19], [sflag:$0x3], $0x20, s26, s18, $0xb8;
	[tilespmem:$0x12E00] =	vst v63  }
0x79: {  	_ = 	snop  }
0x7a: {  	[spmem:s3] =	stream.indirect.scatter.add.f32 [tilespmem:s20], [sflag:$0x4], $0x20, s26, s18, $0xb8;
	[tilespmem:$0x12E00] =	vst v63  }
0x7b: {  	_ =	swait.ge [sflag:s13], $0x1000  }
0x7c: {  	[sflag:s13] =	ssyncset.done $0x0  }
0x7d: {  	[sflag:s13] =	ssyncadd.s32 $0xFFFFF000  }
0x7e: {  	_ =	swait.ge [sflag:s24], $0x1000  }
0x7f: {  	[sflag:s24] =	ssyncset.done $0x0  }
0x80: {  	[sflag:s24] =	ssyncadd.s32 $0xFFFFF000  }
0x81: {  	_ =	swait.ge [sflag:s25], $0x1000  }
0x82: {  	[sflag:s25] =	ssyncset.done $0x0  }
0x83: {  	[sflag:s25] =	ssyncadd.s32 $0xFFFFF000  }
0x84: {  	_ =	swait.ge [sflag:s25], $0x1000  }
0x85: {  	[sflag:s25] =	ssyncset.done $0x0  }
0x86: {  	[sflag:s25] =	ssyncadd.s32 $0xFFFFF000  }
0x87: {  	[spmem:s2] =	stream.indirect.scatter.add.f32 [tilespmem:s21], [sflag:$0x3], $0x20, s28, s18, $0xb8;
	[tilespmem:$0x12E00] =	vst v63  }
0x88: {  	_ = 	snop  }
0x89: {  	[spmem:s3] =	stream.indirect.scatter.add.f32 [tilespmem:s22], [sflag:$0x4], $0x20, s28, s18, $0xb8;
	[tilespmem:$0x12E00] =	vst v63  }
0x8a: {  	_ =	swait.ge [sflag:s13], $0x1000  }
0x8b: {  	[sflag:s13] =	ssyncset.done $0x0  }
0x8c: {  	[sflag:s13] =	ssyncadd.s32 $0xFFFFF000  }
0x8d: {  	_ =	swait.ge [sflag:s24], $0x1000  }
0x8e: {  	[sflag:s24] =	ssyncset.done $0x0  }
0x8f: {  	[sflag:s24] =	ssyncadd.s32 $0xFFFFF000  }
0x90: {  	[bflag:$0x0] =	sbarrier.arrive $0xFFFF  }
0x91: {  	[hbm:s10], [sflag:s15] =	dma.local [spmem:s16], $0x9E0  }
0x92: {  	s29 =	sadd.s32 $0x1, s29;
	_ =	swait.ge [sflag:s13], $0x9E0  }
0x93: {  	p0 =	sne.s32 s29, s12;
	[sflag:s13] =	ssyncset.done $0x0  }
.Ltmp1:
0x94: {  	[sflag:s13] =	ssyncadd.s32 $0xFFFFF620;
	(pc) =	sbr.rel @p0 .LBB2_1-.Ltmp1, $4  }
0x95: {  	[hbm:s11], [sflag:s15] =	dma.local [spmem:s17], $0x9E0  }
0x96: {  	_ =	swait.ge [sflag:s13], $0x9E0  }
0x97: {  	[sflag:s13] =	ssyncset.done $0x0  }
0x98: {  	[sflag:s13] =	ssyncadd.s32 $0xFFFFF620  }
0x99: {  	_ =	sfence.sel $0x180000  }
0x9a: {  	[bflag:$0x0] =	sbarrier.arrive $0xFFFF  }
0x9b: {  	_ =	strace $0x90000050  }
0x9c: {  	[bflag:$0x2] =	sbarrier.arrive $0xFFFF  }
0x9d: {  	p0 =	sne.s32 s1, $0x0;
	s0 =	rddreg [dreg:$0x3]  }
0x9e: {  	s0 =	sadd.s32 @!p0 $0x100000, s0  }
0x9f: {  	[sflag:s0] =	ssyncadd.tile.s32 @!p0 $0x1;
	_ =	shalt  }
.Lfunc_end2:
_tile_overlayer_lowered:
.L_overlay_start_2:
0xa0: {  	(tag) =	ssettag $0x2  }
0xa1: {  	s0 =	rddreg [dreg:$0x0];
	s2 =	stileid.u32  }
0xa2: {  	s1 =	rddreg [dreg:$0x1];
	p0 =	sne.s32 s2, $0x0  }
0xa3: {  	s3 =	rddreg [dreg:$0x2];
	[bflag:$0x3] =	sbarrier.arrive $0xFFFF;
	s2 =	simm.s32 @!p0 $0x1C04  }
0xa4: {  	[timem:s3], [sflag:s2] =	dma.local @!p0 [hbm:s0], s1  }
0xa5: {  	s0 =	simm.s32 @!p0 $0x4  }
0xa6: {  	_ =	swait.ge @!p0 [sflag:s0], s1  }
0xa7: {  	s1 =	ssub.s32 @!p0 $0x0, s1;
	[sflag:s0] =	ssyncset.done @!p0 $0x0  }
0xa8: {  	[sflag:s0] =	ssyncadd.s32 @!p0 s1  }
0xa9: {  	[bflag:$0x3] =	sbarrier.arrive $0xFFFF  }
0xaa: {  	_ =	shalt  }

// kernel: kernel.24.cloned.1.call-start
scs
__scs_entry_jumppad:
0x0: {  	(pc) =	sbr.rel $0x88, $3  }
0x1: {  	(tag) =	ssettag $0x0;
	lr =	simm.s32 $0x1  }
0x2: {  	[smem:$0x3F8A] =	sst lr;
	_ =	strace $0xD0000000  }
0x3: {  	_ = 	snop  }
0x4: {  	_ = 	snop  }
0x5: {  	_ = 	snop  }
0x6: {  	_ = 	snop  }
0x7: {  	_ = 	snop  }
__scs_overlays_trampoline_lowered:
0x8: {  	[smem:$0x3F99] =	sst s0  }
0x9: {  	[smem:$0x3F9A] =	sst s1  }
0xa: {  	[smem:$0x3F9B] =	sst s2  }
0xb: {  	[smem:$0x3F9C] =	sst s3  }
0xc: {  	[smem:$0x3F9D] =	sst s4  }
0xd: {  	[smem:$0x3F9E] =	sst s5  }
0xe: {  	[smem:$0x3F9F] =	sst s6  }
0xf: {  	[smem:$0x3FA0] =	sst s7  }
0x10: {  	[smem:$0x3FA1] =	sst s8  }
0x11: {  	[smem:$0x3FA2] =	sst s9;
	s0 =	simm.s32 @!p0 $0x0  }
0x12: {  	s1 =	sld [smem:$0x3F88];
	s0 =	simm.s32 @p0 $0x1  }
0x13: {  	[smem:$0x3FA3] =	sst s0;
	s0 =	simm.s32 @!p1 $0x0  }
0x14: {  	s2 =	sld [smem:$0x3F87];
	s0 =	simm.s32 @p1 $0x1  }
0x15: {  	[smem:$0x3FA4] =	sst s0;
	s0 =	simm.s32 @!p2 $0x0  }
0x16: {  	s3 =	sld [smem:$0x3FDB];
	s0 =	simm.s32 @p2 $0x1  }
0x17: {  	s4 =	simm.s32 $0x1BF5;
	[smem:$0x3FA6] =	sst s0  }
0x18: {  	s0 =	sld [smem:$0x3F89];
	_ =	swait.ge [sflag:s4], $0x0  }
0x19: {  	s7 =	sld [smem:$0x3F8A]  }
0x1a: {  	s8 =	sadd.s32 $0xFFFFE003, lr  }
0x1b: {  	s9 =	sadd.s32 $0xFFFFFEF7, lr;
	s5 =	simm.s32 $0xFFFFFFFF;
	p2 =	slt.u32 s8, $0xFFFFF086  }
0x1c: {  	p1 =	slt.u32 s9, $0xF7A;
	s5 =	simm.s32 @!p2 $0x0  }
0x1d: {  	s5 =	simm.s32 @p1 $0x1;
	p0 =	seq.s32 s7, s2  }
0x1e: {  	s7 =	smul.u32 @!p0 $0xF7A, s2;
	p2 =	seq.s32 @!p0 s5, $0x0  }
0x1f: {  	s9 =	smul.u32 $0xF7A, s1;
	s8 =	simm.s32 @!p0 $0x1BF5;
	p2 =	por !p2, p0  }
0x20: {  	[sflag:s8] =	ssyncset.s32 @!p0 $0xFFFFF086;
	s6 =	sadd.s32 @!p0 s3, s7;
	s7 =	simm.s32 @!p0 $0x108  }
0x21: {  	s3 =	sadd.s32 s3, s9;
	s6 =	sadd.s32 @!p0 $0x88, s6;
	s7 =	simm.s32 @p2 $0x1082  }
0x22: {  	[simem:s7], [sflag:s8] =	dma.local @!p0 [hbm:s6], $0xF7A  }
0x23: {  	s9 =	sor.u32 $0xD0000000, s2;
	s6 =	simm.s32 $0x108;
	_ =	swait.ge @!p0 [sflag:s8], $0x0  }
0x24: {  	s3 =	sadd.s32 $0x88, s3;
	s6 =	simm.s32 @!p1 $0x1082;
	[sflag:s4] =	ssyncset.s32 $0xFFFFF086  }
0x25: {  	[simem:s6], [sflag:s4] =	dma.local [hbm:s3], $0xF7A  }
0x26: {  	[smem:$0x3F8A] =	sst s1;
	(tag) =	ssettag s2;
	_ =	strace s9  }
0x27: {  	s1 =	sld [smem:$0x3F9A]  }
0x28: {  	s2 =	sld [smem:$0x3F9B]  }
0x29: {  	s4 =	sld [smem:$0x3F9D]  }
0x2a: {  	p0 =	seq.s32 s5, $0x0;
	s5 =	sld [smem:$0x3F9E]  }
0x2b: {  	s6 =	sld [smem:$0x3F9F]  }
0x2c: {  	s7 =	sld [smem:$0x3FA0]  }
0x2d: {  	s3 =	simm.s32 $0x108;
	s8 =	sld [smem:$0x3FA1]  }
0x2e: {  	s3 =	simm.s32 @!p0 $0x1082;
	s9 =	sld [smem:$0x3FA2]  }
0x2f: {  	lr =	sadd.s32 s0, s3;
	s0 =	sld [smem:$0x3F99]  }
0x30: {  	s3 =	sld [smem:$0x3F9C]  }
0x31: {  	[smem:$0x3FA5] =	sst s10  }
0x32: {  	s10 =	sld [smem:$0x3FA3];
	_ =	sdelay $0x3  }
0x33: {  	p0 =	seq.s32 s10, $0x1;
	s10 =	sld [smem:$0x3FA5];
	_ =	sdelay $0x3  }
0x34: {  	[smem:$0x3FA5] =	sst s10  }
0x35: {  	s10 =	sld [smem:$0x3FA4];
	_ =	sdelay $0x3  }
0x36: {  	p1 =	seq.s32 s10, $0x1;
	s10 =	sld [smem:$0x3FA5];
	_ =	sdelay $0x3  }
0x37: {  	[smem:$0x3FA5] =	sst s10  }
0x38: {  	s10 =	sld [smem:$0x3FA6]  }
0x39: {  	_ = 	snop;
	(pc) =	sbr.ind lr, $3  }
0x3a: {  	_ = 	snop  }
0x3b: {  	_ = 	snop  }
0x3c: {  	p2 =	seq.s32 s10, $0x1;
	s10 =	sld [smem:$0x3FA5]  }
0x3d: {  	_ =	shalt  }
0x3e: {  	_ =	shalt  }
0x3f: {  	_ =	shalt  }
0x40: {  	_ =	shalt  }
0x41: {  	_ =	shalt  }
0x42: {  	_ =	shalt  }
0x43: {  	_ =	shalt  }
0x44: {  	_ =	shalt  }
0x45: {  	_ =	shalt  }
0x46: {  	_ =	shalt  }
0x47: {  	_ =	shalt  }
0x48: {  	_ =	shalt  }
0x49: {  	_ =	shalt  }
0x4a: {  	_ =	shalt  }
0x4b: {  	_ =	shalt  }
0x4c: {  	_ =	shalt  }
0x4d: {  	_ =	shalt  }
0x4e: {  	_ =	shalt  }
0x4f: {  	_ =	shalt  }
0x50: {  	_ =	shalt  }
0x51: {  	_ =	shalt  }
0x52: {  	_ =	shalt  }
0x53: {  	_ =	shalt  }
0x54: {  	_ =	shalt  }
0x55: {  	_ =	shalt  }
0x56: {  	_ =	shalt  }
0x57: {  	_ =	shalt  }
0x58: {  	_ =	shalt  }
0x59: {  	_ =	shalt  }
0x5a: {  	_ =	shalt  }
0x5b: {  	_ =	shalt  }
0x5c: {  	_ =	shalt  }
0x5d: {  	_ =	shalt  }
0x5e: {  	_ =	shalt  }
0x5f: {  	_ =	shalt  }
0x60: {  	_ =	shalt  }
0x61: {  	_ =	shalt  }
0x62: {  	_ =	shalt  }
0x63: {  	_ =	shalt  }
0x64: {  	_ =	shalt  }
0x65: {  	_ =	shalt  }
0x66: {  	_ =	shalt  }
0x67: {  	_ =	shalt  }
0x68: {  	_ =	shalt  }
0x69: {  	_ =	shalt  }
0x6a: {  	_ =	shalt  }
0x6b: {  	_ =	shalt  }
0x6c: {  	_ =	shalt  }
0x6d: {  	_ =	shalt  }
0x6e: {  	_ =	shalt  }
0x6f: {  	_ =	shalt  }
0x70: {  	_ =	shalt  }
0x71: {  	_ =	shalt  }
0x72: {  	_ =	shalt  }
0x73: {  	_ =	shalt  }
0x74: {  	_ =	shalt  }
0x75: {  	_ =	shalt  }
0x76: {  	_ =	shalt  }
0x77: {  	_ =	shalt  }
0x78: {  	_ =	shalt  }
0x79: {  	_ =	shalt  }
0x7a: {  	_ =	shalt  }
0x7b: {  	_ =	shalt  }
0x7c: {  	_ =	shalt  }
0x7d: {  	_ =	shalt  }
0x7e: {  	_ =	shalt  }
0x7f: {  	_ =	shalt  }
0x80: {  	_ =	shalt  }
0x81: {  	_ =	shalt  }
0x82: {  	_ =	shalt  }
0x83: {  	_ =	shalt  }
0x84: {  	_ =	shalt  }
0x85: {  	_ =	shalt  }
0x86: {  	_ =	shalt  }
0x87: {  	_ =	shalt  }
.Lfunc_end0:
.L_simem_size_0:
called_computation.4_lowered:
.L_overlay_start_0:
0x88: {  	s2 =	sld [smem:$0x3FD9]  }
0x89: {  	s3 =	sld [smem:$0x3FFE];
	_ =	sdelay $0x1  }
0x8a: {  	s1 =	srdreg.scid  }
0x8b: {  	s0 =	sand.u32 $0x1, s1  }
0x8c: {  	s16 =	sshll.u32 s0, $0xA;
	s2 =	sadd.s32 s3, s2  }
0x8d: {  	s2 =	sadd.s32 s2, s16  }
0x8e: {  	[smem:$0x3FB1] =	sst s2  }
0x8f: {  	_ = 	snop  }
0x90: {  	(tm) =	ssettm $0x1  }
0x91: {  	s17 =	sld [smem:$0x3FFB];
	_ =	sdelay $0x3  }
0x92: {  	_ =	strace s17  }
0x93: {  	s2 =	sld [smem:$0x3FFC];
	_ =	sdelay $0x3  }
0x94: {  	_ =	strace s2  }
0x95: {  	s2 =	sld [smem:$0x3FFD];
	_ =	sdelay $0x3  }
0x96: {  	_ =	strace s2  }
0x97: {  	_ =	strace $0x8FFFFFFF  }
0x98: {  	s18 =	sld [smem:$0x3FDB];
	_ =	sdelay $0x1  }
0x99: {  	s19 =	simm.s32 $_scs_section_size  }
0x9a: {  	s4 =	simm.s32 $_size__tile_overlayer_lowered;
	s5 =	simm.s32 $_tile_overlayer_lowered  }
0x9b: {  	s22 =	simm.s32 $0x1BFF;
	s21 =	sshll.u32 s5, $0x1;
	s2 =	sadd.s32 s19, s18  }
0x9c: {  	s6 =	simm.s32 $0x0;
	s20 =	sshll.u32 s4, $0x1;
	s4 =	sadd.s32 s21, s2  }
0x9d: {  	[timem:s6], [sflag:s22] =	dma.local [hbm:s4], s20  }
0x9e: {  	_ =	swait.ge [sflag:s22], s20  }
0x9f: {  	s3 =	ssub.s32 $0x0, s20;
	[sflag:s22] =	ssyncset.done $0x0  }
0xa0: {  	[sflag:s22] =	ssyncadd.s32 s3;
	_ =	sdelay $0x1  }
0xa1: {  	s23 =	simm.s32 $0x1B8B  }
0xa2: {  	_ =	swait.ge [sflag:s23], $0x1  }
0xa3: {  	[sflag:s23] =	ssyncset.done $0x0  }
0xa4: {  	s25 =	simm.s32 $0x1B8E;
	s24 =	sld [smem:$0x3FFE];
	[sflag:s23] =	ssyncadd.s32 $0xFFFFFFFF  }
0xa5: {  	s26 =	simm.s32 $execute0_lowered;
	[smem:$0x3FD2] =	sst s25  }
0xa6: {  	s4 =	sshll.u32 s26, $0x1;
	_ =	strace $0x80000052;
	[dreg:$0x1] =	wrdreg $0xFFFFFFFF  }
0xa7: {  	s28 =	simm.s32 $_size_execute0_lowered;
	s2 =	sadd.s32 s2, s4;
	[dreg:$0x0] =	wrdreg $0x0  }
0xa8: {  	s4 =	sshll.u32 s28, $0x1;
	[dreg:$0x2] =	wrdreg s2  }
0xa9: {  	[dreg:$0x3] =	wrdreg s4  }
0xaa: {  	[dreg:$0x4] =	wrdreg $0xC0  }
0xab: {  	_ =	task [dreg:s6], $0x5FFFF  }
0xac: {  	[dreg:$0x1] =	wrdreg $0xFFFFFFFF  }
0xad: {  	[dreg:$0x0] =	wrdreg $0x60  }
0xae: {  	[dreg:$0x2] =	wrdreg s24  }
0xaf: {  	[dreg:$0x3] =	wrdreg $0x90000  }
0xb0: {  	[dreg:$0x4] =	wrdreg $0xDF000  }
0xb1: {  	[dreg:$0x5] =	wrdreg $0x9  }
0xb2: {  	_ =	task.clear_ibuf [dreg:s6], $0x6FFFF;
	_ =	strace $0x90000052  }
0xb3: {  	s29 =	simm.s32 $0x9;
	_ =	strace $0x80000054  }
0xb4: {  	_ =	swait.ge [sflag:s29], $0x1  }
0xb5: {  	[sflag:s29] =	ssyncadd.s32 $0xFFFFFFFF  }
0xb6: {  	_ =	strace $0x90000054  }
0xb7: {  	_ =	sfence  }
0xb8: {  	s30 =	sld [smem:$0x0];
	_ =	sdelay $0x2  }
0xb9: {  	s31 =	sshll.u32 s1, $0xD;
	s1 =	sshrl.u32 s1, $0x2  }
0xba: {  	s3 =	sand.u32 $0x4000, s31;
	s1 =	sadd.s32 s1, s30  }
0xbb: {  	s0 =	sor.u32 s3, s0;
	s1 =	sshll.u32 s1, $0x11  }
0xbc: {  	s0 =	sor.u32 s1, s0  }
0xbd: {  	s0 =	sadd.s32 $0x8F2B, s0  }
0xbe: {  	[sflag:s0] =	ssyncadd.remote.s32 $0x1  }
0xbf: {  	_ =	sfence.sel $0xFFFF  }
0xc0: {  	[dreg:$0x0] =	wrdreg $0xFFFFFFFF;
	(pc) =	sbr.abs _section_cstart, $3  }
0xc1: {  	[dreg:$0x1] =	wrdreg $0xFFFFFFFF  }
0xc2: {  	_ =	task.clear_ibuf [dreg:s6], $0x2FFFF;
	_ =	strace $0x9FFFFFFF  }
0xc3: {  	(tm) =	ssettm $0x7FFFFFFF  }
tec
execute0_lowered:
.L_overlay_start_1:
0x0: {  	(tag) =	ssettag $0x1  }
0x1: {  	s8 =	rddreg [dreg:$0x0]  }
0x2: {  	s2 =	rddreg [dreg:$0x1]  }
0x3: {  	s3 =	rddreg [dreg:$0x2]  }
0x4: {  	s4 =	srdreg.scid;
	s1 =	stileid.u32;
	s18 =	simm.s32 $0x80  }
0x5: {  	s19 =	simm.s32 $0x5000;
	s20 =	simm.s32 $0x6000;
	s21 =	simm.s32 $0x7000  }
0x6: {  	s22 =	simm.s32 $0x8000;
	s23 =	simm.s32 $0x1;
	s24 =	simm.s32 $0x3  }
0x7: {  	s25 =	simm.s32 $0x2;
	s26 =	simm.s32 $0x4F00;
	s28 =	simm.s32 $0x4F80  }
0x8: {  	s29 =	simm.s32 $0x0;
	s7 =	sand.u32 $0x1, s4;
	s4 =	simm.s32 $0x0  }
0x9: {  	s10 =	smul.u32 $0x4F00, s1;
	s15 =	sshll.u32 s1, $0x6;
	s5 =	sshll.u32 s7, $0x4  }
0xa: {  	[smem:$0x7FF] =	sst s4;
	s9 =	smul.u32 $0x4F000, s7;
	s12 =	ssub.s32 $0x2, s7  }
0xb: {  	s7 =	sadd.s32 $0x17A00, s8;
	s15 =	sor.u32 $0x1C04, s15;
	s6 =	sor.u32 s1, s5  }
0xc: {  	_ =	strace $0x80000053;
	s5 =	sadd.s32 $0xE7000, s8;
	s13 =	sshrl.u32 s12, $0x1  }
0xd: {  	s16 =	sadd.s32 s10, s2;
	s17 =	sadd.s32 s10, s3;
	s11 =	smul.u32 $0x500, s6  }
0xe: {  	s6 =	sadd.s32 $0xDC00, s8;
	s9 =	sadd.s32 s10, s9;
	s12 =	ssub.s32 s12, s13  }
0xf: {  	s13 =	simm.s32 $0x4;
	s16 =	sshrl.u32 s16, $0x3;
	s17 =	sshrl.u32 s17, $0x3  }
0x10: {  	s9 =	sshrl.u32 s9, $0x3;
	s12 =	smax.u32 s12, $0x1;
	s11 =	sadd.s32 s11, s8  }
0x11: {  	s14 =	sadd.s32 s9, s8;
	s8 =	sadd.s32 $0x18A00, s11;
	s9 =	sadd.s32 $0x3C00, s11  }
0x12: {  	s10 =	sadd.s32 $0x104A00, s14;
	s11 =	sadd.s32 $0xF0E00, s14;
	s14 =	simm.s32 $0x2800  }
.LBB2_1:
0x13: {  	[tilespmem:s4], [sflag:$0x4] =	stream.linear.gather [hbm4b:s8+s4], $0x2800, $0x38;
	[tilespmem:$0x12E00] =	vst v63  }
0x14: {  	_ =	swait.ge [sflag:s13], $0x2800  }
0x15: {  	[sflag:s13] =	ssyncset.done $0x0  }
0x16: {  	[sflag:s13] =	ssyncadd.s32 $0xFFFFD800  }
0x17: {  	[tilespmem:s14], [sflag:$0x4] =	stream.linear.gather [hbm4b:s9+s4], $0x2800, $0x38;
	[tilespmem:$0x12E00] =	vst v63  }
0x18: {  	_ =	swait.ge [sflag:s13], $0x2800  }
0x19: {  	[sflag:s13] =	ssyncset.done $0x0  }
0x1a: {  	[sflag:s13] =	ssyncadd.s32 $0xFFFFD800  }
0x1b: {  	[spmem:s16], [sflag:s15] =	dma.local [hbm:s7], $0x9E0  }
0x1c: {  	_ =	swait.ge [sflag:s13], $0x9E0  }
0x1d: {  	[sflag:s13] =	ssyncset.done $0x0  }
0x1e: {  	[sflag:s13] =	ssyncadd.s32 $0xFFFFF620  }
0x1f: {  	[spmem:s17], [sflag:s15] =	dma.local [hbm:s7], $0x9E0  }
0x20: {  	_ =	swait.ge [sflag:s13], $0x9E0  }
0x21: {  	[sflag:s13] =	ssyncset.done $0x0  }
0x22: {  	[sflag:s13] =	ssyncadd.s32 $0xFFFFF620  }
0x23: {  	[bflag:$0x0] =	sbarrier.arrive $0xFFFF  }
0x24: {  	[tilespmem:s19], [sflag:$0x1] =	stream.indirect.gather [hbm4b:s5+s18], $0x20, s4, s18, $0xb8;
	[tilespmem:$0x12E00] =	vst v63  }
0x25: {  	_ = 	snop  }
0x26: {  	[tilespmem:s20], [sflag:$0x1] =	stream.indirect.gather [hbm4b:s6+s18], $0x20, s4, s18, $0xb8;
	[tilespmem:$0x12E00] =	vst v63  }
0x27: {  	_ = 	snop  }
0x28: {  	[tilespmem:s21], [sflag:$0x2] =	stream.indirect.gather [hbm4b:s5+s18], $0x20, s18, s18, $0xb8;
	[tilespmem:$0x12E00] =	vst v63  }
0x29: {  	_ = 	snop  }
0x2a: {  	[tilespmem:s22], [sflag:$0x2] =	stream.indirect.gather [hbm4b:s6+s18], $0x20, s18, s18, $0xb8;
	[tilespmem:$0x12E00] =	vst v63  }
0x2b: {  	_ =	swait.ge [sflag:s23], $0x1000  }
0x2c: {  	[sflag:s23] =	ssyncset.done $0x0  }
0x2d: {  	[sflag:s23] =	ssyncadd.s32 $0xFFFFF000  }
0x2e: {  	_ =	swait.ge [sflag:s23], $0x1000  }
0x2f: {  	[sflag:s23] =	ssyncset.done $0x0  }
0x30: {  	s30 =	simm.s32 $0x2800;
	[sflag:s23] =	ssyncadd.s32 $0xFFFFF000  }
0x31: {  	[spmem:s2] =	stream.indirect.scatter.add.f32 [tilespmem:s19], [sflag:$0x3], $0x20, s30, s18, $0xb8;
	[tilespmem:$0x12E00] =	vst v63  }
0x32: {  	_ = 	snop  }
0x33: {  	[spmem:s3] =	stream.indirect.scatter.add.f32 [tilespmem:s20], [sflag:$0x4], $0x20, s30, s18, $0xb8;
	[tilespmem:$0x12E00] =	vst v63  }
0x34: {  	_ =	swait.ge [sflag:s13], $0x1000  }
0x35: {  	[sflag:s13] =	ssyncset.done $0x0  }
0x36: {  	[sflag:s13] =	ssyncadd.s32 $0xFFFFF000  }
0x37: {  	_ =	swait.ge [sflag:s24], $0x1000  }
0x38: {  	[sflag:s24] =	ssyncset.done $0x0  }
0x39: {  	s30 =	simm.s32 $0x100;
	[sflag:s24] =	ssyncadd.s32 $0xFFFFF000  }
0x3a: {  	[tilespmem:s19], [sflag:$0x1] =	stream.indirect.gather [hbm4b:s5+s18], $0x20, s30, s18, $0xb8;
	[tilespmem:$0x12E00] =	vst v63  }
0x3b: {  	_ = 	snop  }
0x3c: {  	[tilespmem:s20], [sflag:$0x1] =	stream.indirect.gather [hbm4b:s6+s18], $0x20, s30, s18, $0xb8;
	[tilespmem:$0x12E00] =	vst v63  }
0x3d: {  	_ =	swait.ge [sflag:s25], $0x1000  }
0x3e: {  	[sflag:s25] =	ssyncset.done $0x0  }
0x3f: {  	[sflag:s25] =	ssyncadd.s32 $0xFFFFF000  }
0x40: {  	_ =	swait.ge [sflag:s25], $0x1000  }
0x41: {  	[sflag:s25] =	ssyncset.done $0x0  }
0x42: {  	s30 =	simm.s32 $0x2880;
	[sflag:s25] =	ssyncadd.s32 $0xFFFFF000  }
0x43: {  	[spmem:s2] =	stream.indirect.scatter.add.f32 [tilespmem:s21], [sflag:$0x3], $0x20, s30, s18, $0xb8;
	[tilespmem:$0x12E00] =	vst v63  }
0x44: {  	_ = 	snop  }
0x45: {  	[spmem:s3] =	stream.indirect.scatter.add.f32 [tilespmem:s22], [sflag:$0x4], $0x20, s30, s18, $0xb8;
	[tilespmem:$0x12E00] =	vst v63  }
0x46: {  	_ =	swait.ge [sflag:s13], $0x1000  }
0x47: {  	[sflag:s13] =	ssyncset.done $0x0  }
0x48: {  	[sflag:s13] =	ssyncadd.s32 $0xFFFFF000  }
0x49: {  	_ =	swait.ge [sflag:s24], $0x1000  }
0x4a: {  	[sflag:s24] =	ssyncset.done $0x0  }
0x4b: {  	s31 =	simm.s32 $0x180;
	s30 =	simm.s32 $0x400;
	[sflag:s24] =	ssyncadd.s32 $0xFFFFF000  }
0x4c: {  	[tilespmem:s21], [sflag:$0x2] =	stream.indirect.gather [hbm4b:s5+s18], $0x20, s31, s18, $0xb8;
	[tilespmem:$0x12E00] =	vst v63  }
.LBB2_2:
0x4d: {  	[tilespmem:s22], [sflag:$0x2] =	stream.indirect.gather [hbm4b:s6+s18], $0x20, s31, s18, $0xb8;
	[tilespmem:$0x12E00] =	vst v63  }
0x4e: {  	s31 =	smov.u32 s30  }
0x4f: {  	p0 =	sne.s32 s30, $0x9800;
	s30 =	sadd.s32 $0x400, s30;
	_ =	swait.ge [sflag:s23], $0x1000  }
0x50: {  	[sflag:s23] =	ssyncset.done $0x0  }
0x51: {  	[sflag:s23] =	ssyncadd.s32 $0xFFFFF000  }
0x52: {  	_ =	swait.ge [sflag:s23], $0x1000  }
0x53: {  	s31 =	sshra.s32 s31, $0x2;
	[sflag:s23] =	ssyncset.done $0x0  }
0x54: {  	s0 =	sadd.s32 $0x2800, s31;
	[sflag:s23] =	ssyncadd.s32 $0xFFFFF000  }
0x55: {  	[spmem:s2] =	stream.indirect.scatter.add.f32 [tilespmem:s19], [sflag:$0x3], $0x20, s0, s18, $0xb8;
	[tilespmem:$0x12E00] =	vst v63  }
0x56: {  	_ = 	snop  }
0x57: {  	[spmem:s3] =	stream.indirect.scatter.add.f32 [tilespmem:s20], [sflag:$0x4], $0x20, s0, s18, $0xb8;
	[tilespmem:$0x12E00] =	vst v63  }
0x58: {  	_ =	swait.ge [sflag:s13], $0x1000  }
0x59: {  	[sflag:s13] =	ssyncset.done $0x0  }
0x5a: {  	[sflag:s13] =	ssyncadd.s32 $0xFFFFF000  }
0x5b: {  	_ =	swait.ge [sflag:s24], $0x1000  }
0x5c: {  	[sflag:s24] =	ssyncset.done $0x0  }
0x5d: {  	s0 =	sadd.s32 $0x100, s31;
	[sflag:s24] =	ssyncadd.s32 $0xFFFFF000  }
0x5e: {  	[tilespmem:s19], [sflag:$0x1] =	stream.indirect.gather [hbm4b:s5+s18], $0x20, s0, s18, $0xb8;
	[tilespmem:$0x12E00] =	vst v63  }
0x5f: {  	_ = 	snop  }
0x60: {  	[tilespmem:s20], [sflag:$0x1] =	stream.indirect.gather [hbm4b:s6+s18], $0x20, s0, s18, $0xb8;
	[tilespmem:$0x12E00] =	vst v63  }
0x61: {  	_ =	swait.ge [sflag:s25], $0x1000  }
0x62: {  	[sflag:s25] =	ssyncset.done $0x0  }
0x63: {  	[sflag:s25] =	ssyncadd.s32 $0xFFFFF000  }
0x64: {  	_ =	swait.ge [sflag:s25], $0x1000  }
0x65: {  	[sflag:s25] =	ssyncset.done $0x0  }
0x66: {  	s0 =	sadd.s32 $0x2880, s31;
	[sflag:s25] =	ssyncadd.s32 $0xFFFFF000  }
0x67: {  	[spmem:s2] =	stream.indirect.scatter.add.f32 [tilespmem:s21], [sflag:$0x3], $0x20, s0, s18, $0xb8;
	[tilespmem:$0x12E00] =	vst v63  }
0x68: {  	_ = 	snop  }
0x69: {  	[spmem:s3] =	stream.indirect.scatter.add.f32 [tilespmem:s22], [sflag:$0x4], $0x20, s0, s18, $0xb8;
	[tilespmem:$0x12E00] =	vst v63  }
0x6a: {  	_ =	swait.ge [sflag:s13], $0x1000  }
0x6b: {  	[sflag:s13] =	ssyncset.done $0x0  }
.Ltmp0:
0x6c: {  	[sflag:s13] =	ssyncadd.s32 $0xFFFFF000;
	(pc) =	sbr.rel @p0 .LBB2_2-.Ltmp0, $4  }
0x6d: {  	_ =	swait.ge [sflag:s24], $0x1000  }
0x6e: {  	[sflag:s24] =	ssyncset.done $0x0  }
0x6f: {  	s31 =	sadd.s32 $0x180, s31;
	[sflag:s24] =	ssyncadd.s32 $0xFFFFF000  }
0x70: {  	[tilespmem:s21], [sflag:$0x2] =	stream.indirect.gather [hbm4b:s5+s18], $0x20, s31, s18, $0xb8;
	[tilespmem:$0x12E00] =	vst v63  }
0x71: {  	[tilespmem:s22], [sflag:$0x2] =	stream.indirect.gather [hbm4b:s6+s18], $0x20, s31, s18, $0xb8;
	[tilespmem:$0x12E00] =	vst v63  }
0x72: {  	_ =	swait.ge [sflag:s23], $0x1000  }
0x73: {  	[sflag:s23] =	ssyncset.done $0x0  }
0x74: {  	[sflag:s23] =	ssyncadd.s32 $0xFFFFF000  }
0x75: {  	_ =	swait.ge [sflag:s23], $0x1000  }
0x76: {  	[sflag:s23] =	ssyncset.done $0x0  }
0x77: {  	[sflag:s23] =	ssyncadd.s32 $0xFFFFF000  }
0x78: {  	[spmem:s2] =	stream.indirect.scatter.add.f32 [tilespmem:s19], [sflag:$0x3], $0x20, s26, s18, $0xb8;
	[tilespmem:$0x12E00] =	vst v63  }
0x79: {  	_ = 	snop  }
0x7a: {  	[spmem:s3] =	stream.indirect.scatter.add.f32 [tilespmem:s20], [sflag:$0x4], $0x20, s26, s18, $0xb8;
	[tilespmem:$0x12E00] =	vst v63  }
0x7b: {  	_ =	swait.ge [sflag:s13], $0x1000  }
0x7c: {  	[sflag:s13] =	ssyncset.done $0x0  }
0x7d: {  	[sflag:s13] =	ssyncadd.s32 $0xFFFFF000  }
0x7e: {  	_ =	swait.ge [sflag:s24], $0x1000  }
0x7f: {  	[sflag:s24] =	ssyncset.done $0x0  }
0x80: {  	[sflag:s24] =	ssyncadd.s32 $0xFFFFF000  }
0x81: {  	_ =	swait.ge [sflag:s25], $0x1000  }
0x82: {  	[sflag:s25] =	ssyncset.done $0x0  }
0x83: {  	[sflag:s25] =	ssyncadd.s32 $0xFFFFF000  }
0x84: {  	_ =	swait.ge [sflag:s25], $0x1000  }
0x85: {  	[sflag:s25] =	ssyncset.done $0x0  }
0x86: {  	[sflag:s25] =	ssyncadd.s32 $0xFFFFF000  }
0x87: {  	[spmem:s2] =	stream.indirect.scatter.add.f32 [tilespmem:s21], [sflag:$0x3], $0x20, s28, s18, $0xb8;
	[tilespmem:$0x12E00] =	vst v63  }
0x88: {  	_ = 	snop  }
0x89: {  	[spmem:s3] =	stream.indirect.scatter.add.f32 [tilespmem:s22], [sflag:$0x4], $0x20, s28, s18, $0xb8;
	[tilespmem:$0x12E00] =	vst v63  }
0x8a: {  	_ =	swait.ge [sflag:s13], $0x1000  }
0x8b: {  	[sflag:s13] =	ssyncset.done $0x0  }
0x8c: {  	[sflag:s13] =	ssyncadd.s32 $0xFFFFF000  }
0x8d: {  	_ =	swait.ge [sflag:s24], $0x1000  }
0x8e: {  	[sflag:s24] =	ssyncset.done $0x0  }
0x8f: {  	[sflag:s24] =	ssyncadd.s32 $0xFFFFF000  }
0x90: {  	[bflag:$0x0] =	sbarrier.arrive $0xFFFF  }
0x91: {  	[hbm:s10], [sflag:s15] =	dma.local [spmem:s16], $0x9E0  }
0x92: {  	s29 =	sadd.s32 $0x1, s29;
	_ =	swait.ge [sflag:s13], $0x9E0  }
0x93: {  	p0 =	sne.s32 s29, s12;
	[sflag:s13] =	ssyncset.done $0x0  }
.Ltmp1:
0x94: {  	[sflag:s13] =	ssyncadd.s32 $0xFFFFF620;
	(pc) =	sbr.rel @p0 .LBB2_1-.Ltmp1, $4  }
0x95: {  	[hbm:s11], [sflag:s15] =	dma.local [spmem:s17], $0x9E0  }
0x96: {  	_ =	swait.ge [sflag:s13], $0x9E0  }
0x97: {  	[sflag:s13] =	ssyncset.done $0x0  }
0x98: {  	[sflag:s13] =	ssyncadd.s32 $0xFFFFF620  }
0x99: {  	_ =	sfence.sel $0x180000  }
0x9a: {  	[bflag:$0x0] =	sbarrier.arrive $0xFFFF  }
0x9b: {  	_ =	strace $0x90000053  }
0x9c: {  	[bflag:$0x2] =	sbarrier.arrive $0xFFFF  }
0x9d: {  	p0 =	sne.s32 s1, $0x0;
	s0 =	rddreg [dreg:$0x3]  }
0x9e: {  	s0 =	sadd.s32 @!p0 $0x100000, s0  }
0x9f: {  	[sflag:s0] =	ssyncadd.tile.s32 @!p0 $0x1;
	_ =	shalt  }
.Lfunc_end2:
_tile_overlayer_lowered:
.L_overlay_start_2:
0xa0: {  	(tag) =	ssettag $0x2  }
0xa1: {  	s0 =	rddreg [dreg:$0x0];
	s2 =	stileid.u32  }
0xa2: {  	s1 =	rddreg [dreg:$0x1];
	p0 =	sne.s32 s2, $0x0  }
0xa3: {  	s3 =	rddreg [dreg:$0x2];
	[bflag:$0x3] =	sbarrier.arrive $0xFFFF;
	s2 =	simm.s32 @!p0 $0x1C04  }
0xa4: {  	[timem:s3], [sflag:s2] =	dma.local @!p0 [hbm:s0], s1  }
0xa5: {  	s0 =	simm.s32 @!p0 $0x4  }
0xa6: {  	_ =	swait.ge @!p0 [sflag:s0], s1  }
0xa7: {  	s1 =	ssub.s32 @!p0 $0x0, s1;
	[sflag:s0] =	ssyncset.done @!p0 $0x0  }
0xa8: {  	[sflag:s0] =	ssyncadd.s32 @!p0 s1  }
0xa9: {  	[bflag:$0x3] =	sbarrier.arrive $0xFFFF  }
0xaa: {  	_ =	shalt  }

</sc_bundles>
